<compile_context>
chip_gen: v7x
topology: tpu7x:2x2x1
jax: 0.10.2.dev20260603
libtpu: 0.0.44.dev20260713+nightly
codegen_flags: <defaults>
</compile_context>

<pallas_src>
import dataclasses
import functools

import jax
import jax.numpy as jnp
from jax import lax
from jax.experimental import pallas as pl
from jax.experimental.pallas import tpu as pltpu
from jax.experimental.pallas import tpu_sc as plsc

N = 10000
E = 320000
D = 128
L = 16
NC = 2
NS = 16
NW = NC * NS
EPW = E // NW

CHUNK = 32
NROW = E // CHUNK
CROWS = NROW // NW
XROW = NROW - CROWS * NW
NBUF = 8
GA = 6
SD = NBUF - GA
NOUT = CROWS // NBUF
LPR = 128 // CHUNK

NVEC = EPW // L

RPS = 624
RTAIL = N - NS * RPS

_mesh = plsc.VectorSubcoreMesh(core_axis_name="c", subcore_axis_name="s")

_cp = pltpu.CompilerParams()
if "needs_layout_passes" in pltpu.CompilerParams.__dataclass_fields__:
    _cp = dataclasses.replace(_cp, needs_layout_passes=False)



@functools.partial(
    pl.kernel,
    mesh=_mesh,
    out_type=jax.ShapeDtypeStruct((NW, 2, N), jnp.float32),
    compiler_params=_cp,
    scratch_types=[
        pltpu.VMEM((EPW,), jnp.int32),
        pltpu.VMEM((EPW,), jnp.int32),
        pltpu.VMEM((N,), jnp.float32),
        pltpu.VMEM((N,), jnp.float32),
        pltpu.SemaphoreType.DMA((2,)),
    ],
)
def _sc_degrees(ei_hbm, out_hbm, src_v, dst_v, accs_v, accd_v, sem):
    cid = lax.axis_index("c")
    sid = lax.axis_index("s")
    wid = cid * NS + sid
    zeros = jnp.zeros((L,), jnp.float32)
    ones = jnp.ones((L,), jnp.float32)
    base = wid * EPW
    cs = pltpu.make_async_copy(ei_hbm.at[pl.ds(base, EPW)], src_v, sem.at[0])
    cd = pltpu.make_async_copy(ei_hbm.at[pl.ds(E + base, EPW)], dst_v, sem.at[1])
    cs.start()
    cd.start()

    @pl.loop(0, N // L)
    def _(i):
        accs_v[pl.ds(i * L, L)] = zeros
        accd_v[pl.ds(i * L, L)] = zeros

    cs.wait()
    cd.wait()

    @pl.loop(0, NVEC)
    def _(j):
        sl = pl.ds(j * L, L)
        plsc.addupdate_scatter(accs_v, [src_v[sl]], ones)
        plsc.addupdate_scatter(accd_v, [dst_v[sl]], ones)

    pltpu.sync_copy(accs_v, out_hbm.at[wid, 0])
    pltpu.sync_copy(accd_v, out_hbm.at[wid, 1])


@functools.partial(
    pl.kernel,
    mesh=_mesh,
    out_type=jax.ShapeDtypeStruct((NC, N, D), jnp.float32),
    scratch_types=[
        pltpu.VMEM((CROWS * CHUNK,), jnp.int32),
    ] + [pltpu.VMEM((CHUNK,), jnp.int32)] * NBUF + [
        pltpu.VMEM((CHUNK,), jnp.int32),
        pltpu.VMEM((CHUNK,), jnp.int32),
        pltpu.VMEM((NBUF, CHUNK, D), jnp.float32),
        pltpu.VMEM_SHARED((N, D), jnp.float32),
        pltpu.SemaphoreType.DMA((NBUF,)),
        pltpu.SemaphoreType.DMA((NBUF,)),
        pltpu.SemaphoreType.DMA((NBUF,)),
        pltpu.SemaphoreType.DMA,
    ],
)
def _sc_agg128(y_hbm, ei_hbm, zero_hbm, out_hbm, sidx, *rest):
    didx = rest[:NBUF]
    (sx_v, dx_v, rows_v, acc_sh, gsem, isem, ssem, psem) = rest[NBUF:]
    cid = lax.axis_index("c")
    sid = lax.axis_index("s")
    wid = cid * NS + sid
    rows = pl.ds(sid * RPS, RPS)
    tail = pl.ds(NS * RPS, RTAIL)

    nmain = NW * CROWS * CHUNK
    pre = pltpu.make_async_copy(
        ei_hbm.at[pl.ds(wid * CROWS * CHUNK, CROWS * CHUNK)], sidx, psem)
    pre.start()
    pltpu.sync_copy(zero_hbm.at[pl.ds(0, RPS)], acc_sh.at[rows])

    @pl.when(sid == NS - 1)
    def _():
        pltpu.sync_copy(zero_hbm.at[pl.ds(0, RTAIL)], acc_sh.at[tail])

    @pl.when(wid < XROW)
    def _():
        pltpu.sync_copy(ei_hbm.at[pl.ds(nmain + wid * CHUNK, CHUNK)], sx_v)
        pltpu.sync_copy(ei_hbm.at[pl.ds(E + nmain + wid * CHUNK, CHUNK)], dx_v)

    pre.wait()
    plsc.subcore_barrier()

    def _gather(r, h, b):
        idx = sidx.at[pl.ds((r * LPR + h) * CHUNK, CHUNK)]
        return pltpu.make_async_copy(y_hbm.at[idx], rows_v.at[b], gsem.at[b])

    def _scatter(c, b):
        del c
        return pltpu.make_async_copy(
            rows_v.at[b], acc_sh.at[didx[b]], ssem.at[b])

    def _didx_load(c, b):
        return pltpu.make_async_copy(
            ei_hbm.at[pl.ds(E + (wid * CROWS + c) * CHUNK, CHUNK)],
            didx[b], isem.at[b])

    for b in range(GA):
        _didx_load(b, b).start()
        _gather(b // LPR, b % LPR, b).start()

    @pl.loop(0, NOUT)
    def _(g):
        for b in range(NBUF):
            v = g * NBUF + b
            _gather(g * (NBUF // LPR) + b // LPR, b % LPR, b).wait()
            _didx_load(v, b).wait()
            _scatter(v, b).start(add=True)

            @pl.when(v >= SD)
            def _():
                _scatter(v - SD, (b + GA) % NBUF).wait()

            @pl.when(v + GA < CROWS)
            def _():
                _didx_load(v + GA, (b + GA) % NBUF).start()
                _gather(g * (NBUF // LPR) + (b + GA) // LPR, (b + GA) % LPR,
                        (b + GA) % NBUF).start()

    for k in range(SD):
        v = CROWS - SD + k
        _scatter(v, v % NBUF).wait()

    @pl.when(wid < XROW)
    def _():
        xg = pltpu.make_async_copy(y_hbm.at[sx_v], rows_v.at[0], gsem.at[0])
        xg.start()
        xg.wait()
        pltpu.sync_copy(rows_v.at[0], acc_sh.at[dx_v], add=True)

    plsc.subcore_barrier()
    pltpu.sync_copy(acc_sh.at[rows], out_hbm.at[cid, rows])

    @pl.when(sid == NS - 1)
    def _():
        pltpu.sync_copy(acc_sh.at[tail], out_hbm.at[cid, tail])


@functools.partial(
    pl.kernel,
    mesh=_mesh,
    out_type=jax.ShapeDtypeStruct((NW, N), jnp.float32),
    compiler_params=_cp,
    scratch_types=[
        pltpu.VMEM((EPW,), jnp.int32),
        pltpu.VMEM((EPW,), jnp.int32),
        pltpu.VMEM((N,), jnp.float32),
        pltpu.VMEM((N,), jnp.float32),
        pltpu.SemaphoreType.DMA((3,)),
    ],
)
def _sc_agg1(u_hbm, ei_hbm, out_hbm, src_v, dst_v, u_v, acc_v, sem):
    cid = lax.axis_index("c")
    sid = lax.axis_index("s")
    wid = cid * NS + sid
    zeros = jnp.zeros((L,), jnp.float32)
    base = wid * EPW
    cs = pltpu.make_async_copy(ei_hbm.at[pl.ds(base, EPW)], src_v, sem.at[0])
    cd = pltpu.make_async_copy(ei_hbm.at[pl.ds(E + base, EPW)], dst_v, sem.at[1])
    cu = pltpu.make_async_copy(u_hbm, u_v, sem.at[2])
    cs.start()
    cd.start()
    cu.start()

    @pl.loop(0, N // L)
    def _(i):
        acc_v[pl.ds(i * L, L)] = zeros

    cs.wait()
    cd.wait()
    cu.wait()

    @pl.loop(0, NVEC)
    def _(j):
        sl = pl.ds(j * L, L)
        vals = plsc.load_gather(u_v, [src_v[sl]])
        plsc.addupdate_scatter(acc_v, [dst_v[sl]], vals)

    pltpu.sync_copy(acc_v, out_hbm.at[wid])



def _mm_body(degp_ref, x_ref, w_ref, o_ref):
    deg_out = jnp.sum(degp_ref[:, 0, :], axis=0)
    ns = lax.rsqrt(jnp.maximum(deg_out, 1.0))
    o_ref[...] = jnp.dot(x_ref[...] * ns[:, None], w_ref[...],
                         preferred_element_type=jnp.float32)


def _mid_body(p_ref, degp_ref, b1_ref, w2_ref, wl_ref, o_ref):
    deg_out = jnp.sum(degp_ref[:, 0, :], axis=0)
    deg_in = jnp.sum(degp_ref[:, 1, :], axis=0)
    nsrc = lax.rsqrt(jnp.maximum(deg_out, 1.0))
    ndst = lax.rsqrt(jnp.maximum(deg_in, 1.0))
    agg = p_ref[0] + p_ref[1]
    h1 = jnp.maximum(agg * ndst[:, None] + b1_ref[...], 0.0)
    w2l = jnp.dot(w2_ref[...], wl_ref[...],
                  preferred_element_type=jnp.float32)
    u = jnp.dot(h1, w2l, preferred_element_type=jnp.float32)[:, 0]
    o_ref[...] = u * nsrc


def _fin_body(p2_ref, degp_ref, b2_ref, wl_ref, bl_ref, o_ref):
    deg_in = jnp.sum(degp_ref[:, 1, :], axis=0)
    ndst = lax.rsqrt(jnp.maximum(deg_in, 1.0))
    agg2 = jnp.sum(p2_ref[...], axis=0)
    s = jnp.dot(b2_ref[...], wl_ref[...],
                preferred_element_type=jnp.float32)[0, 0] + bl_ref[0, 0]
    o_ref[...] = (agg2 * ndst + s)[:, None]


def kernel(x, edge_index, W1, b1, W2, b2, Wl, bl):
    ei = edge_index.astype(jnp.int32).reshape(2 * E)
    zero128 = jnp.zeros((RPS, D), jnp.float32)

    degp = _sc_degrees(ei)

    y = pl.pallas_call(
        _mm_body,
        out_shape=jax.ShapeDtypeStruct((N, D), jnp.float32),
    )(degp, x, W1)

    part1 = _sc_agg128(y, ei, zero128)

    u = pl.pallas_call(
        _mid_body,
        out_shape=jax.ShapeDtypeStruct((N,), jnp.float32),
    )(part1, degp, b1.reshape(1, D), W2, Wl)

    part2 = _sc_agg1(u, ei)

    out = pl.pallas_call(
        _fin_body,
        out_shape=jax.ShapeDtypeStruct((N, 1), jnp.float32),
    )(part2, degp, b2.reshape(1, D), Wl, bl.reshape(1, 1))

    return out

# --- scband reference (transcript-rebuilt; emitter-appended) ---
"""Pipeline reference for scband-gcn-76390288327439 (READ-ONLY COPY).

The authoritative reference and input builder live on the scoring server;
editing this copy changes nothing except your own understanding.
"""

import jax, jax.numpy as jnp
import numpy as np

N_NODES = 10000
N_EDGES = 320000
IN_DIM = 128
HID_DIM = 128
OUT_DIM = 128


def _graph_conv(x, src, dst, W, b, n_nodes):
    # DGL-style GraphConv with norm='both':
    # h = D_out^{-1/2} x ; aggregate sum over edges ; out = D_in^{-1/2} * agg ; then linear
    ones = jnp.ones((src.shape[0],), dtype=x.dtype)
    deg_out = jnp.zeros((n_nodes,), dtype=x.dtype).at[src].add(ones)
    deg_in = jnp.zeros((n_nodes,), dtype=x.dtype).at[dst].add(ones)
    norm_src = jax.lax.rsqrt(jnp.maximum(deg_out, 1.0))
    norm_dst = jax.lax.rsqrt(jnp.maximum(deg_in, 1.0))
    h = x * norm_src[:, None]
    msg = jnp.take(h, src, axis=0)
    agg = jnp.zeros((n_nodes, x.shape[1]), dtype=x.dtype).at[dst].add(msg)
    agg = agg * norm_dst[:, None]
    return agg @ W + b


def setup_inputs(seed: int = 0) -> dict:
    key = jax.random.key(seed)
    ks = jax.random.split(key, 8)
    x = jax.random.normal(ks[0], (N_NODES, IN_DIM), dtype=jnp.float32)
    edge_index = jax.random.randint(ks[1], (2, N_EDGES), 0, N_NODES, dtype=jnp.int64)
    s1 = 1.0 / np.sqrt(IN_DIM)
    s2 = 1.0 / np.sqrt(HID_DIM)
    s3 = 1.0 / np.sqrt(OUT_DIM)
    W1 = jax.random.uniform(ks[2], (IN_DIM, HID_DIM), jnp.float32, -s1, s1)
    b1 = jnp.zeros((HID_DIM,), dtype=jnp.float32)
    W2 = jax.random.uniform(ks[3], (HID_DIM, OUT_DIM), jnp.float32, -s2, s2)
    b2 = jnp.zeros((OUT_DIM,), dtype=jnp.float32)
    Wl = jax.random.uniform(ks[4], (OUT_DIM, 1), jnp.float32, -s3, s3)
    bl = jax.random.uniform(ks[5], (1,), jnp.float32, -s3, s3)
    return {"x": x, "edge_index": edge_index, "W1": W1, "b1": b1, "W2": W2, "b2": b2, "Wl": Wl, "bl": bl}


def reference(x, edge_index, W1, b1, W2, b2, Wl, bl):
    src = edge_index[0]
    dst = edge_index[1]
    h = _graph_conv(x, src, dst, W1, b1, N_NODES)
    h = jax.nn.relu(h)
    # dropout(p=0.5) is identity in eval mode
    h = _graph_conv(h, src, dst, W2, b2, N_NODES)
    out = h @ Wl + bl
    return out

if __name__ == "__main__":
    import jax
    _d = setup_inputs()
    print(jax.jit(kernel)(*tuple(_d.values())))

</pallas_src>

<mosaic_0001>
#map = affine_map<(d0, d1) -> (0)>
#map1 = affine_map<(d0, d1) -> (0, 0, 0)>
module attributes {stable_mosaic.version = 14 : i64} {
  func.func @_sc_degrees(%arg0: i32, %arg1: i32, %arg2: memref<640000xi32, #tpu.memory_space<hbm>>, %arg3: memref<32x2x10000xf32, #tpu.memory_space<hbm>>, %arg4: memref<10000xi32, #tpu.memory_space<vmem>>, %arg5: memref<10000xi32, #tpu.memory_space<vmem>>, %arg6: memref<10000xf32, #tpu.memory_space<vmem>>, %arg7: memref<10000xf32, #tpu.memory_space<vmem>>, %arg8: memref<2x!tpu.dma_semaphore, #tpu.memory_space<semaphore_mem>>) attributes {dimension_semantics = [#tpu.dimension_semantics<core_parallel>, #tpu.dimension_semantics<subcore_parallel>], iteration_bounds = array<i64: 2, 16>, scalar_prefetch = 0 : i64, scratch_operands = 5 : i64, tpu.core_type = #tpu.core_type<sc_vector_subcore>, window_params = [{transform_indices = #map}, {transform_indices = #map1}]} {
    %mul3A = arith.constant 16 : i32
    %mul3A_0 = arith.muli %arg0, %mul3A : i32
    %add3A = arith.addi %mul3A_0, %arg1 : i32
    %broadcast_in_dim3A = arith.constant 0.000000e+00 : f32
    %broadcast_in_dim3A_1 = vector.broadcast %broadcast_in_dim3A : f32 to vector<16xf32>
    %broadcast_in_dim3A_2 = arith.constant 1.000000e+00 : f32
    %broadcast_in_dim3A_3 = vector.broadcast %broadcast_in_dim3A_2 : f32 to vector<16xf32>
    %mul3A_4 = arith.constant 10000 : i32
    %mul3A_5 = arith.muli %add3A, %mul3A_4 : i32
    %add3A_6 = arith.constant 320000 : i32
    %add3A_7 = arith.addi %add3A_6, %mul3A_5 : i32
    %dma_start3A = arith.constant 0 : i32
    %dma_start3A_8 = tpu.memref_slice %arg2[%mul3A_5] : memref<640000xi32, #tpu.memory_space<hbm>> -> memref<10000xi32, #tpu.memory_space<hbm>>
    %dma_start3A_9 = tpu.memref_slice %arg8[%dma_start3A] : memref<2x!tpu.dma_semaphore, #tpu.memory_space<semaphore_mem>> -> memref<1x!tpu.dma_semaphore, #tpu.memory_space<semaphore_mem>>
    %dma_start3A_10 = tpu.memref_squeeze %dma_start3A_9 : memref<1x!tpu.dma_semaphore, #tpu.memory_space<semaphore_mem>> -> memref<!tpu.dma_semaphore, #tpu.memory_space<semaphore_mem>>
    %dma_start3A_11 = tpu.memref_slice %arg2[%mul3A_5] : memref<640000xi32, #tpu.memory_space<hbm>> -> memref<10000xi32, #tpu.memory_space<hbm>>
    tpu.enqueue_dma source(%dma_start3A_11 : memref<10000xi32, #tpu.memory_space<hbm>>) target(%arg4 : memref<10000xi32, #tpu.memory_space<vmem>>) target_semaphore(%dma_start3A_10 : memref<!tpu.dma_semaphore, #tpu.memory_space<semaphore_mem>>)
    %dma_start3A_12 = arith.constant 1 : i32
    %dma_start3A_13 = tpu.memref_slice %arg2[%add3A_7] : memref<640000xi32, #tpu.memory_space<hbm>> -> memref<10000xi32, #tpu.memory_space<hbm>>
    %dma_start3A_14 = tpu.memref_slice %arg8[%dma_start3A_12] : memref<2x!tpu.dma_semaphore, #tpu.memory_space<semaphore_mem>> -> memref<1x!tpu.dma_semaphore, #tpu.memory_space<semaphore_mem>>
    %dma_start3A_15 = tpu.memref_squeeze %dma_start3A_14 : memref<1x!tpu.dma_semaphore, #tpu.memory_space<semaphore_mem>> -> memref<!tpu.dma_semaphore, #tpu.memory_space<semaphore_mem>>
    %dma_start3A_16 = tpu.memref_slice %arg2[%add3A_7] : memref<640000xi32, #tpu.memory_space<hbm>> -> memref<10000xi32, #tpu.memory_space<hbm>>
    tpu.enqueue_dma source(%dma_start3A_16 : memref<10000xi32, #tpu.memory_space<hbm>>) target(%arg5 : memref<10000xi32, #tpu.memory_space<vmem>>) target_semaphore(%dma_start3A_15 : memref<!tpu.dma_semaphore, #tpu.memory_space<semaphore_mem>>)
    %scan3A = arith.constant 0 : i32
    %scan3A_17 = arith.constant 625 : i32
    %scan3A_18 = arith.addi %scan3A, %scan3A_17 : i32
    %scan3A_19 = arith.constant 1 : i32
    scf.for %scan3A_36 = %scan3A to %scan3A_18 step %scan3A_19  : i32 {
      %mul3A_37 = arith.constant 1 : i32
      %mul3A_38 = arith.muli %scan3A_36, %mul3A_37 : i32
      %add3A_39 = arith.constant 0 : i32
      %add3A_40 = arith.addi %add3A_39, %mul3A_38 : i32
      %mul3A_41 = arith.constant 16 : i32
      %mul3A_42 = arith.muli %add3A_40, %mul3A_41 : i32
      %swap3A = arith.index_cast %mul3A_42 : i32 to index
      %swap3A_43 = tpu.vector_load %arg6[%swap3A] {strides = array<i32>} : memref<10000xf32, #tpu.memory_space<vmem>>, vector<16xf32>,
      tpu.vector_store %arg6[%swap3A], %broadcast_in_dim3A_1 {strides = array<i32>} : memref<10000xf32, #tpu.memory_space<vmem>>, vector<16xf32>,
      %mul3A_44 = arith.constant 16 : i32
      %mul3A_45 = arith.muli %add3A_40, %mul3A_44 : i32
      %swap3A_46 = arith.index_cast %mul3A_45 : i32 to index
      %swap3A_47 = tpu.vector_load %arg7[%swap3A_46] {strides = array<i32>} : memref<10000xf32, #tpu.memory_space<vmem>>, vector<16xf32>,
      tpu.vector_store %arg7[%swap3A_46], %broadcast_in_dim3A_1 {strides = array<i32>} : memref<10000xf32, #tpu.memory_space<vmem>>, vector<16xf32>,
    }
    %scan3A_20 = arith.constant 625 : i32
    %dma_wait3A = arith.constant 0 : i32
    %dma_wait3A_21 = tpu.memref_slice %arg2[%mul3A_5] : memref<640000xi32, #tpu.memory_space<hbm>> -> memref<10000xi32, #tpu.memory_space<hbm>>
    %dma_wait3A_22 = tpu.memref_slice %arg8[%dma_wait3A] : memref<2x!tpu.dma_semaphore, #tpu.memory_space<semaphore_mem>> -> memref<1x!tpu.dma_semaphore, #tpu.memory_space<semaphore_mem>>
    %dma_wait3A_23 = tpu.memref_squeeze %dma_wait3A_22 : memref<1x!tpu.dma_semaphore, #tpu.memory_space<semaphore_mem>> -> memref<!tpu.dma_semaphore, #tpu.memory_space<semaphore_mem>>
    %dma_wait3A_24 = tpu.memref_slice %arg2[%mul3A_5] : memref<640000xi32, #tpu.memory_space<hbm>> -> memref<10000xi32, #tpu.memory_space<hbm>>
    tpu.wait_dma2 semaphore(%dma_wait3A_23 : memref<!tpu.dma_semaphore, #tpu.memory_space<semaphore_mem>>) src(%dma_wait3A_24 : memref<10000xi32, #tpu.memory_space<hbm>>) dst(%arg4 : memref<10000xi32, #tpu.memory_space<vmem>>)
    %dma_wait3A_25 = arith.constant 1 : i32
    %dma_wait3A_26 = tpu.memref_slice %arg2[%add3A_7] : memref<640000xi32, #tpu.memory_space<hbm>> -> memref<10000xi32, #tpu.memory_space<hbm>>
    %dma_wait3A_27 = tpu.memref_slice %arg8[%dma_wait3A_25] : memref<2x!tpu.dma_semaphore, #tpu.memory_space<semaphore_mem>> -> memref<1x!tpu.dma_semaphore, #tpu.memory_space<semaphore_mem>>
    %dma_wait3A_28 = tpu.memref_squeeze %dma_wait3A_27 : memref<1x!tpu.dma_semaphore, #tpu.memory_space<semaphore_mem>> -> memref<!tpu.dma_semaphore, #tpu.memory_space<semaphore_mem>>
    %dma_wait3A_29 = tpu.memref_slice %arg2[%add3A_7] : memref<640000xi32, #tpu.memory_space<hbm>> -> memref<10000xi32, #tpu.memory_space<hbm>>
    tpu.wait_dma2 semaphore(%dma_wait3A_28 : memref<!tpu.dma_semaphore, #tpu.memory_space<semaphore_mem>>) src(%dma_wait3A_29 : memref<10000xi32, #tpu.memory_space<hbm>>) dst(%arg5 : memref<10000xi32, #tpu.memory_space<vmem>>)
    %scan3A_30 = arith.constant 0 : i32
    %scan3A_31 = arith.constant 625 : i32
    %scan3A_32 = arith.addi %scan3A_30, %scan3A_31 : i32
    %scan3A_33 = arith.constant 1 : i32
    scf.for %scan3A_36 = %scan3A_30 to %scan3A_32 step %scan3A_33  : i32 {
      %mul3A_37 = arith.constant 1 : i32
      %mul3A_38 = arith.muli %scan3A_36, %mul3A_37 : i32
      %add3A_39 = arith.constant 0 : i32
      %add3A_40 = arith.addi %add3A_39, %mul3A_38 : i32
      %mul3A_41 = arith.constant 16 : i32
      %mul3A_42 = arith.muli %add3A_40, %mul3A_41 : i32
      %get3A = arith.index_cast %mul3A_42 : i32 to index
      %get3A_43 = tpu.vector_load %arg4[%get3A] {strides = array<i32>} : memref<10000xi32, #tpu.memory_space<vmem>>, vector<16xi32>,
      tpu.vector_store_idx %arg6[%get3A_43], %broadcast_in_dim3A_3 {add = true} : memref<10000xf32, #tpu.memory_space<vmem>>[vector<16xi32>], vector<16xf32>,
      %get3A_44 = arith.index_cast %mul3A_42 : i32 to index
      %get3A_45 = tpu.vector_load %arg5[%get3A_44] {strides = array<i32>} : memref<10000xi32, #tpu.memory_space<vmem>>, vector<16xi32>,
      tpu.vector_store_idx %arg7[%get3A_45], %broadcast_in_dim3A_3 {add = true} : memref<10000xf32, #tpu.memory_space<vmem>>[vector<16xi32>], vector<16xf32>,
    }
    %scan3A_34 = arith.constant 625 : i32
    %run_scoped3A = arith.constant 0 : i32
    "tpu.region"() ({
      %run_scoped3A_36 = tpu.sem_alloc : memref<!tpu.dma_semaphore, #tpu.memory_space<semaphore_mem>>
      %dma_start3A_37 = arith.constant 0 : i32
      %dma_start3A_38 = tpu.memref_slice %arg3[%add3A, %run_scoped3A, %dma_start3A_37] : memref<32x2x10000xf32, #tpu.memory_space<hbm>> -> memref<1x1x10000xf32, #tpu.memory_space<hbm>>
      %dma_start3A_39 = tpu.memref_squeeze %dma_start3A_38 : memref<1x1x10000xf32, #tpu.memory_space<hbm>> -> memref<10000xf32, #tpu.memory_space<hbm>>
      %dma_start3A_40 = arith.constant 0 : i32
      %dma_start3A_41 = tpu.memref_slice %arg3[%add3A, %run_scoped3A, %dma_start3A_40] : memref<32x2x10000xf32, #tpu.memory_space<hbm>> -> memref<1x1x10000xf32, #tpu.memory_space<hbm>>
      %dma_start3A_42 = tpu.memref_squeeze %dma_start3A_41 : memref<1x1x10000xf32, #tpu.memory_space<hbm>> -> memref<10000xf32, #tpu.memory_space<hbm>>
      tpu.enqueue_dma source(%arg6 : memref<10000xf32, #tpu.memory_space<vmem>>) target(%dma_start3A_42 : memref<10000xf32, #tpu.memory_space<hbm>>) target_semaphore(%run_scoped3A_36 : memref<!tpu.dma_semaphore, #tpu.memory_space<semaphore_mem>>)
      %dma_wait3A_43 = arith.constant 0 : i32
      %dma_wait3A_44 = tpu.memref_slice %arg3[%add3A, %run_scoped3A, %dma_wait3A_43] : memref<32x2x10000xf32, #tpu.memory_space<hbm>> -> memref<1x1x10000xf32, #tpu.memory_space<hbm>>
      %dma_wait3A_45 = tpu.memref_squeeze %dma_wait3A_44 : memref<1x1x10000xf32, #tpu.memory_space<hbm>> -> memref<10000xf32, #tpu.memory_space<hbm>>
      %dma_wait3A_46 = arith.constant 0 : i32
      %dma_wait3A_47 = tpu.memref_slice %arg3[%add3A, %run_scoped3A, %dma_wait3A_46] : memref<32x2x10000xf32, #tpu.memory_space<hbm>> -> memref<1x1x10000xf32, #tpu.memory_space<hbm>>
      %dma_wait3A_48 = tpu.memref_squeeze %dma_wait3A_47 : memref<1x1x10000xf32, #tpu.memory_space<hbm>> -> memref<10000xf32, #tpu.memory_space<hbm>>
      tpu.wait_dma2 semaphore(%run_scoped3A_36 : memref<!tpu.dma_semaphore, #tpu.memory_space<semaphore_mem>>) src(%arg6 : memref<10000xf32, #tpu.memory_space<vmem>>) dst(%dma_wait3A_48 : memref<10000xf32, #tpu.memory_space<hbm>>)
      tpu.yield
    }) : () -> ()
    %run_scoped3A_35 = arith.constant 1 : i32
    "tpu.region"() ({
      %run_scoped3A_36 = tpu.sem_alloc : memref<!tpu.dma_semaphore, #tpu.memory_space<semaphore_mem>>
      %dma_start3A_37 = arith.constant 0 : i32
      %dma_start3A_38 = tpu.memref_slice %arg3[%add3A, %run_scoped3A_35, %dma_start3A_37] : memref<32x2x10000xf32, #tpu.memory_space<hbm>> -> memref<1x1x10000xf32, #tpu.memory_space<hbm>>
      %dma_start3A_39 = tpu.memref_squeeze %dma_start3A_38 : memref<1x1x10000xf32, #tpu.memory_space<hbm>> -> memref<10000xf32, #tpu.memory_space<hbm>>
      %dma_start3A_40 = arith.constant 0 : i32
      %dma_start3A_41 = tpu.memref_slice %arg3[%add3A, %run_scoped3A_35, %dma_start3A_40] : memref<32x2x10000xf32, #tpu.memory_space<hbm>> -> memref<1x1x10000xf32, #tpu.memory_space<hbm>>
      %dma_start3A_42 = tpu.memref_squeeze %dma_start3A_41 : memref<1x1x10000xf32, #tpu.memory_space<hbm>> -> memref<10000xf32, #tpu.memory_space<hbm>>
      tpu.enqueue_dma source(%arg7 : memref<10000xf32, #tpu.memory_space<vmem>>) target(%dma_start3A_42 : memref<10000xf32, #tpu.memory_space<hbm>>) target_semaphore(%run_scoped3A_36 : memref<!tpu.dma_semaphore, #tpu.memory_space<semaphore_mem>>)
      %dma_wait3A_43 = arith.constant 0 : i32
      %dma_wait3A_44 = tpu.memref_slice %arg3[%add3A, %run_scoped3A_35, %dma_wait3A_43] : memref<32x2x10000xf32, #tpu.memory_space<hbm>> -> memref<1x1x10000xf32, #tpu.memory_space<hbm>>
      %dma_wait3A_45 = tpu.memref_squeeze %dma_wait3A_44 : memref<1x1x10000xf32, #tpu.memory_space<hbm>> -> memref<10000xf32, #tpu.memory_space<hbm>>
      %dma_wait3A_46 = arith.constant 0 : i32
      %dma_wait3A_47 = tpu.memref_slice %arg3[%add3A, %run_scoped3A_35, %dma_wait3A_46] : memref<32x2x10000xf32, #tpu.memory_space<hbm>> -> memref<1x1x10000xf32, #tpu.memory_space<hbm>>
      %dma_wait3A_48 = tpu.memref_squeeze %dma_wait3A_47 : memref<1x1x10000xf32, #tpu.memory_space<hbm>> -> memref<10000xf32, #tpu.memory_space<hbm>>
      tpu.wait_dma2 semaphore(%run_scoped3A_36 : memref<!tpu.dma_semaphore, #tpu.memory_space<semaphore_mem>>) src(%arg7 : memref<10000xf32, #tpu.memory_space<vmem>>) dst(%dma_wait3A_48 : memref<10000xf32, #tpu.memory_space<hbm>>)
      tpu.yield
    }) : () -> ()
    return
  }
}

#map = affine_map<(d0, d1) -> (0, 0)>
#map1 = affine_map<(d0, d1) -> (0)>
#map2 = affine_map<(d0, d1) -> (0, 0, 0)>
module attributes {stable_mosaic.version = 14 : i64} {
  func.func @_sc_agg128(%arg0: i32, %arg1: i32, %arg2: memref<10000x128xf32, #tpu.memory_space<hbm>>, %arg3: memref<640000xi32, #tpu.memory_space<hbm>>, %arg4: memref<624x128xf32, #tpu.memory_space<hbm>>, %arg5: memref<2x10000x128xf32, #tpu.memory_space<hbm>>, %arg6: memref<9984xi32, #tpu.memory_space<vmem>>, %arg7: memref<32xi32, #tpu.memory_space<vmem>>, %arg8: memref<32xi32, #tpu.memory_space<vmem>>, %arg9: memref<32xi32, #tpu.memory_space<vmem>>, %arg10: memref<32xi32, #tpu.memory_space<vmem>>, %arg11: memref<32xi32, #tpu.memory_space<vmem>>, %arg12: memref<32xi32, #tpu.memory_space<vmem>>, %arg13: memref<32xi32, #tpu.memory_space<vmem>>, %arg14: memref<32xi32, #tpu.memory_space<vmem>>, %arg15: memref<32xi32, #tpu.memory_space<vmem>>, %arg16: memref<32xi32, #tpu.memory_space<vmem>>, %arg17: memref<8x32x128xf32, #tpu.memory_space<vmem>>, %arg18: memref<10000x128xf32, #tpu.memory_space<vmem_shared>>, %arg19: memref<8x!tpu.dma_semaphore, #tpu.memory_space<semaphore_mem>>, %arg20: memref<8x!tpu.dma_semaphore, #tpu.memory_space<semaphore_mem>>, %arg21: memref<8x!tpu.dma_semaphore, #tpu.memory_space<semaphore_mem>>, %arg22: memref<!tpu.dma_semaphore, #tpu.memory_space<semaphore_mem>>) attributes {dimension_semantics = [#tpu.dimension_semantics<core_parallel>, #tpu.dimension_semantics<subcore_parallel>], iteration_bounds = array<i64: 2, 16>, scalar_prefetch = 0 : i64, scratch_operands = 17 : i64, tpu.core_type = #tpu.core_type<sc_vector_subcore>, window_params = [{transform_indices = #map}, {transform_indices = #map1}, {transform_indices = #map}, {transform_indices = #map2}]} {
    %mul3A = arith.constant 16 : i32
    %mul3A_0 = arith.muli %arg0, %mul3A : i32
    %add3A = arith.addi %mul3A_0, %arg1 : i32
    %mul3A_1 = arith.constant 624 : i32
    %mul3A_2 = arith.muli %arg1, %mul3A_1 : i32
    %mul3A_3 = arith.constant 312 : i32
    %mul3A_4 = arith.muli %add3A, %mul3A_3 : i32
    %mul3A_5 = arith.constant 32 : i32
    %mul3A_6 = arith.muli %mul3A_4, %mul3A_5 : i32
    %dma_start3A = tpu.memref_slice %arg3[%mul3A_6] : memref<640000xi32, #tpu.memory_space<hbm>> -> memref<9984xi32, #tpu.memory_space<hbm>>
    %dma_start3A_7 = tpu.memref_slice %arg3[%mul3A_6] : memref<640000xi32, #tpu.memory_space<hbm>> -> memref<9984xi32, #tpu.memory_space<hbm>>
    tpu.enqueue_dma source(%dma_start3A_7 : memref<9984xi32, #tpu.memory_space<hbm>>) target(%arg6 : memref<9984xi32, #tpu.memory_space<vmem>>) target_semaphore(%arg22 : memref<!tpu.dma_semaphore, #tpu.memory_space<semaphore_mem>>)
    "tpu.region"() ({
      %run_scoped3A = tpu.sem_alloc : memref<!tpu.dma_semaphore, #tpu.memory_space<semaphore_mem>>
      %dma_start3A_208 = arith.constant 0 : i32
      %dma_start3A_209 = tpu.memref_slice %arg18[%mul3A_2, %dma_start3A_208] : memref<10000x128xf32, #tpu.memory_space<vmem_shared>> -> memref<624x128xf32, #tpu.memory_space<vmem_shared>>
      %dma_start3A_210 = arith.constant 0 : i32
      %dma_start3A_211 = arith.constant 0 : i32
      %dma_start3A_212 = tpu.memref_slice %arg4[%dma_start3A_210, %dma_start3A_211] : memref<624x128xf32, #tpu.memory_space<hbm>> -> memref<624x128xf32, #tpu.memory_space<hbm>>
      tpu.enqueue_dma source(%dma_start3A_212 : memref<624x128xf32, #tpu.memory_space<hbm>>) target(%dma_start3A_209 : memref<624x128xf32, #tpu.memory_space<vmem_shared>>) target_semaphore(%run_scoped3A : memref<!tpu.dma_semaphore, #tpu.memory_space<semaphore_mem>>)
      %dma_wait3A_213 = arith.constant 0 : i32
      %dma_wait3A_214 = tpu.memref_slice %arg18[%mul3A_2, %dma_wait3A_213] : memref<10000x128xf32, #tpu.memory_space<vmem_shared>> -> memref<624x128xf32, #tpu.memory_space<vmem_shared>>
      %dma_wait3A_215 = arith.constant 0 : i32
      %dma_wait3A_216 = arith.constant 0 : i32
      %dma_wait3A_217 = tpu.memref_slice %arg4[%dma_wait3A_215, %dma_wait3A_216] : memref<624x128xf32, #tpu.memory_space<hbm>> -> memref<624x128xf32, #tpu.memory_space<hbm>>
      tpu.wait_dma2 semaphore(%run_scoped3A : memref<!tpu.dma_semaphore, #tpu.memory_space<semaphore_mem>>) src(%dma_wait3A_217 : memref<624x128xf32, #tpu.memory_space<hbm>>) dst(%dma_wait3A_214 : memref<624x128xf32, #tpu.memory_space<vmem_shared>>)
      tpu.yield
    }) : () -> ()
    %eq3A = arith.constant 15 : i32
    %eq3A_8 = arith.cmpi eq, %arg1, %eq3A : i32
    %convert_element_type3A = arith.extui %eq3A_8 : i1 to i32
    %cond3A = arith.constant 0 : i32
    %cond3A_9 = arith.cmpi ne, %convert_element_type3A, %cond3A : i32
    scf.if %cond3A_9 {
      "tpu.region"() ({
        %run_scoped3A = tpu.sem_alloc : memref<!tpu.dma_semaphore, #tpu.memory_space<semaphore_mem>>
        %dma_start3A_208 = arith.constant 9984 : i32
        %dma_start3A_209 = arith.constant 0 : i32
        %dma_start3A_210 = tpu.memref_slice %arg18[%dma_start3A_208, %dma_start3A_209] : memref<10000x128xf32, #tpu.memory_space<vmem_shared>> -> memref<16x128xf32, #tpu.memory_space<vmem_shared>>
        %dma_start3A_211 = arith.constant 0 : i32
        %dma_start3A_212 = arith.constant 0 : i32
        %dma_start3A_213 = tpu.memref_slice %arg4[%dma_start3A_211, %dma_start3A_212] : memref<624x128xf32, #tpu.memory_space<hbm>> -> memref<16x128xf32, #tpu.memory_space<hbm>>
        tpu.enqueue_dma source(%dma_start3A_213 : memref<16x128xf32, #tpu.memory_space<hbm>>) target(%dma_start3A_210 : memref<16x128xf32, #tpu.memory_space<vmem_shared>>) target_semaphore(%run_scoped3A : memref<!tpu.dma_semaphore, #tpu.memory_space<semaphore_mem>>)
        %dma_wait3A_214 = arith.constant 9984 : i32
        %dma_wait3A_215 = arith.constant 0 : i32
        %dma_wait3A_216 = tpu.memref_slice %arg18[%dma_wait3A_214, %dma_wait3A_215] : memref<10000x128xf32, #tpu.memory_space<vmem_shared>> -> memref<16x128xf32, #tpu.memory_space<vmem_shared>>
        %dma_wait3A_217 = arith.constant 0 : i32
        %dma_wait3A_218 = arith.constant 0 : i32
        %dma_wait3A_219 = tpu.memref_slice %arg4[%dma_wait3A_217, %dma_wait3A_218] : memref<624x128xf32, #tpu.memory_space<hbm>> -> memref<16x128xf32, #tpu.memory_space<hbm>>
        tpu.wait_dma2 semaphore(%run_scoped3A : memref<!tpu.dma_semaphore, #tpu.memory_space<semaphore_mem>>) src(%dma_wait3A_219 : memref<16x128xf32, #tpu.memory_space<hbm>>) dst(%dma_wait3A_216 : memref<16x128xf32, #tpu.memory_space<vmem_shared>>)
        tpu.yield
      }) : () -> ()
    } else {
    }
    %lt3A = arith.constant 16 : i32
    %lt3A_10 = arith.cmpi slt, %add3A, %lt3A : i32
    %convert_element_type3A_11 = arith.extui %lt3A_10 : i1 to i32
    %cond3A_12 = arith.constant 0 : i32
    %cond3A_13 = arith.cmpi ne, %convert_element_type3A_11, %cond3A_12 : i32
    scf.if %cond3A_13 {
      %mul3A_208 = arith.constant 32 : i32
      %mul3A_209 = arith.muli %add3A, %mul3A_208 : i32
      %add3A_210 = arith.constant 319488 : i32
      %add3A_211 = arith.addi %add3A_210, %mul3A_209 : i32
      "tpu.region"() ({
        %run_scoped3A = tpu.sem_alloc : memref<!tpu.dma_semaphore, #tpu.memory_space<semaphore_mem>>
        %dma_start3A_216 = tpu.memref_slice %arg3[%add3A_211] : memref<640000xi32, #tpu.memory_space<hbm>> -> memref<32xi32, #tpu.memory_space<hbm>>
        %dma_start3A_217 = tpu.memref_slice %arg3[%add3A_211] : memref<640000xi32, #tpu.memory_space<hbm>> -> memref<32xi32, #tpu.memory_space<hbm>>
        tpu.enqueue_dma source(%dma_start3A_217 : memref<32xi32, #tpu.memory_space<hbm>>) target(%arg15 : memref<32xi32, #tpu.memory_space<vmem>>) target_semaphore(%run_scoped3A : memref<!tpu.dma_semaphore, #tpu.memory_space<semaphore_mem>>)
        %dma_wait3A_218 = tpu.memref_slice %arg3[%add3A_211] : memref<640000xi32, #tpu.memory_space<hbm>> -> memref<32xi32, #tpu.memory_space<hbm>>
        %dma_wait3A_219 = tpu.memref_slice %arg3[%add3A_211] : memref<640000xi32, #tpu.memory_space<hbm>> -> memref<32xi32, #tpu.memory_space<hbm>>
        tpu.wait_dma2 semaphore(%run_scoped3A : memref<!tpu.dma_semaphore, #tpu.memory_space<semaphore_mem>>) src(%dma_wait3A_219 : memref<32xi32, #tpu.memory_space<hbm>>) dst(%arg15 : memref<32xi32, #tpu.memory_space<vmem>>)
        tpu.yield
      }) : () -> ()
      %mul3A_212 = arith.constant 32 : i32
      %mul3A_213 = arith.muli %add3A, %mul3A_212 : i32
      %add3A_214 = arith.constant 639488 : i32
      %add3A_215 = arith.addi %add3A_214, %mul3A_213 : i32
      "tpu.region"() ({
        %run_scoped3A = tpu.sem_alloc : memref<!tpu.dma_semaphore, #tpu.memory_space<semaphore_mem>>
        %dma_start3A_216 = tpu.memref_slice %arg3[%add3A_215] : memref<640000xi32, #tpu.memory_space<hbm>> -> memref<32xi32, #tpu.memory_space<hbm>>
        %dma_start3A_217 = tpu.memref_slice %arg3[%add3A_215] : memref<640000xi32, #tpu.memory_space<hbm>> -> memref<32xi32, #tpu.memory_space<hbm>>
        tpu.enqueue_dma source(%dma_start3A_217 : memref<32xi32, #tpu.memory_space<hbm>>) target(%arg16 : memref<32xi32, #tpu.memory_space<vmem>>) target_semaphore(%run_scoped3A : memref<!tpu.dma_semaphore, #tpu.memory_space<semaphore_mem>>)
        %dma_wait3A_218 = tpu.memref_slice %arg3[%add3A_215] : memref<640000xi32, #tpu.memory_space<hbm>> -> memref<32xi32, #tpu.memory_space<hbm>>
        %dma_wait3A_219 = tpu.memref_slice %arg3[%add3A_215] : memref<640000xi32, #tpu.memory_space<hbm>> -> memref<32xi32, #tpu.memory_space<hbm>>
        tpu.wait_dma2 semaphore(%run_scoped3A : memref<!tpu.dma_semaphore, #tpu.memory_space<semaphore_mem>>) src(%dma_wait3A_219 : memref<32xi32, #tpu.memory_space<hbm>>) dst(%arg16 : memref<32xi32, #tpu.memory_space<vmem>>)
        tpu.yield
      }) : () -> ()
    } else {
    }
    %dma_wait3A = tpu.memref_slice %arg3[%mul3A_6] : memref<640000xi32, #tpu.memory_space<hbm>> -> memref<9984xi32, #tpu.memory_space<hbm>>
    %dma_wait3A_14 = tpu.memref_slice %arg3[%mul3A_6] : memref<640000xi32, #tpu.memory_space<hbm>> -> memref<9984xi32, #tpu.memory_space<hbm>>
    tpu.wait_dma2 semaphore(%arg22 : memref<!tpu.dma_semaphore, #tpu.memory_space<semaphore_mem>>) src(%dma_wait3A_14 : memref<9984xi32, #tpu.memory_space<hbm>>) dst(%arg6 : memref<9984xi32, #tpu.memory_space<vmem>>)
    %barrier3A = arith.constant 0 : index
    tpu.barrier barrier_id(%barrier3A)
    %mul3A_15 = arith.constant 312 : i32
    %mul3A_16 = arith.muli %add3A, %mul3A_15 : i32
    %add3A_17 = arith.constant 0 : i32
    %add3A_18 = arith.addi %mul3A_16, %add3A_17 : i32
    %mul3A_19 = arith.constant 32 : i32
    %mul3A_20 = arith.muli %add3A_18, %mul3A_19 : i32
    %add3A_21 = arith.constant 320000 : i32
    %add3A_22 = arith.addi %add3A_21, %mul3A_20 : i32
    %dma_start3A_23 = arith.constant 0 : i32
    %dma_start3A_24 = tpu.memref_slice %arg3[%add3A_22] : memref<640000xi32, #tpu.memory_space<hbm>> -> memref<32xi32, #tpu.memory_space<hbm>>
    %dma_start3A_25 = tpu.memref_slice %arg20[%dma_start3A_23] : memref<8x!tpu.dma_semaphore, #tpu.memory_space<semaphore_mem>> -> memref<1x!tpu.dma_semaphore, #tpu.memory_space<semaphore_mem>>
    %dma_start3A_26 = tpu.memref_squeeze %dma_start3A_25 : memref<1x!tpu.dma_semaphore, #tpu.memory_space<semaphore_mem>> -> memref<!tpu.dma_semaphore, #tpu.memory_space<semaphore_mem>>
    %dma_start3A_27 = tpu.memref_slice %arg3[%add3A_22] : memref<640000xi32, #tpu.memory_space<hbm>> -> memref<32xi32, #tpu.memory_space<hbm>>
    tpu.enqueue_dma source(%dma_start3A_27 : memref<32xi32, #tpu.memory_space<hbm>>) target(%arg7 : memref<32xi32, #tpu.memory_space<vmem>>) target_semaphore(%dma_start3A_26 : memref<!tpu.dma_semaphore, #tpu.memory_space<semaphore_mem>>)
    %dma_start3A_28 = arith.constant 0 : i32
    %dma_start3A_29 = arith.constant 0 : i32
    %dma_start3A_30 = arith.constant 0 : i32
    %dma_start3A_31 = arith.constant 0 : i32
    %dma_start3A_32 = tpu.memref_slice %arg17[%dma_start3A_28, %dma_start3A_30, %dma_start3A_31] : memref<8x32x128xf32, #tpu.memory_space<vmem>> -> memref<1x32x128xf32, #tpu.memory_space<vmem>>
    %dma_start3A_33 = tpu.memref_squeeze %dma_start3A_32 : memref<1x32x128xf32, #tpu.memory_space<vmem>> -> memref<32x128xf32, #tpu.memory_space<vmem>>
    %dma_start3A_34 = arith.constant 0 : i32
    %dma_start3A_35 = tpu.memref_slice %arg6[%dma_start3A_34] : memref<9984xi32, #tpu.memory_space<vmem>> -> memref<32xi32, #tpu.memory_space<vmem>>
    %dma_start3A_36 = arith.constant 0 : i32
    %dma_start3A_37 = arith.constant 0 : i32
    %dma_start3A_38 = tpu.memref_slice %arg2[%dma_start3A_36, %dma_start3A_37] : memref<10000x128xf32, #tpu.memory_space<hbm>> -> memref<10000x128xf32, #tpu.memory_space<hbm>>
    %dma_start3A_39 = tpu.memref_slice %arg19[%dma_start3A_29] : memref<8x!tpu.dma_semaphore, #tpu.memory_space<semaphore_mem>> -> memref<1x!tpu.dma_semaphore, #tpu.memory_space<semaphore_mem>>
    %dma_start3A_40 = tpu.memref_squeeze %dma_start3A_39 : memref<1x!tpu.dma_semaphore, #tpu.memory_space<semaphore_mem>> -> memref<!tpu.dma_semaphore, #tpu.memory_space<semaphore_mem>>
    tpu.enqueue_indirect_dma source(%dma_start3A_38 : memref<10000x128xf32, #tpu.memory_space<hbm>>) target(%dma_start3A_33 : memref<32x128xf32, #tpu.memory_space<vmem>>) offsets(%dma_start3A_35 : memref<32xi32, #tpu.memory_space<vmem>>) semaphore(%dma_start3A_40 : memref<!tpu.dma_semaphore, #tpu.memory_space<semaphore_mem>>)
    %mul3A_41 = arith.constant 312 : i32
    %mul3A_42 = arith.muli %add3A, %mul3A_41 : i32
    %add3A_43 = arith.constant 1 : i32
    %add3A_44 = arith.addi %mul3A_42, %add3A_43 : i32
    %mul3A_45 = arith.constant 32 : i32
    %mul3A_46 = arith.muli %add3A_44, %mul3A_45 : i32
    %add3A_47 = arith.constant 320000 : i32
    %add3A_48 = arith.addi %add3A_47, %mul3A_46 : i32
    %dma_start3A_49 = arith.constant 1 : i32
    %dma_start3A_50 = tpu.memref_slice %arg3[%add3A_48] : memref<640000xi32, #tpu.memory_space<hbm>> -> memref<32xi32, #tpu.memory_space<hbm>>
    %dma_start3A_51 = tpu.memref_slice %arg20[%dma_start3A_49] : memref<8x!tpu.dma_semaphore, #tpu.memory_space<semaphore_mem>> -> memref<1x!tpu.dma_semaphore, #tpu.memory_space<semaphore_mem>>
    %dma_start3A_52 = tpu.memref_squeeze %dma_start3A_51 : memref<1x!tpu.dma_semaphore, #tpu.memory_space<semaphore_mem>> -> memref<!tpu.dma_semaphore, #tpu.memory_space<semaphore_mem>>
    %dma_start3A_53 = tpu.memref_slice %arg3[%add3A_48] : memref<640000xi32, #tpu.memory_space<hbm>> -> memref<32xi32, #tpu.memory_space<hbm>>
    tpu.enqueue_dma source(%dma_start3A_53 : memref<32xi32, #tpu.memory_space<hbm>>) target(%arg8 : memref<32xi32, #tpu.memory_space<vmem>>) target_semaphore(%dma_start3A_52 : memref<!tpu.dma_semaphore, #tpu.memory_space<semaphore_mem>>)
    %dma_start3A_54 = arith.constant 1 : i32
    %dma_start3A_55 = arith.constant 1 : i32
    %dma_start3A_56 = arith.constant 0 : i32
    %dma_start3A_57 = arith.constant 0 : i32
    %dma_start3A_58 = tpu.memref_slice %arg17[%dma_start3A_54, %dma_start3A_56, %dma_start3A_57] : memref<8x32x128xf32, #tpu.memory_space<vmem>> -> memref<1x32x128xf32, #tpu.memory_space<vmem>>
    %dma_start3A_59 = tpu.memref_squeeze %dma_start3A_58 : memref<1x32x128xf32, #tpu.memory_space<vmem>> -> memref<32x128xf32, #tpu.memory_space<vmem>>
    %dma_start3A_60 = arith.constant 32 : i32
    %dma_start3A_61 = tpu.memref_slice %arg6[%dma_start3A_60] : memref<9984xi32, #tpu.memory_space<vmem>> -> memref<32xi32, #tpu.memory_space<vmem>>
    %dma_start3A_62 = arith.constant 0 : i32
    %dma_start3A_63 = arith.constant 0 : i32
    %dma_start3A_64 = tpu.memref_slice %arg2[%dma_start3A_62, %dma_start3A_63] : memref<10000x128xf32, #tpu.memory_space<hbm>> -> memref<10000x128xf32, #tpu.memory_space<hbm>>
    %dma_start3A_65 = tpu.memref_slice %arg19[%dma_start3A_55] : memref<8x!tpu.dma_semaphore, #tpu.memory_space<semaphore_mem>> -> memref<1x!tpu.dma_semaphore, #tpu.memory_space<semaphore_mem>>
    %dma_start3A_66 = tpu.memref_squeeze %dma_start3A_65 : memref<1x!tpu.dma_semaphore, #tpu.memory_space<semaphore_mem>> -> memref<!tpu.dma_semaphore, #tpu.memory_space<semaphore_mem>>
    tpu.enqueue_indirect_dma source(%dma_start3A_64 : memref<10000x128xf32, #tpu.memory_space<hbm>>) target(%dma_start3A_59 : memref<32x128xf32, #tpu.memory_space<vmem>>) offsets(%dma_start3A_61 : memref<32xi32, #tpu.memory_space<vmem>>) semaphore(%dma_start3A_66 : memref<!tpu.dma_semaphore, #tpu.memory_space<semaphore_mem>>)
    %mul3A_67 = arith.constant 312 : i32
    %mul3A_68 = arith.muli %add3A, %mul3A_67 : i32
    %add3A_69 = arith.constant 2 : i32
    %add3A_70 = arith.addi %mul3A_68, %add3A_69 : i32
    %mul3A_71 = arith.constant 32 : i32
    %mul3A_72 = arith.muli %add3A_70, %mul3A_71 : i32
    %add3A_73 = arith.constant 320000 : i32
    %add3A_74 = arith.addi %add3A_73, %mul3A_72 : i32
    %dma_start3A_75 = arith.constant 2 : i32
    %dma_start3A_76 = tpu.memref_slice %arg3[%add3A_74] : memref<640000xi32, #tpu.memory_space<hbm>> -> memref<32xi32, #tpu.memory_space<hbm>>
    %dma_start3A_77 = tpu.memref_slice %arg20[%dma_start3A_75] : memref<8x!tpu.dma_semaphore, #tpu.memory_space<semaphore_mem>> -> memref<1x!tpu.dma_semaphore, #tpu.memory_space<semaphore_mem>>
    %dma_start3A_78 = tpu.memref_squeeze %dma_start3A_77 : memref<1x!tpu.dma_semaphore, #tpu.memory_space<semaphore_mem>> -> memref<!tpu.dma_semaphore, #tpu.memory_space<semaphore_mem>>
    %dma_start3A_79 = tpu.memref_slice %arg3[%add3A_74] : memref<640000xi32, #tpu.memory_space<hbm>> -> memref<32xi32, #tpu.memory_space<hbm>>
    tpu.enqueue_dma source(%dma_start3A_79 : memref<32xi32, #tpu.memory_space<hbm>>) target(%arg9 : memref<32xi32, #tpu.memory_space<vmem>>) target_semaphore(%dma_start3A_78 : memref<!tpu.dma_semaphore, #tpu.memory_space<semaphore_mem>>)
    %dma_start3A_80 = arith.constant 2 : i32
    %dma_start3A_81 = arith.constant 2 : i32
    %dma_start3A_82 = arith.constant 0 : i32
    %dma_start3A_83 = arith.constant 0 : i32
    %dma_start3A_84 = tpu.memref_slice %arg17[%dma_start3A_80, %dma_start3A_82, %dma_start3A_83] : memref<8x32x128xf32, #tpu.memory_space<vmem>> -> memref<1x32x128xf32, #tpu.memory_space<vmem>>
    %dma_start3A_85 = tpu.memref_squeeze %dma_start3A_84 : memref<1x32x128xf32, #tpu.memory_space<vmem>> -> memref<32x128xf32, #tpu.memory_space<vmem>>
    %dma_start3A_86 = arith.constant 64 : i32
    %dma_start3A_87 = tpu.memref_slice %arg6[%dma_start3A_86] : memref<9984xi32, #tpu.memory_space<vmem>> -> memref<32xi32, #tpu.memory_space<vmem>>
    %dma_start3A_88 = arith.constant 0 : i32
    %dma_start3A_89 = arith.constant 0 : i32
    %dma_start3A_90 = tpu.memref_slice %arg2[%dma_start3A_88, %dma_start3A_89] : memref<10000x128xf32, #tpu.memory_space<hbm>> -> memref<10000x128xf32, #tpu.memory_space<hbm>>
    %dma_start3A_91 = tpu.memref_slice %arg19[%dma_start3A_81] : memref<8x!tpu.dma_semaphore, #tpu.memory_space<semaphore_mem>> -> memref<1x!tpu.dma_semaphore, #tpu.memory_space<semaphore_mem>>
    %dma_start3A_92 = tpu.memref_squeeze %dma_start3A_91 : memref<1x!tpu.dma_semaphore, #tpu.memory_space<semaphore_mem>> -> memref<!tpu.dma_semaphore, #tpu.memory_space<semaphore_mem>>
    tpu.enqueue_indirect_dma source(%dma_start3A_90 : memref<10000x128xf32, #tpu.memory_space<hbm>>) target(%dma_start3A_85 : memref<32x128xf32, #tpu.memory_space<vmem>>) offsets(%dma_start3A_87 : memref<32xi32, #tpu.memory_space<vmem>>) semaphore(%dma_start3A_92 : memref<!tpu.dma_semaphore, #tpu.memory_space<semaphore_mem>>)
    %mul3A_93 = arith.constant 312 : i32
    %mul3A_94 = arith.muli %add3A, %mul3A_93 : i32
    %add3A_95 = arith.constant 3 : i32
    %add3A_96 = arith.addi %mul3A_94, %add3A_95 : i32
    %mul3A_97 = arith.constant 32 : i32
    %mul3A_98 = arith.muli %add3A_96, %mul3A_97 : i32
    %add3A_99 = arith.constant 320000 : i32
    %add3A_100 = arith.addi %add3A_99, %mul3A_98 : i32
    %dma_start3A_101 = arith.constant 3 : i32
    %dma_start3A_102 = tpu.memref_slice %arg3[%add3A_100] : memref<640000xi32, #tpu.memory_space<hbm>> -> memref<32xi32, #tpu.memory_space<hbm>>
    %dma_start3A_103 = tpu.memref_slice %arg20[%dma_start3A_101] : memref<8x!tpu.dma_semaphore, #tpu.memory_space<semaphore_mem>> -> memref<1x!tpu.dma_semaphore, #tpu.memory_space<semaphore_mem>>
    %dma_start3A_104 = tpu.memref_squeeze %dma_start3A_103 : memref<1x!tpu.dma_semaphore, #tpu.memory_space<semaphore_mem>> -> memref<!tpu.dma_semaphore, #tpu.memory_space<semaphore_mem>>
    %dma_start3A_105 = tpu.memref_slice %arg3[%add3A_100] : memref<640000xi32, #tpu.memory_space<hbm>> -> memref<32xi32, #tpu.memory_space<hbm>>
    tpu.enqueue_dma source(%dma_start3A_105 : memref<32xi32, #tpu.memory_space<hbm>>) target(%arg10 : memref<32xi32, #tpu.memory_space<vmem>>) target_semaphore(%dma_start3A_104 : memref<!tpu.dma_semaphore, #tpu.memory_space<semaphore_mem>>)
    %dma_start3A_106 = arith.constant 3 : i32
    %dma_start3A_107 = arith.constant 3 : i32
    %dma_start3A_108 = arith.constant 0 : i32
    %dma_start3A_109 = arith.constant 0 : i32
    %dma_start3A_110 = tpu.memref_slice %arg17[%dma_start3A_106, %dma_start3A_108, %dma_start3A_109] : memref<8x32x128xf32, #tpu.memory_space<vmem>> -> memref<1x32x128xf32, #tpu.memory_space<vmem>>
    %dma_start3A_111 = tpu.memref_squeeze %dma_start3A_110 : memref<1x32x128xf32, #tpu.memory_space<vmem>> -> memref<32x128xf32, #tpu.memory_space<vmem>>
    %dma_start3A_112 = arith.constant 96 : i32
    %dma_start3A_113 = tpu.memref_slice %arg6[%dma_start3A_112] : memref<9984xi32, #tpu.memory_space<vmem>> -> memref<32xi32, #tpu.memory_space<vmem>>
    %dma_start3A_114 = arith.constant 0 : i32
    %dma_start3A_115 = arith.constant 0 : i32
    %dma_start3A_116 = tpu.memref_slice %arg2[%dma_start3A_114, %dma_start3A_115] : memref<10000x128xf32, #tpu.memory_space<hbm>> -> memref<10000x128xf32, #tpu.memory_space<hbm>>
    %dma_start3A_117 = tpu.memref_slice %arg19[%dma_start3A_107] : memref<8x!tpu.dma_semaphore, #tpu.memory_space<semaphore_mem>> -> memref<1x!tpu.dma_semaphore, #tpu.memory_space<semaphore_mem>>
    %dma_start3A_118 = tpu.memref_squeeze %dma_start3A_117 : memref<1x!tpu.dma_semaphore, #tpu.memory_space<semaphore_mem>> -> memref<!tpu.dma_semaphore, #tpu.memory_space<semaphore_mem>>
    tpu.enqueue_indirect_dma source(%dma_start3A_116 : memref<10000x128xf32, #tpu.memory_space<hbm>>) target(%dma_start3A_111 : memref<32x128xf32, #tpu.memory_space<vmem>>) offsets(%dma_start3A_113 : memref<32xi32, #tpu.memory_space<vmem>>) semaphore(%dma_start3A_118 : memref<!tpu.dma_semaphore, #tpu.memory_space<semaphore_mem>>)
    %mul3A_119 = arith.constant 312 : i32
    %mul3A_120 = arith.muli %add3A, %mul3A_119 : i32
    %add3A_121 = arith.constant 4 : i32
    %add3A_122 = arith.addi %mul3A_120, %add3A_121 : i32
    %mul3A_123 = arith.constant 32 : i32
    %mul3A_124 = arith.muli %add3A_122, %mul3A_123 : i32
    %add3A_125 = arith.constant 320000 : i32
    %add3A_126 = arith.addi %add3A_125, %mul3A_124 : i32
    %dma_start3A_127 = arith.constant 4 : i32
    %dma_start3A_128 = tpu.memref_slice %arg3[%add3A_126] : memref<640000xi32, #tpu.memory_space<hbm>> -> memref<32xi32, #tpu.memory_space<hbm>>
    %dma_start3A_129 = tpu.memref_slice %arg20[%dma_start3A_127] : memref<8x!tpu.dma_semaphore, #tpu.memory_space<semaphore_mem>> -> memref<1x!tpu.dma_semaphore, #tpu.memory_space<semaphore_mem>>
    %dma_start3A_130 = tpu.memref_squeeze %dma_start3A_129 : memref<1x!tpu.dma_semaphore, #tpu.memory_space<semaphore_mem>> -> memref<!tpu.dma_semaphore, #tpu.memory_space<semaphore_mem>>
    %dma_start3A_131 = tpu.memref_slice %arg3[%add3A_126] : memref<640000xi32, #tpu.memory_space<hbm>> -> memref<32xi32, #tpu.memory_space<hbm>>
    tpu.enqueue_dma source(%dma_start3A_131 : memref<32xi32, #tpu.memory_space<hbm>>) target(%arg11 : memref<32xi32, #tpu.memory_space<vmem>>) target_semaphore(%dma_start3A_130 : memref<!tpu.dma_semaphore, #tpu.memory_space<semaphore_mem>>)
    %dma_start3A_132 = arith.constant 4 : i32
    %dma_start3A_133 = arith.constant 4 : i32
    %dma_start3A_134 = arith.constant 0 : i32
    %dma_start3A_135 = arith.constant 0 : i32
    %dma_start3A_136 = tpu.memref_slice %arg17[%dma_start3A_132, %dma_start3A_134, %dma_start3A_135] : memref<8x32x128xf32, #tpu.memory_space<vmem>> -> memref<1x32x128xf32, #tpu.memory_space<vmem>>
    %dma_start3A_137 = tpu.memref_squeeze %dma_start3A_136 : memref<1x32x128xf32, #tpu.memory_space<vmem>> -> memref<32x128xf32, #tpu.memory_space<vmem>>
    %dma_start3A_138 = arith.constant 128 : i32
    %dma_start3A_139 = tpu.memref_slice %arg6[%dma_start3A_138] : memref<9984xi32, #tpu.memory_space<vmem>> -> memref<32xi32, #tpu.memory_space<vmem>>
    %dma_start3A_140 = arith.constant 0 : i32
    %dma_start3A_141 = arith.constant 0 : i32
    %dma_start3A_142 = tpu.memref_slice %arg2[%dma_start3A_140, %dma_start3A_141] : memref<10000x128xf32, #tpu.memory_space<hbm>> -> memref<10000x128xf32, #tpu.memory_space<hbm>>
    %dma_start3A_143 = tpu.memref_slice %arg19[%dma_start3A_133] : memref<8x!tpu.dma_semaphore, #tpu.memory_space<semaphore_mem>> -> memref<1x!tpu.dma_semaphore, #tpu.memory_space<semaphore_mem>>
    %dma_start3A_144 = tpu.memref_squeeze %dma_start3A_143 : memref<1x!tpu.dma_semaphore, #tpu.memory_space<semaphore_mem>> -> memref<!tpu.dma_semaphore, #tpu.memory_space<semaphore_mem>>
    tpu.enqueue_indirect_dma source(%dma_start3A_142 : memref<10000x128xf32, #tpu.memory_space<hbm>>) target(%dma_start3A_137 : memref<32x128xf32, #tpu.memory_space<vmem>>) offsets(%dma_start3A_139 : memref<32xi32, #tpu.memory_space<vmem>>) semaphore(%dma_start3A_144 : memref<!tpu.dma_semaphore, #tpu.memory_space<semaphore_mem>>)
    %mul3A_145 = arith.constant 312 : i32
    %mul3A_146 = arith.muli %add3A, %mul3A_145 : i32
    %add3A_147 = arith.constant 5 : i32
    %add3A_148 = arith.addi %mul3A_146, %add3A_147 : i32
    %mul3A_149 = arith.constant 32 : i32
    %mul3A_150 = arith.muli %add3A_148, %mul3A_149 : i32
    %add3A_151 = arith.constant 320000 : i32
    %add3A_152 = arith.addi %add3A_151, %mul3A_150 : i32
    %dma_start3A_153 = arith.constant 5 : i32
    %dma_start3A_154 = tpu.memref_slice %arg3[%add3A_152] : memref<640000xi32, #tpu.memory_space<hbm>> -> memref<32xi32, #tpu.memory_space<hbm>>
    %dma_start3A_155 = tpu.memref_slice %arg20[%dma_start3A_153] : memref<8x!tpu.dma_semaphore, #tpu.memory_space<semaphore_mem>> -> memref<1x!tpu.dma_semaphore, #tpu.memory_space<semaphore_mem>>
    %dma_start3A_156 = tpu.memref_squeeze %dma_start3A_155 : memref<1x!tpu.dma_semaphore, #tpu.memory_space<semaphore_mem>> -> memref<!tpu.dma_semaphore, #tpu.memory_space<semaphore_mem>>
    %dma_start3A_157 = tpu.memref_slice %arg3[%add3A_152] : memref<640000xi32, #tpu.memory_space<hbm>> -> memref<32xi32, #tpu.memory_space<hbm>>
    tpu.enqueue_dma source(%dma_start3A_157 : memref<32xi32, #tpu.memory_space<hbm>>) target(%arg12 : memref<32xi32, #tpu.memory_space<vmem>>) target_semaphore(%dma_start3A_156 : memref<!tpu.dma_semaphore, #tpu.memory_space<semaphore_mem>>)
    %dma_start3A_158 = arith.constant 5 : i32
    %dma_start3A_159 = arith.constant 5 : i32
    %dma_start3A_160 = arith.constant 0 : i32
    %dma_start3A_161 = arith.constant 0 : i32
    %dma_start3A_162 = tpu.memref_slice %arg17[%dma_start3A_158, %dma_start3A_160, %dma_start3A_161] : memref<8x32x128xf32, #tpu.memory_space<vmem>> -> memref<1x32x128xf32, #tpu.memory_space<vmem>>
    %dma_start3A_163 = tpu.memref_squeeze %dma_start3A_162 : memref<1x32x128xf32, #tpu.memory_space<vmem>> -> memref<32x128xf32, #tpu.memory_space<vmem>>
    %dma_start3A_164 = arith.constant 160 : i32
    %dma_start3A_165 = tpu.memref_slice %arg6[%dma_start3A_164] : memref<9984xi32, #tpu.memory_space<vmem>> -> memref<32xi32, #tpu.memory_space<vmem>>
    %dma_start3A_166 = arith.constant 0 : i32
    %dma_start3A_167 = arith.constant 0 : i32
    %dma_start3A_168 = tpu.memref_slice %arg2[%dma_start3A_166, %dma_start3A_167] : memref<10000x128xf32, #tpu.memory_space<hbm>> -> memref<10000x128xf32, #tpu.memory_space<hbm>>
    %dma_start3A_169 = tpu.memref_slice %arg19[%dma_start3A_159] : memref<8x!tpu.dma_semaphore, #tpu.memory_space<semaphore_mem>> -> memref<1x!tpu.dma_semaphore, #tpu.memory_space<semaphore_mem>>
    %dma_start3A_170 = tpu.memref_squeeze %dma_start3A_169 : memref<1x!tpu.dma_semaphore, #tpu.memory_space<semaphore_mem>> -> memref<!tpu.dma_semaphore, #tpu.memory_space<semaphore_mem>>
    tpu.enqueue_indirect_dma source(%dma_start3A_168 : memref<10000x128xf32, #tpu.memory_space<hbm>>) target(%dma_start3A_163 : memref<32x128xf32, #tpu.memory_space<vmem>>) offsets(%dma_start3A_165 : memref<32xi32, #tpu.memory_space<vmem>>) semaphore(%dma_start3A_170 : memref<!tpu.dma_semaphore, #tpu.memory_space<semaphore_mem>>)
    %scan3A = arith.constant 0 : i32
    %scan3A_171 = arith.constant 39 : i32
    %scan3A_172 = arith.addi %scan3A, %scan3A_171 : i32
    %scan3A_173 = arith.constant 1 : i32
    scf.for %scan3A_208 = %scan3A to %scan3A_172 step %scan3A_173  : i32 {
      %mul3A_209 = arith.constant 1 : i32
      %mul3A_210 = arith.muli %scan3A_208, %mul3A_209 : i32
      %add3A_211 = arith.constant 0 : i32
      %add3A_212 = arith.addi %add3A_211, %mul3A_210 : i32
      %mul3A_213 = arith.constant 8 : i32
      %mul3A_214 = arith.muli %add3A_212, %mul3A_213 : i32
      %add3A_215 = arith.constant 0 : i32
      %add3A_216 = arith.addi %mul3A_214, %add3A_215 : i32
      %mul3A_217 = arith.constant 2 : i32
      %mul3A_218 = arith.muli %add3A_212, %mul3A_217 : i32
      %add3A_219 = arith.constant 0 : i32
      %add3A_220 = arith.addi %mul3A_218, %add3A_219 : i32
      %mul3A_221 = arith.constant 4 : i32
      %mul3A_222 = arith.muli %add3A_220, %mul3A_221 : i32
      %add3A_223 = arith.constant 0 : i32
      %add3A_224 = arith.addi %mul3A_222, %add3A_223 : i32
      %mul3A_225 = arith.constant 32 : i32
      %mul3A_226 = arith.muli %add3A_224, %mul3A_225 : i32
      %dma_wait3A_227 = arith.constant 0 : i32
      %dma_wait3A_228 = arith.constant 0 : i32
      %dma_wait3A_229 = arith.constant 0 : i32
      %dma_wait3A_230 = arith.constant 0 : i32
      %dma_wait3A_231 = tpu.memref_slice %arg17[%dma_wait3A_227, %dma_wait3A_229, %dma_wait3A_230] : memref<8x32x128xf32, #tpu.memory_space<vmem>> -> memref<1x32x128xf32, #tpu.memory_space<vmem>>
      %dma_wait3A_232 = tpu.memref_squeeze %dma_wait3A_231 : memref<1x32x128xf32, #tpu.memory_space<vmem>> -> memref<32x128xf32, #tpu.memory_space<vmem>>
      %dma_wait3A_233 = tpu.memref_slice %arg6[%mul3A_226] : memref<9984xi32, #tpu.memory_space<vmem>> -> memref<32xi32, #tpu.memory_space<vmem>>
      %dma_wait3A_234 = arith.constant 0 : i32
      %dma_wait3A_235 = arith.constant 0 : i32
      %dma_wait3A_236 = tpu.memref_slice %arg2[%dma_wait3A_234, %dma_wait3A_235] : memref<10000x128xf32, #tpu.memory_space<hbm>> -> memref<10000x128xf32, #tpu.memory_space<hbm>>
      %dma_wait3A_237 = tpu.memref_slice %arg19[%dma_wait3A_228] : memref<8x!tpu.dma_semaphore, #tpu.memory_space<semaphore_mem>> -> memref<1x!tpu.dma_semaphore, #tpu.memory_space<semaphore_mem>>
      %dma_wait3A_238 = tpu.memref_squeeze %dma_wait3A_237 : memref<1x!tpu.dma_semaphore, #tpu.memory_space<semaphore_mem>> -> memref<!tpu.dma_semaphore, #tpu.memory_space<semaphore_mem>>
      tpu.wait_indirect_dma semaphore(%dma_wait3A_238 : memref<!tpu.dma_semaphore, #tpu.memory_space<semaphore_mem>>) src(%dma_wait3A_236 : memref<10000x128xf32, #tpu.memory_space<hbm>>) dst(%dma_wait3A_232 : memref<32x128xf32, #tpu.memory_space<vmem>>)
      %mul3A_239 = arith.constant 312 : i32
      %mul3A_240 = arith.muli %add3A, %mul3A_239 : i32
      %add3A_241 = arith.addi %mul3A_240, %add3A_216 : i32
      %mul3A_242 = arith.constant 32 : i32
      %mul3A_243 = arith.muli %add3A_241, %mul3A_242 : i32
      %add3A_244 = arith.constant 320000 : i32
      %add3A_245 = arith.addi %add3A_244, %mul3A_243 : i32
      %dma_wait3A_246 = arith.constant 0 : i32
      %dma_wait3A_247 = tpu.memref_slice %arg3[%add3A_245] : memref<640000xi32, #tpu.memory_space<hbm>> -> memref<32xi32, #tpu.memory_space<hbm>>
      %dma_wait3A_248 = tpu.memref_slice %arg20[%dma_wait3A_246] : memref<8x!tpu.dma_semaphore, #tpu.memory_space<semaphore_mem>> -> memref<1x!tpu.dma_semaphore, #tpu.memory_space<semaphore_mem>>
      %dma_wait3A_249 = tpu.memref_squeeze %dma_wait3A_248 : memref<1x!tpu.dma_semaphore, #tpu.memory_space<semaphore_mem>> -> memref<!tpu.dma_semaphore, #tpu.memory_space<semaphore_mem>>
      %dma_wait3A_250 = tpu.memref_slice %arg3[%add3A_245] : memref<640000xi32, #tpu.memory_space<hbm>> -> memref<32xi32, #tpu.memory_space<hbm>>
      tpu.wait_dma2 semaphore(%dma_wait3A_249 : memref<!tpu.dma_semaphore, #tpu.memory_space<semaphore_mem>>) src(%dma_wait3A_250 : memref<32xi32, #tpu.memory_space<hbm>>) dst(%arg7 : memref<32xi32, #tpu.memory_space<vmem>>)
      %dma_start3A_251 = arith.constant 0 : i32
      %dma_start3A_252 = arith.constant 0 : i32
      %dma_start3A_253 = arith.constant 0 : i32
      %dma_start3A_254 = arith.constant 0 : i32
      %dma_start3A_255 = tpu.memref_slice %arg17[%dma_start3A_251, %dma_start3A_253, %dma_start3A_254] : memref<8x32x128xf32, #tpu.memory_space<vmem>> -> memref<1x32x128xf32, #tpu.memory_space<vmem>>
      %dma_start3A_256 = tpu.memref_squeeze %dma_start3A_255 : memref<1x32x128xf32, #tpu.memory_space<vmem>> -> memref<32x128xf32, #tpu.memory_space<vmem>>
      %dma_start3A_257 = arith.constant 0 : i32
      %dma_start3A_258 = arith.constant 0 : i32
      %dma_start3A_259 = tpu.memref_slice %arg18[%dma_start3A_257, %dma_start3A_258] : memref<10000x128xf32, #tpu.memory_space<vmem_shared>> -> memref<10000x128xf32, #tpu.memory_space<vmem_shared>>
      %dma_start3A_260 = tpu.memref_slice %arg21[%dma_start3A_252] : memref<8x!tpu.dma_semaphore, #tpu.memory_space<semaphore_mem>> -> memref<1x!tpu.dma_semaphore, #tpu.memory_space<semaphore_mem>>
      %dma_start3A_261 = tpu.memref_squeeze %dma_start3A_260 : memref<1x!tpu.dma_semaphore, #tpu.memory_space<semaphore_mem>> -> memref<!tpu.dma_semaphore, #tpu.memory_space<semaphore_mem>>
      tpu.enqueue_indirect_dma source(%dma_start3A_256 : memref<32x128xf32, #tpu.memory_space<vmem>>) target(%dma_start3A_259 : memref<10000x128xf32, #tpu.memory_space<vmem_shared>>) offsets(%arg7 : memref<32xi32, #tpu.memory_space<vmem>>) semaphore(%dma_start3A_261 : memref<!tpu.dma_semaphore, #tpu.memory_space<semaphore_mem>>) {add = true}
      %ge3A = arith.constant 2 : i32
      %ge3A_262 = arith.cmpi sge, %add3A_216, %ge3A : i32
      %convert_element_type3A_263 = arith.extui %ge3A_262 : i1 to i32
      %cond3A_264 = arith.constant 0 : i32
      %cond3A_265 = arith.cmpi ne, %convert_element_type3A_263, %cond3A_264 : i32
      scf.if %cond3A_265 {
        %sub3A = arith.constant 2 : i32
        %sub3A_700 = arith.subi %add3A_216, %sub3A : i32
        %dma_wait3A_701 = arith.constant 6 : i32
        %dma_wait3A_702 = arith.constant 6 : i32
        %dma_wait3A_703 = arith.constant 0 : i32
        %dma_wait3A_704 = arith.constant 0 : i32
        %dma_wait3A_705 = tpu.memref_slice %arg17[%dma_wait3A_701, %dma_wait3A_703, %dma_wait3A_704] : memref<8x32x128xf32, #tpu.memory_space<vmem>> -> memref<1x32x128xf32, #tpu.memory_space<vmem>>
        %dma_wait3A_706 = tpu.memref_squeeze %dma_wait3A_705 : memref<1x32x128xf32, #tpu.memory_space<vmem>> -> memref<32x128xf32, #tpu.memory_space<vmem>>
        %dma_wait3A_707 = arith.constant 0 : i32
        %dma_wait3A_708 = arith.constant 0 : i32
        %dma_wait3A_709 = tpu.memref_slice %arg18[%dma_wait3A_707, %dma_wait3A_708] : memref<10000x128xf32, #tpu.memory_space<vmem_shared>> -> memref<10000x128xf32, #tpu.memory_space<vmem_shared>>
        %dma_wait3A_710 = tpu.memref_slice %arg21[%dma_wait3A_702] : memref<8x!tpu.dma_semaphore, #tpu.memory_space<semaphore_mem>> -> memref<1x!tpu.dma_semaphore, #tpu.memory_space<semaphore_mem>>
        %dma_wait3A_711 = tpu.memref_squeeze %dma_wait3A_710 : memref<1x!tpu.dma_semaphore, #tpu.memory_space<semaphore_mem>> -> memref<!tpu.dma_semaphore, #tpu.memory_space<semaphore_mem>>
        tpu.wait_indirect_dma semaphore(%dma_wait3A_711 : memref<!tpu.dma_semaphore, #tpu.memory_space<semaphore_mem>>) src(%dma_wait3A_706 : memref<32x128xf32, #tpu.memory_space<vmem>>) dst(%dma_wait3A_709 : memref<10000x128xf32, #tpu.memory_space<vmem_shared>>)
      } else {
      }
      %add3A_266 = arith.constant 6 : i32
      %add3A_267 = arith.addi %add3A_216, %add3A_266 : i32
      %lt3A_268 = arith.constant 312 : i32
      %lt3A_269 = arith.cmpi slt, %add3A_267, %lt3A_268 : i32
      %convert_element_type3A_270 = arith.extui %lt3A_269 : i1 to i32
      %cond3A_271 = arith.constant 0 : i32
      %cond3A_272 = arith.cmpi ne, %convert_element_type3A_270, %cond3A_271 : i32
      scf.if %cond3A_272 {
        %add3A_700 = arith.constant 6 : i32
        %add3A_701 = arith.addi %add3A_216, %add3A_700 : i32
        %mul3A_702 = arith.constant 312 : i32
        %mul3A_703 = arith.muli %add3A, %mul3A_702 : i32
        %add3A_704 = arith.addi %mul3A_703, %add3A_701 : i32
        %mul3A_705 = arith.constant 32 : i32
        %mul3A_706 = arith.muli %add3A_704, %mul3A_705 : i32
        %add3A_707 = arith.constant 320000 : i32
        %add3A_708 = arith.addi %add3A_707, %mul3A_706 : i32
        %dma_start3A_709 = arith.constant 6 : i32
        %dma_start3A_710 = tpu.memref_slice %arg3[%add3A_708] : memref<640000xi32, #tpu.memory_space<hbm>> -> memref<32xi32, #tpu.memory_space<hbm>>
        %dma_start3A_711 = tpu.memref_slice %arg20[%dma_start3A_709] : memref<8x!tpu.dma_semaphore, #tpu.memory_space<semaphore_mem>> -> memref<1x!tpu.dma_semaphore, #tpu.memory_space<semaphore_mem>>
        %dma_start3A_712 = tpu.memref_squeeze %dma_start3A_711 : memref<1x!tpu.dma_semaphore, #tpu.memory_space<semaphore_mem>> -> memref<!tpu.dma_semaphore, #tpu.memory_space<semaphore_mem>>
        %dma_start3A_713 = tpu.memref_slice %arg3[%add3A_708] : memref<640000xi32, #tpu.memory_space<hbm>> -> memref<32xi32, #tpu.memory_space<hbm>>
        tpu.enqueue_dma source(%dma_start3A_713 : memref<32xi32, #tpu.memory_space<hbm>>) target(%arg13 : memref<32xi32, #tpu.memory_space<vmem>>) target_semaphore(%dma_start3A_712 : memref<!tpu.dma_semaphore, #tpu.memory_space<semaphore_mem>>)
        %mul3A_714 = arith.constant 2 : i32
        %mul3A_715 = arith.muli %add3A_212, %mul3A_714 : i32
        %add3A_716 = arith.constant 1 : i32
        %add3A_717 = arith.addi %mul3A_715, %add3A_716 : i32
        %mul3A_718 = arith.constant 4 : i32
        %mul3A_719 = arith.muli %add3A_717, %mul3A_718 : i32
        %add3A_720 = arith.constant 2 : i32
        %add3A_721 = arith.addi %mul3A_719, %add3A_720 : i32
        %mul3A_722 = arith.constant 32 : i32
        %mul3A_723 = arith.muli %add3A_721, %mul3A_722 : i32
        %dma_start3A_724 = arith.constant 6 : i32
        %dma_start3A_725 = arith.constant 6 : i32
        %dma_start3A_726 = arith.constant 0 : i32
        %dma_start3A_727 = arith.constant 0 : i32
        %dma_start3A_728 = tpu.memref_slice %arg17[%dma_start3A_724, %dma_start3A_726, %dma_start3A_727] : memref<8x32x128xf32, #tpu.memory_space<vmem>> -> memref<1x32x128xf32, #tpu.memory_space<vmem>>
        %dma_start3A_729 = tpu.memref_squeeze %dma_start3A_728 : memref<1x32x128xf32, #tpu.memory_space<vmem>> -> memref<32x128xf32, #tpu.memory_space<vmem>>
        %dma_start3A_730 = tpu.memref_slice %arg6[%mul3A_723] : memref<9984xi32, #tpu.memory_space<vmem>> -> memref<32xi32, #tpu.memory_space<vmem>>
        %dma_start3A_731 = arith.constant 0 : i32
        %dma_start3A_732 = arith.constant 0 : i32
        %dma_start3A_733 = tpu.memref_slice %arg2[%dma_start3A_731, %dma_start3A_732] : memref<10000x128xf32, #tpu.memory_space<hbm>> -> memref<10000x128xf32, #tpu.memory_space<hbm>>
        %dma_start3A_734 = tpu.memref_slice %arg19[%dma_start3A_725] : memref<8x!tpu.dma_semaphore, #tpu.memory_space<semaphore_mem>> -> memref<1x!tpu.dma_semaphore, #tpu.memory_space<semaphore_mem>>
        %dma_start3A_735 = tpu.memref_squeeze %dma_start3A_734 : memref<1x!tpu.dma_semaphore, #tpu.memory_space<semaphore_mem>> -> memref<!tpu.dma_semaphore, #tpu.memory_space<semaphore_mem>>
        tpu.enqueue_indirect_dma source(%dma_start3A_733 : memref<10000x128xf32, #tpu.memory_space<hbm>>) target(%dma_start3A_729 : memref<32x128xf32, #tpu.memory_space<vmem>>) offsets(%dma_start3A_730 : memref<32xi32, #tpu.memory_space<vmem>>) semaphore(%dma_start3A_735 : memref<!tpu.dma_semaphore, #tpu.memory_space<semaphore_mem>>)
      } else {
      }
      %mul3A_273 = arith.constant 8 : i32
      %mul3A_274 = arith.muli %add3A_212, %mul3A_273 : i32
      %add3A_275 = arith.constant 1 : i32
      %add3A_276 = arith.addi %mul3A_274, %add3A_275 : i32
      %mul3A_277 = arith.constant 2 : i32
      %mul3A_278 = arith.muli %add3A_212, %mul3A_277 : i32
      %add3A_279 = arith.constant 0 : i32
      %add3A_280 = arith.addi %mul3A_278, %add3A_279 : i32
      %mul3A_281 = arith.constant 4 : i32
      %mul3A_282 = arith.muli %add3A_280, %mul3A_281 : i32
      %add3A_283 = arith.constant 1 : i32
      %add3A_284 = arith.addi %mul3A_282, %add3A_283 : i32
      %mul3A_285 = arith.constant 32 : i32
      %mul3A_286 = arith.muli %add3A_284, %mul3A_285 : i32
      %dma_wait3A_287 = arith.constant 1 : i32
      %dma_wait3A_288 = arith.constant 1 : i32
      %dma_wait3A_289 = arith.constant 0 : i32
      %dma_wait3A_290 = arith.constant 0 : i32
      %dma_wait3A_291 = tpu.memref_slice %arg17[%dma_wait3A_287, %dma_wait3A_289, %dma_wait3A_290] : memref<8x32x128xf32, #tpu.memory_space<vmem>> -> memref<1x32x128xf32, #tpu.memory_space<vmem>>
      %dma_wait3A_292 = tpu.memref_squeeze %dma_wait3A_291 : memref<1x32x128xf32, #tpu.memory_space<vmem>> -> memref<32x128xf32, #tpu.memory_space<vmem>>
      %dma_wait3A_293 = tpu.memref_slice %arg6[%mul3A_286] : memref<9984xi32, #tpu.memory_space<vmem>> -> memref<32xi32, #tpu.memory_space<vmem>>
      %dma_wait3A_294 = arith.constant 0 : i32
      %dma_wait3A_295 = arith.constant 0 : i32
      %dma_wait3A_296 = tpu.memref_slice %arg2[%dma_wait3A_294, %dma_wait3A_295] : memref<10000x128xf32, #tpu.memory_space<hbm>> -> memref<10000x128xf32, #tpu.memory_space<hbm>>
      %dma_wait3A_297 = tpu.memref_slice %arg19[%dma_wait3A_288] : memref<8x!tpu.dma_semaphore, #tpu.memory_space<semaphore_mem>> -> memref<1x!tpu.dma_semaphore, #tpu.memory_space<semaphore_mem>>
      %dma_wait3A_298 = tpu.memref_squeeze %dma_wait3A_297 : memref<1x!tpu.dma_semaphore, #tpu.memory_space<semaphore_mem>> -> memref<!tpu.dma_semaphore, #tpu.memory_space<semaphore_mem>>
      tpu.wait_indirect_dma semaphore(%dma_wait3A_298 : memref<!tpu.dma_semaphore, #tpu.memory_space<semaphore_mem>>) src(%dma_wait3A_296 : memref<10000x128xf32, #tpu.memory_space<hbm>>) dst(%dma_wait3A_292 : memref<32x128xf32, #tpu.memory_space<vmem>>)
      %mul3A_299 = arith.constant 312 : i32
      %mul3A_300 = arith.muli %add3A, %mul3A_299 : i32
      %add3A_301 = arith.addi %mul3A_300, %add3A_276 : i32
      %mul3A_302 = arith.constant 32 : i32
      %mul3A_303 = arith.muli %add3A_301, %mul3A_302 : i32
      %add3A_304 = arith.constant 320000 : i32
      %add3A_305 = arith.addi %add3A_304, %mul3A_303 : i32
      %dma_wait3A_306 = arith.constant 1 : i32
      %dma_wait3A_307 = tpu.memref_slice %arg3[%add3A_305] : memref<640000xi32, #tpu.memory_space<hbm>> -> memref<32xi32, #tpu.memory_space<hbm>>
      %dma_wait3A_308 = tpu.memref_slice %arg20[%dma_wait3A_306] : memref<8x!tpu.dma_semaphore, #tpu.memory_space<semaphore_mem>> -> memref<1x!tpu.dma_semaphore, #tpu.memory_space<semaphore_mem>>
      %dma_wait3A_309 = tpu.memref_squeeze %dma_wait3A_308 : memref<1x!tpu.dma_semaphore, #tpu.memory_space<semaphore_mem>> -> memref<!tpu.dma_semaphore, #tpu.memory_space<semaphore_mem>>
      %dma_wait3A_310 = tpu.memref_slice %arg3[%add3A_305] : memref<640000xi32, #tpu.memory_space<hbm>> -> memref<32xi32, #tpu.memory_space<hbm>>
      tpu.wait_dma2 semaphore(%dma_wait3A_309 : memref<!tpu.dma_semaphore, #tpu.memory_space<semaphore_mem>>) src(%dma_wait3A_310 : memref<32xi32, #tpu.memory_space<hbm>>) dst(%arg8 : memref<32xi32, #tpu.memory_space<vmem>>)
      %dma_start3A_311 = arith.constant 1 : i32
      %dma_start3A_312 = arith.constant 1 : i32
      %dma_start3A_313 = arith.constant 0 : i32
      %dma_start3A_314 = arith.constant 0 : i32
      %dma_start3A_315 = tpu.memref_slice %arg17[%dma_start3A_311, %dma_start3A_313, %dma_start3A_314] : memref<8x32x128xf32, #tpu.memory_space<vmem>> -> memref<1x32x128xf32, #tpu.memory_space<vmem>>
      %dma_start3A_316 = tpu.memref_squeeze %dma_start3A_315 : memref<1x32x128xf32, #tpu.memory_space<vmem>> -> memref<32x128xf32, #tpu.memory_space<vmem>>
      %dma_start3A_317 = arith.constant 0 : i32
      %dma_start3A_318 = arith.constant 0 : i32
      %dma_start3A_319 = tpu.memref_slice %arg18[%dma_start3A_317, %dma_start3A_318] : memref<10000x128xf32, #tpu.memory_space<vmem_shared>> -> memref<10000x128xf32, #tpu.memory_space<vmem_shared>>
      %dma_start3A_320 = tpu.memref_slice %arg21[%dma_start3A_312] : memref<8x!tpu.dma_semaphore, #tpu.memory_space<semaphore_mem>> -> memref<1x!tpu.dma_semaphore, #tpu.memory_space<semaphore_mem>>
      %dma_start3A_321 = tpu.memref_squeeze %dma_start3A_320 : memref<1x!tpu.dma_semaphore, #tpu.memory_space<semaphore_mem>> -> memref<!tpu.dma_semaphore, #tpu.memory_space<semaphore_mem>>
      tpu.enqueue_indirect_dma source(%dma_start3A_316 : memref<32x128xf32, #tpu.memory_space<vmem>>) target(%dma_start3A_319 : memref<10000x128xf32, #tpu.memory_space<vmem_shared>>) offsets(%arg8 : memref<32xi32, #tpu.memory_space<vmem>>) semaphore(%dma_start3A_321 : memref<!tpu.dma_semaphore, #tpu.memory_space<semaphore_mem>>) {add = true}
      %ge3A_322 = arith.constant 2 : i32
      %ge3A_323 = arith.cmpi sge, %add3A_276, %ge3A_322 : i32
      %convert_element_type3A_324 = arith.extui %ge3A_323 : i1 to i32
      %cond3A_325 = arith.constant 0 : i32
      %cond3A_326 = arith.cmpi ne, %convert_element_type3A_324, %cond3A_325 : i32
      scf.if %cond3A_326 {
        %sub3A = arith.constant 2 : i32
        %sub3A_700 = arith.subi %add3A_276, %sub3A : i32
        %dma_wait3A_701 = arith.constant 7 : i32
        %dma_wait3A_702 = arith.constant 7 : i32
        %dma_wait3A_703 = arith.constant 0 : i32
        %dma_wait3A_704 = arith.constant 0 : i32
        %dma_wait3A_705 = tpu.memref_slice %arg17[%dma_wait3A_701, %dma_wait3A_703, %dma_wait3A_704] : memref<8x32x128xf32, #tpu.memory_space<vmem>> -> memref<1x32x128xf32, #tpu.memory_space<vmem>>
        %dma_wait3A_706 = tpu.memref_squeeze %dma_wait3A_705 : memref<1x32x128xf32, #tpu.memory_space<vmem>> -> memref<32x128xf32, #tpu.memory_space<vmem>>
        %dma_wait3A_707 = arith.constant 0 : i32
        %dma_wait3A_708 = arith.constant 0 : i32
        %dma_wait3A_709 = tpu.memref_slice %arg18[%dma_wait3A_707, %dma_wait3A_708] : memref<10000x128xf32, #tpu.memory_space<vmem_shared>> -> memref<10000x128xf32, #tpu.memory_space<vmem_shared>>
        %dma_wait3A_710 = tpu.memref_slice %arg21[%dma_wait3A_702] : memref<8x!tpu.dma_semaphore, #tpu.memory_space<semaphore_mem>> -> memref<1x!tpu.dma_semaphore, #tpu.memory_space<semaphore_mem>>
        %dma_wait3A_711 = tpu.memref_squeeze %dma_wait3A_710 : memref<1x!tpu.dma_semaphore, #tpu.memory_space<semaphore_mem>> -> memref<!tpu.dma_semaphore, #tpu.memory_space<semaphore_mem>>
        tpu.wait_indirect_dma semaphore(%dma_wait3A_711 : memref<!tpu.dma_semaphore, #tpu.memory_space<semaphore_mem>>) src(%dma_wait3A_706 : memref<32x128xf32, #tpu.memory_space<vmem>>) dst(%dma_wait3A_709 : memref<10000x128xf32, #tpu.memory_space<vmem_shared>>)
      } else {
      }
      %add3A_327 = arith.constant 6 : i32
      %add3A_328 = arith.addi %add3A_276, %add3A_327 : i32
      %lt3A_329 = arith.constant 312 : i32
      %lt3A_330 = arith.cmpi slt, %add3A_328, %lt3A_329 : i32
      %convert_element_type3A_331 = arith.extui %lt3A_330 : i1 to i32
      %cond3A_332 = arith.constant 0 : i32
      %cond3A_333 = arith.cmpi ne, %convert_element_type3A_331, %cond3A_332 : i32
      scf.if %cond3A_333 {
        %add3A_700 = arith.constant 6 : i32
        %add3A_701 = arith.addi %add3A_276, %add3A_700 : i32
        %mul3A_702 = arith.constant 312 : i32
        %mul3A_703 = arith.muli %add3A, %mul3A_702 : i32
        %add3A_704 = arith.addi %mul3A_703, %add3A_701 : i32
        %mul3A_705 = arith.constant 32 : i32
        %mul3A_706 = arith.muli %add3A_704, %mul3A_705 : i32
        %add3A_707 = arith.constant 320000 : i32
        %add3A_708 = arith.addi %add3A_707, %mul3A_706 : i32
        %dma_start3A_709 = arith.constant 7 : i32
        %dma_start3A_710 = tpu.memref_slice %arg3[%add3A_708] : memref<640000xi32, #tpu.memory_space<hbm>> -> memref<32xi32, #tpu.memory_space<hbm>>
        %dma_start3A_711 = tpu.memref_slice %arg20[%dma_start3A_709] : memref<8x!tpu.dma_semaphore, #tpu.memory_space<semaphore_mem>> -> memref<1x!tpu.dma_semaphore, #tpu.memory_space<semaphore_mem>>
        %dma_start3A_712 = tpu.memref_squeeze %dma_start3A_711 : memref<1x!tpu.dma_semaphore, #tpu.memory_space<semaphore_mem>> -> memref<!tpu.dma_semaphore, #tpu.memory_space<semaphore_mem>>
        %dma_start3A_713 = tpu.memref_slice %arg3[%add3A_708] : memref<640000xi32, #tpu.memory_space<hbm>> -> memref<32xi32, #tpu.memory_space<hbm>>
        tpu.enqueue_dma source(%dma_start3A_713 : memref<32xi32, #tpu.memory_space<hbm>>) target(%arg14 : memref<32xi32, #tpu.memory_space<vmem>>) target_semaphore(%dma_start3A_712 : memref<!tpu.dma_semaphore, #tpu.memory_space<semaphore_mem>>)
        %mul3A_714 = arith.constant 2 : i32
        %mul3A_715 = arith.muli %add3A_212, %mul3A_714 : i32
        %add3A_716 = arith.constant 1 : i32
        %add3A_717 = arith.addi %mul3A_715, %add3A_716 : i32
        %mul3A_718 = arith.constant 4 : i32
        %mul3A_719 = arith.muli %add3A_717, %mul3A_718 : i32
        %add3A_720 = arith.constant 3 : i32
        %add3A_721 = arith.addi %mul3A_719, %add3A_720 : i32
        %mul3A_722 = arith.constant 32 : i32
        %mul3A_723 = arith.muli %add3A_721, %mul3A_722 : i32
        %dma_start3A_724 = arith.constant 7 : i32
        %dma_start3A_725 = arith.constant 7 : i32
        %dma_start3A_726 = arith.constant 0 : i32
        %dma_start3A_727 = arith.constant 0 : i32
        %dma_start3A_728 = tpu.memref_slice %arg17[%dma_start3A_724, %dma_start3A_726, %dma_start3A_727] : memref<8x32x128xf32, #tpu.memory_space<vmem>> -> memref<1x32x128xf32, #tpu.memory_space<vmem>>
        %dma_start3A_729 = tpu.memref_squeeze %dma_start3A_728 : memref<1x32x128xf32, #tpu.memory_space<vmem>> -> memref<32x128xf32, #tpu.memory_space<vmem>>
        %dma_start3A_730 = tpu.memref_slice %arg6[%mul3A_723] : memref<9984xi32, #tpu.memory_space<vmem>> -> memref<32xi32, #tpu.memory_space<vmem>>
        %dma_start3A_731 = arith.constant 0 : i32
        %dma_start3A_732 = arith.constant 0 : i32
        %dma_start3A_733 = tpu.memref_slice %arg2[%dma_start3A_731, %dma_start3A_732] : memref<10000x128xf32, #tpu.memory_space<hbm>> -> memref<10000x128xf32, #tpu.memory_space<hbm>>
        %dma_start3A_734 = tpu.memref_slice %arg19[%dma_start3A_725] : memref<8x!tpu.dma_semaphore, #tpu.memory_space<semaphore_mem>> -> memref<1x!tpu.dma_semaphore, #tpu.memory_space<semaphore_mem>>
        %dma_start3A_735 = tpu.memref_squeeze %dma_start3A_734 : memref<1x!tpu.dma_semaphore, #tpu.memory_space<semaphore_mem>> -> memref<!tpu.dma_semaphore, #tpu.memory_space<semaphore_mem>>
        tpu.enqueue_indirect_dma source(%dma_start3A_733 : memref<10000x128xf32, #tpu.memory_space<hbm>>) target(%dma_start3A_729 : memref<32x128xf32, #tpu.memory_space<vmem>>) offsets(%dma_start3A_730 : memref<32xi32, #tpu.memory_space<vmem>>) semaphore(%dma_start3A_735 : memref<!tpu.dma_semaphore, #tpu.memory_space<semaphore_mem>>)
      } else {
      }
      %mul3A_334 = arith.constant 8 : i32
      %mul3A_335 = arith.muli %add3A_212, %mul3A_334 : i32
      %add3A_336 = arith.constant 2 : i32
      %add3A_337 = arith.addi %mul3A_335, %add3A_336 : i32
      %mul3A_338 = arith.constant 2 : i32
      %mul3A_339 = arith.muli %add3A_212, %mul3A_338 : i32
      %add3A_340 = arith.constant 0 : i32
      %add3A_341 = arith.addi %mul3A_339, %add3A_340 : i32
      %mul3A_342 = arith.constant 4 : i32
      %mul3A_343 = arith.muli %add3A_341, %mul3A_342 : i32
      %add3A_344 = arith.constant 2 : i32
      %add3A_345 = arith.addi %mul3A_343, %add3A_344 : i32
      %mul3A_346 = arith.constant 32 : i32
      %mul3A_347 = arith.muli %add3A_345, %mul3A_346 : i32
      %dma_wait3A_348 = arith.constant 2 : i32
      %dma_wait3A_349 = arith.constant 2 : i32
      %dma_wait3A_350 = arith.constant 0 : i32
      %dma_wait3A_351 = arith.constant 0 : i32
      %dma_wait3A_352 = tpu.memref_slice %arg17[%dma_wait3A_348, %dma_wait3A_350, %dma_wait3A_351] : memref<8x32x128xf32, #tpu.memory_space<vmem>> -> memref<1x32x128xf32, #tpu.memory_space<vmem>>
      %dma_wait3A_353 = tpu.memref_squeeze %dma_wait3A_352 : memref<1x32x128xf32, #tpu.memory_space<vmem>> -> memref<32x128xf32, #tpu.memory_space<vmem>>
      %dma_wait3A_354 = tpu.memref_slice %arg6[%mul3A_347] : memref<9984xi32, #tpu.memory_space<vmem>> -> memref<32xi32, #tpu.memory_space<vmem>>
      %dma_wait3A_355 = arith.constant 0 : i32
      %dma_wait3A_356 = arith.constant 0 : i32
      %dma_wait3A_357 = tpu.memref_slice %arg2[%dma_wait3A_355, %dma_wait3A_356] : memref<10000x128xf32, #tpu.memory_space<hbm>> -> memref<10000x128xf32, #tpu.memory_space<hbm>>
      %dma_wait3A_358 = tpu.memref_slice %arg19[%dma_wait3A_349] : memref<8x!tpu.dma_semaphore, #tpu.memory_space<semaphore_mem>> -> memref<1x!tpu.dma_semaphore, #tpu.memory_space<semaphore_mem>>
      %dma_wait3A_359 = tpu.memref_squeeze %dma_wait3A_358 : memref<1x!tpu.dma_semaphore, #tpu.memory_space<semaphore_mem>> -> memref<!tpu.dma_semaphore, #tpu.memory_space<semaphore_mem>>
      tpu.wait_indirect_dma semaphore(%dma_wait3A_359 : memref<!tpu.dma_semaphore, #tpu.memory_space<semaphore_mem>>) src(%dma_wait3A_357 : memref<10000x128xf32, #tpu.memory_space<hbm>>) dst(%dma_wait3A_353 : memref<32x128xf32, #tpu.memory_space<vmem>>)
      %mul3A_360 = arith.constant 312 : i32
      %mul3A_361 = arith.muli %add3A, %mul3A_360 : i32
      %add3A_362 = arith.addi %mul3A_361, %add3A_337 : i32
      %mul3A_363 = arith.constant 32 : i32
      %mul3A_364 = arith.muli %add3A_362, %mul3A_363 : i32
      %add3A_365 = arith.constant 320000 : i32
      %add3A_366 = arith.addi %add3A_365, %mul3A_364 : i32
      %dma_wait3A_367 = arith.constant 2 : i32
      %dma_wait3A_368 = tpu.memref_slice %arg3[%add3A_366] : memref<640000xi32, #tpu.memory_space<hbm>> -> memref<32xi32, #tpu.memory_space<hbm>>
      %dma_wait3A_369 = tpu.memref_slice %arg20[%dma_wait3A_367] : memref<8x!tpu.dma_semaphore, #tpu.memory_space<semaphore_mem>> -> memref<1x!tpu.dma_semaphore, #tpu.memory_space<semaphore_mem>>
      %dma_wait3A_370 = tpu.memref_squeeze %dma_wait3A_369 : memref<1x!tpu.dma_semaphore, #tpu.memory_space<semaphore_mem>> -> memref<!tpu.dma_semaphore, #tpu.memory_space<semaphore_mem>>
      %dma_wait3A_371 = tpu.memref_slice %arg3[%add3A_366] : memref<640000xi32, #tpu.memory_space<hbm>> -> memref<32xi32, #tpu.memory_space<hbm>>
      tpu.wait_dma2 semaphore(%dma_wait3A_370 : memref<!tpu.dma_semaphore, #tpu.memory_space<semaphore_mem>>) src(%dma_wait3A_371 : memref<32xi32, #tpu.memory_space<hbm>>) dst(%arg9 : memref<32xi32, #tpu.memory_space<vmem>>)
      %dma_start3A_372 = arith.constant 2 : i32
      %dma_start3A_373 = arith.constant 2 : i32
      %dma_start3A_374 = arith.constant 0 : i32
      %dma_start3A_375 = arith.constant 0 : i32
      %dma_start3A_376 = tpu.memref_slice %arg17[%dma_start3A_372, %dma_start3A_374, %dma_start3A_375] : memref<8x32x128xf32, #tpu.memory_space<vmem>> -> memref<1x32x128xf32, #tpu.memory_space<vmem>>
      %dma_start3A_377 = tpu.memref_squeeze %dma_start3A_376 : memref<1x32x128xf32, #tpu.memory_space<vmem>> -> memref<32x128xf32, #tpu.memory_space<vmem>>
      %dma_start3A_378 = arith.constant 0 : i32
      %dma_start3A_379 = arith.constant 0 : i32
      %dma_start3A_380 = tpu.memref_slice %arg18[%dma_start3A_378, %dma_start3A_379] : memref<10000x128xf32, #tpu.memory_space<vmem_shared>> -> memref<10000x128xf32, #tpu.memory_space<vmem_shared>>
      %dma_start3A_381 = tpu.memref_slice %arg21[%dma_start3A_373] : memref<8x!tpu.dma_semaphore, #tpu.memory_space<semaphore_mem>> -> memref<1x!tpu.dma_semaphore, #tpu.memory_space<semaphore_mem>>
      %dma_start3A_382 = tpu.memref_squeeze %dma_start3A_381 : memref<1x!tpu.dma_semaphore, #tpu.memory_space<semaphore_mem>> -> memref<!tpu.dma_semaphore, #tpu.memory_space<semaphore_mem>>
      tpu.enqueue_indirect_dma source(%dma_start3A_377 : memref<32x128xf32, #tpu.memory_space<vmem>>) target(%dma_start3A_380 : memref<10000x128xf32, #tpu.memory_space<vmem_shared>>) offsets(%arg9 : memref<32xi32, #tpu.memory_space<vmem>>) semaphore(%dma_start3A_382 : memref<!tpu.dma_semaphore, #tpu.memory_space<semaphore_mem>>) {add = true}
      %ge3A_383 = arith.constant 2 : i32
      %ge3A_384 = arith.cmpi sge, %add3A_337, %ge3A_383 : i32
      %convert_element_type3A_385 = arith.extui %ge3A_384 : i1 to i32
      %cond3A_386 = arith.constant 0 : i32
      %cond3A_387 = arith.cmpi ne, %convert_element_type3A_385, %cond3A_386 : i32
      scf.if %cond3A_387 {
        %sub3A = arith.constant 2 : i32
        %sub3A_700 = arith.subi %add3A_337, %sub3A : i32
        %dma_wait3A_701 = arith.constant 0 : i32
        %dma_wait3A_702 = arith.constant 0 : i32
        %dma_wait3A_703 = arith.constant 0 : i32
        %dma_wait3A_704 = arith.constant 0 : i32
        %dma_wait3A_705 = tpu.memref_slice %arg17[%dma_wait3A_701, %dma_wait3A_703, %dma_wait3A_704] : memref<8x32x128xf32, #tpu.memory_space<vmem>> -> memref<1x32x128xf32, #tpu.memory_space<vmem>>
        %dma_wait3A_706 = tpu.memref_squeeze %dma_wait3A_705 : memref<1x32x128xf32, #tpu.memory_space<vmem>> -> memref<32x128xf32, #tpu.memory_space<vmem>>
        %dma_wait3A_707 = arith.constant 0 : i32
        %dma_wait3A_708 = arith.constant 0 : i32
        %dma_wait3A_709 = tpu.memref_slice %arg18[%dma_wait3A_707, %dma_wait3A_708] : memref<10000x128xf32, #tpu.memory_space<vmem_shared>> -> memref<10000x128xf32, #tpu.memory_space<vmem_shared>>
        %dma_wait3A_710 = tpu.memref_slice %arg21[%dma_wait3A_702] : memref<8x!tpu.dma_semaphore, #tpu.memory_space<semaphore_mem>> -> memref<1x!tpu.dma_semaphore, #tpu.memory_space<semaphore_mem>>
        %dma_wait3A_711 = tpu.memref_squeeze %dma_wait3A_710 : memref<1x!tpu.dma_semaphore, #tpu.memory_space<semaphore_mem>> -> memref<!tpu.dma_semaphore, #tpu.memory_space<semaphore_mem>>
        tpu.wait_indirect_dma semaphore(%dma_wait3A_711 : memref<!tpu.dma_semaphore, #tpu.memory_space<semaphore_mem>>) src(%dma_wait3A_706 : memref<32x128xf32, #tpu.memory_space<vmem>>) dst(%dma_wait3A_709 : memref<10000x128xf32, #tpu.memory_space<vmem_shared>>)
      } else {
      }
      %add3A_388 = arith.constant 6 : i32
      %add3A_389 = arith.addi %add3A_337, %add3A_388 : i32
      %lt3A_390 = arith.constant 312 : i32
      %lt3A_391 = arith.cmpi slt, %add3A_389, %lt3A_390 : i32
      %convert_element_type3A_392 = arith.extui %lt3A_391 : i1 to i32
      %cond3A_393 = arith.constant 0 : i32
      %cond3A_394 = arith.cmpi ne, %convert_element_type3A_392, %cond3A_393 : i32
      scf.if %cond3A_394 {
        %add3A_700 = arith.constant 6 : i32
        %add3A_701 = arith.addi %add3A_337, %add3A_700 : i32
        %mul3A_702 = arith.constant 312 : i32
        %mul3A_703 = arith.muli %add3A, %mul3A_702 : i32
        %add3A_704 = arith.addi %mul3A_703, %add3A_701 : i32
        %mul3A_705 = arith.constant 32 : i32
        %mul3A_706 = arith.muli %add3A_704, %mul3A_705 : i32
        %add3A_707 = arith.constant 320000 : i32
        %add3A_708 = arith.addi %add3A_707, %mul3A_706 : i32
        %dma_start3A_709 = arith.constant 0 : i32
        %dma_start3A_710 = tpu.memref_slice %arg3[%add3A_708] : memref<640000xi32, #tpu.memory_space<hbm>> -> memref<32xi32, #tpu.memory_space<hbm>>
        %dma_start3A_711 = tpu.memref_slice %arg20[%dma_start3A_709] : memref<8x!tpu.dma_semaphore, #tpu.memory_space<semaphore_mem>> -> memref<1x!tpu.dma_semaphore, #tpu.memory_space<semaphore_mem>>
        %dma_start3A_712 = tpu.memref_squeeze %dma_start3A_711 : memref<1x!tpu.dma_semaphore, #tpu.memory_space<semaphore_mem>> -> memref<!tpu.dma_semaphore, #tpu.memory_space<semaphore_mem>>
        %dma_start3A_713 = tpu.memref_slice %arg3[%add3A_708] : memref<640000xi32, #tpu.memory_space<hbm>> -> memref<32xi32, #tpu.memory_space<hbm>>
        tpu.enqueue_dma source(%dma_start3A_713 : memref<32xi32, #tpu.memory_space<hbm>>) target(%arg7 : memref<32xi32, #tpu.memory_space<vmem>>) target_semaphore(%dma_start3A_712 : memref<!tpu.dma_semaphore, #tpu.memory_space<semaphore_mem>>)
        %mul3A_714 = arith.constant 2 : i32
        %mul3A_715 = arith.muli %add3A_212, %mul3A_714 : i32
        %add3A_716 = arith.constant 2 : i32
        %add3A_717 = arith.addi %mul3A_715, %add3A_716 : i32
        %mul3A_718 = arith.constant 4 : i32
        %mul3A_719 = arith.muli %add3A_717, %mul3A_718 : i32
        %add3A_720 = arith.constant 0 : i32
        %add3A_721 = arith.addi %mul3A_719, %add3A_720 : i32
        %mul3A_722 = arith.constant 32 : i32
        %mul3A_723 = arith.muli %add3A_721, %mul3A_722 : i32
        %dma_start3A_724 = arith.constant 0 : i32
        %dma_start3A_725 = arith.constant 0 : i32
        %dma_start3A_726 = arith.constant 0 : i32
        %dma_start3A_727 = arith.constant 0 : i32
        %dma_start3A_728 = tpu.memref_slice %arg17[%dma_start3A_724, %dma_start3A_726, %dma_start3A_727] : memref<8x32x128xf32, #tpu.memory_space<vmem>> -> memref<1x32x128xf32, #tpu.memory_space<vmem>>
        %dma_start3A_729 = tpu.memref_squeeze %dma_start3A_728 : memref<1x32x128xf32, #tpu.memory_space<vmem>> -> memref<32x128xf32, #tpu.memory_space<vmem>>
        %dma_start3A_730 = tpu.memref_slice %arg6[%mul3A_723] : memref<9984xi32, #tpu.memory_space<vmem>> -> memref<32xi32, #tpu.memory_space<vmem>>
        %dma_start3A_731 = arith.constant 0 : i32
        %dma_start3A_732 = arith.constant 0 : i32
        %dma_start3A_733 = tpu.memref_slice %arg2[%dma_start3A_731, %dma_start3A_732] : memref<10000x128xf32, #tpu.memory_space<hbm>> -> memref<10000x128xf32, #tpu.memory_space<hbm>>
        %dma_start3A_734 = tpu.memref_slice %arg19[%dma_start3A_725] : memref<8x!tpu.dma_semaphore, #tpu.memory_space<semaphore_mem>> -> memref<1x!tpu.dma_semaphore, #tpu.memory_space<semaphore_mem>>
        %dma_start3A_735 = tpu.memref_squeeze %dma_start3A_734 : memref<1x!tpu.dma_semaphore, #tpu.memory_space<semaphore_mem>> -> memref<!tpu.dma_semaphore, #tpu.memory_space<semaphore_mem>>
        tpu.enqueue_indirect_dma source(%dma_start3A_733 : memref<10000x128xf32, #tpu.memory_space<hbm>>) target(%dma_start3A_729 : memref<32x128xf32, #tpu.memory_space<vmem>>) offsets(%dma_start3A_730 : memref<32xi32, #tpu.memory_space<vmem>>) semaphore(%dma_start3A_735 : memref<!tpu.dma_semaphore, #tpu.memory_space<semaphore_mem>>)
      } else {
      }
      %mul3A_395 = arith.constant 8 : i32
      %mul3A_396 = arith.muli %add3A_212, %mul3A_395 : i32
      %add3A_397 = arith.constant 3 : i32
      %add3A_398 = arith.addi %mul3A_396, %add3A_397 : i32
      %mul3A_399 = arith.constant 2 : i32
      %mul3A_400 = arith.muli %add3A_212, %mul3A_399 : i32
      %add3A_401 = arith.constant 0 : i32
      %add3A_402 = arith.addi %mul3A_400, %add3A_401 : i32
      %mul3A_403 = arith.constant 4 : i32
      %mul3A_404 = arith.muli %add3A_402, %mul3A_403 : i32
      %add3A_405 = arith.constant 3 : i32
      %add3A_406 = arith.addi %mul3A_404, %add3A_405 : i32
      %mul3A_407 = arith.constant 32 : i32
      %mul3A_408 = arith.muli %add3A_406, %mul3A_407 : i32
      %dma_wait3A_409 = arith.constant 3 : i32
      %dma_wait3A_410 = arith.constant 3 : i32
      %dma_wait3A_411 = arith.constant 0 : i32
      %dma_wait3A_412 = arith.constant 0 : i32
      %dma_wait3A_413 = tpu.memref_slice %arg17[%dma_wait3A_409, %dma_wait3A_411, %dma_wait3A_412] : memref<8x32x128xf32, #tpu.memory_space<vmem>> -> memref<1x32x128xf32, #tpu.memory_space<vmem>>
      %dma_wait3A_414 = tpu.memref_squeeze %dma_wait3A_413 : memref<1x32x128xf32, #tpu.memory_space<vmem>> -> memref<32x128xf32, #tpu.memory_space<vmem>>
      %dma_wait3A_415 = tpu.memref_slice %arg6[%mul3A_408] : memref<9984xi32, #tpu.memory_space<vmem>> -> memref<32xi32, #tpu.memory_space<vmem>>
      %dma_wait3A_416 = arith.constant 0 : i32
      %dma_wait3A_417 = arith.constant 0 : i32
      %dma_wait3A_418 = tpu.memref_slice %arg2[%dma_wait3A_416, %dma_wait3A_417] : memref<10000x128xf32, #tpu.memory_space<hbm>> -> memref<10000x128xf32, #tpu.memory_space<hbm>>
      %dma_wait3A_419 = tpu.memref_slice %arg19[%dma_wait3A_410] : memref<8x!tpu.dma_semaphore, #tpu.memory_space<semaphore_mem>> -> memref<1x!tpu.dma_semaphore, #tpu.memory_space<semaphore_mem>>
      %dma_wait3A_420 = tpu.memref_squeeze %dma_wait3A_419 : memref<1x!tpu.dma_semaphore, #tpu.memory_space<semaphore_mem>> -> memref<!tpu.dma_semaphore, #tpu.memory_space<semaphore_mem>>
      tpu.wait_indirect_dma semaphore(%dma_wait3A_420 : memref<!tpu.dma_semaphore, #tpu.memory_space<semaphore_mem>>) src(%dma_wait3A_418 : memref<10000x128xf32, #tpu.memory_space<hbm>>) dst(%dma_wait3A_414 : memref<32x128xf32, #tpu.memory_space<vmem>>)
      %mul3A_421 = arith.constant 312 : i32
      %mul3A_422 = arith.muli %add3A, %mul3A_421 : i32
      %add3A_423 = arith.addi %mul3A_422, %add3A_398 : i32
      %mul3A_424 = arith.constant 32 : i32
      %mul3A_425 = arith.muli %add3A_423, %mul3A_424 : i32
      %add3A_426 = arith.constant 320000 : i32
      %add3A_427 = arith.addi %add3A_426, %mul3A_425 : i32
      %dma_wait3A_428 = arith.constant 3 : i32
      %dma_wait3A_429 = tpu.memref_slice %arg3[%add3A_427] : memref<640000xi32, #tpu.memory_space<hbm>> -> memref<32xi32, #tpu.memory_space<hbm>>
      %dma_wait3A_430 = tpu.memref_slice %arg20[%dma_wait3A_428] : memref<8x!tpu.dma_semaphore, #tpu.memory_space<semaphore_mem>> -> memref<1x!tpu.dma_semaphore, #tpu.memory_space<semaphore_mem>>
      %dma_wait3A_431 = tpu.memref_squeeze %dma_wait3A_430 : memref<1x!tpu.dma_semaphore, #tpu.memory_space<semaphore_mem>> -> memref<!tpu.dma_semaphore, #tpu.memory_space<semaphore_mem>>
      %dma_wait3A_432 = tpu.memref_slice %arg3[%add3A_427] : memref<640000xi32, #tpu.memory_space<hbm>> -> memref<32xi32, #tpu.memory_space<hbm>>
      tpu.wait_dma2 semaphore(%dma_wait3A_431 : memref<!tpu.dma_semaphore, #tpu.memory_space<semaphore_mem>>) src(%dma_wait3A_432 : memref<32xi32, #tpu.memory_space<hbm>>) dst(%arg10 : memref<32xi32, #tpu.memory_space<vmem>>)
      %dma_start3A_433 = arith.constant 3 : i32
      %dma_start3A_434 = arith.constant 3 : i32
      %dma_start3A_435 = arith.constant 0 : i32
      %dma_start3A_436 = arith.constant 0 : i32
      %dma_start3A_437 = tpu.memref_slice %arg17[%dma_start3A_433, %dma_start3A_435, %dma_start3A_436] : memref<8x32x128xf32, #tpu.memory_space<vmem>> -> memref<1x32x128xf32, #tpu.memory_space<vmem>>
      %dma_start3A_438 = tpu.memref_squeeze %dma_start3A_437 : memref<1x32x128xf32, #tpu.memory_space<vmem>> -> memref<32x128xf32, #tpu.memory_space<vmem>>
      %dma_start3A_439 = arith.constant 0 : i32
      %dma_start3A_440 = arith.constant 0 : i32
      %dma_start3A_441 = tpu.memref_slice %arg18[%dma_start3A_439, %dma_start3A_440] : memref<10000x128xf32, #tpu.memory_space<vmem_shared>> -> memref<10000x128xf32, #tpu.memory_space<vmem_shared>>
      %dma_start3A_442 = tpu.memref_slice %arg21[%dma_start3A_434] : memref<8x!tpu.dma_semaphore, #tpu.memory_space<semaphore_mem>> -> memref<1x!tpu.dma_semaphore, #tpu.memory_space<semaphore_mem>>
      %dma_start3A_443 = tpu.memref_squeeze %dma_start3A_442 : memref<1x!tpu.dma_semaphore, #tpu.memory_space<semaphore_mem>> -> memref<!tpu.dma_semaphore, #tpu.memory_space<semaphore_mem>>
      tpu.enqueue_indirect_dma source(%dma_start3A_438 : memref<32x128xf32, #tpu.memory_space<vmem>>) target(%dma_start3A_441 : memref<10000x128xf32, #tpu.memory_space<vmem_shared>>) offsets(%arg10 : memref<32xi32, #tpu.memory_space<vmem>>) semaphore(%dma_start3A_443 : memref<!tpu.dma_semaphore, #tpu.memory_space<semaphore_mem>>) {add = true}
      %ge3A_444 = arith.constant 2 : i32
      %ge3A_445 = arith.cmpi sge, %add3A_398, %ge3A_444 : i32
      %convert_element_type3A_446 = arith.extui %ge3A_445 : i1 to i32
      %cond3A_447 = arith.constant 0 : i32
      %cond3A_448 = arith.cmpi ne, %convert_element_type3A_446, %cond3A_447 : i32
      scf.if %cond3A_448 {
        %sub3A = arith.constant 2 : i32
        %sub3A_700 = arith.subi %add3A_398, %sub3A : i32
        %dma_wait3A_701 = arith.constant 1 : i32
        %dma_wait3A_702 = arith.constant 1 : i32
        %dma_wait3A_703 = arith.constant 0 : i32
        %dma_wait3A_704 = arith.constant 0 : i32
        %dma_wait3A_705 = tpu.memref_slice %arg17[%dma_wait3A_701, %dma_wait3A_703, %dma_wait3A_704] : memref<8x32x128xf32, #tpu.memory_space<vmem>> -> memref<1x32x128xf32, #tpu.memory_space<vmem>>
        %dma_wait3A_706 = tpu.memref_squeeze %dma_wait3A_705 : memref<1x32x128xf32, #tpu.memory_space<vmem>> -> memref<32x128xf32, #tpu.memory_space<vmem>>
        %dma_wait3A_707 = arith.constant 0 : i32
        %dma_wait3A_708 = arith.constant 0 : i32
        %dma_wait3A_709 = tpu.memref_slice %arg18[%dma_wait3A_707, %dma_wait3A_708] : memref<10000x128xf32, #tpu.memory_space<vmem_shared>> -> memref<10000x128xf32, #tpu.memory_space<vmem_shared>>
        %dma_wait3A_710 = tpu.memref_slice %arg21[%dma_wait3A_702] : memref<8x!tpu.dma_semaphore, #tpu.memory_space<semaphore_mem>> -> memref<1x!tpu.dma_semaphore, #tpu.memory_space<semaphore_mem>>
        %dma_wait3A_711 = tpu.memref_squeeze %dma_wait3A_710 : memref<1x!tpu.dma_semaphore, #tpu.memory_space<semaphore_mem>> -> memref<!tpu.dma_semaphore, #tpu.memory_space<semaphore_mem>>
        tpu.wait_indirect_dma semaphore(%dma_wait3A_711 : memref<!tpu.dma_semaphore, #tpu.memory_space<semaphore_mem>>) src(%dma_wait3A_706 : memref<32x128xf32, #tpu.memory_space<vmem>>) dst(%dma_wait3A_709 : memref<10000x128xf32, #tpu.memory_space<vmem_shared>>)
      } else {
      }
      %add3A_449 = arith.constant 6 : i32
      %add3A_450 = arith.addi %add3A_398, %add3A_449 : i32
      %lt3A_451 = arith.constant 312 : i32
      %lt3A_452 = arith.cmpi slt, %add3A_450, %lt3A_451 : i32
      %convert_element_type3A_453 = arith.extui %lt3A_452 : i1 to i32
      %cond3A_454 = arith.constant 0 : i32
      %cond3A_455 = arith.cmpi ne, %convert_element_type3A_453, %cond3A_454 : i32
      scf.if %cond3A_455 {
        %add3A_700 = arith.constant 6 : i32
        %add3A_701 = arith.addi %add3A_398, %add3A_700 : i32
        %mul3A_702 = arith.constant 312 : i32
        %mul3A_703 = arith.muli %add3A, %mul3A_702 : i32
        %add3A_704 = arith.addi %mul3A_703, %add3A_701 : i32
        %mul3A_705 = arith.constant 32 : i32
        %mul3A_706 = arith.muli %add3A_704, %mul3A_705 : i32
        %add3A_707 = arith.constant 320000 : i32
        %add3A_708 = arith.addi %add3A_707, %mul3A_706 : i32
        %dma_start3A_709 = arith.constant 1 : i32
        %dma_start3A_710 = tpu.memref_slice %arg3[%add3A_708] : memref<640000xi32, #tpu.memory_space<hbm>> -> memref<32xi32, #tpu.memory_space<hbm>>
        %dma_start3A_711 = tpu.memref_slice %arg20[%dma_start3A_709] : memref<8x!tpu.dma_semaphore, #tpu.memory_space<semaphore_mem>> -> memref<1x!tpu.dma_semaphore, #tpu.memory_space<semaphore_mem>>
        %dma_start3A_712 = tpu.memref_squeeze %dma_start3A_711 : memref<1x!tpu.dma_semaphore, #tpu.memory_space<semaphore_mem>> -> memref<!tpu.dma_semaphore, #tpu.memory_space<semaphore_mem>>
        %dma_start3A_713 = tpu.memref_slice %arg3[%add3A_708] : memref<640000xi32, #tpu.memory_space<hbm>> -> memref<32xi32, #tpu.memory_space<hbm>>
        tpu.enqueue_dma source(%dma_start3A_713 : memref<32xi32, #tpu.memory_space<hbm>>) target(%arg8 : memref<32xi32, #tpu.memory_space<vmem>>) target_semaphore(%dma_start3A_712 : memref<!tpu.dma_semaphore, #tpu.memory_space<semaphore_mem>>)
        %mul3A_714 = arith.constant 2 : i32
        %mul3A_715 = arith.muli %add3A_212, %mul3A_714 : i32
        %add3A_716 = arith.constant 2 : i32
        %add3A_717 = arith.addi %mul3A_715, %add3A_716 : i32
        %mul3A_718 = arith.constant 4 : i32
        %mul3A_719 = arith.muli %add3A_717, %mul3A_718 : i32
        %add3A_720 = arith.constant 1 : i32
        %add3A_721 = arith.addi %mul3A_719, %add3A_720 : i32
        %mul3A_722 = arith.constant 32 : i32
        %mul3A_723 = arith.muli %add3A_721, %mul3A_722 : i32
        %dma_start3A_724 = arith.constant 1 : i32
        %dma_start3A_725 = arith.constant 1 : i32
        %dma_start3A_726 = arith.constant 0 : i32
        %dma_start3A_727 = arith.constant 0 : i32
        %dma_start3A_728 = tpu.memref_slice %arg17[%dma_start3A_724, %dma_start3A_726, %dma_start3A_727] : memref<8x32x128xf32, #tpu.memory_space<vmem>> -> memref<1x32x128xf32, #tpu.memory_space<vmem>>
        %dma_start3A_729 = tpu.memref_squeeze %dma_start3A_728 : memref<1x32x128xf32, #tpu.memory_space<vmem>> -> memref<32x128xf32, #tpu.memory_space<vmem>>
        %dma_start3A_730 = tpu.memref_slice %arg6[%mul3A_723] : memref<9984xi32, #tpu.memory_space<vmem>> -> memref<32xi32, #tpu.memory_space<vmem>>
        %dma_start3A_731 = arith.constant 0 : i32
        %dma_start3A_732 = arith.constant 0 : i32
        %dma_start3A_733 = tpu.memref_slice %arg2[%dma_start3A_731, %dma_start3A_732] : memref<10000x128xf32, #tpu.memory_space<hbm>> -> memref<10000x128xf32, #tpu.memory_space<hbm>>
        %dma_start3A_734 = tpu.memref_slice %arg19[%dma_start3A_725] : memref<8x!tpu.dma_semaphore, #tpu.memory_space<semaphore_mem>> -> memref<1x!tpu.dma_semaphore, #tpu.memory_space<semaphore_mem>>
        %dma_start3A_735 = tpu.memref_squeeze %dma_start3A_734 : memref<1x!tpu.dma_semaphore, #tpu.memory_space<semaphore_mem>> -> memref<!tpu.dma_semaphore, #tpu.memory_space<semaphore_mem>>
        tpu.enqueue_indirect_dma source(%dma_start3A_733 : memref<10000x128xf32, #tpu.memory_space<hbm>>) target(%dma_start3A_729 : memref<32x128xf32, #tpu.memory_space<vmem>>) offsets(%dma_start3A_730 : memref<32xi32, #tpu.memory_space<vmem>>) semaphore(%dma_start3A_735 : memref<!tpu.dma_semaphore, #tpu.memory_space<semaphore_mem>>)
      } else {
      }
      %mul3A_456 = arith.constant 8 : i32
      %mul3A_457 = arith.muli %add3A_212, %mul3A_456 : i32
      %add3A_458 = arith.constant 4 : i32
      %add3A_459 = arith.addi %mul3A_457, %add3A_458 : i32
      %mul3A_460 = arith.constant 2 : i32
      %mul3A_461 = arith.muli %add3A_212, %mul3A_460 : i32
      %add3A_462 = arith.constant 1 : i32
      %add3A_463 = arith.addi %mul3A_461, %add3A_462 : i32
      %mul3A_464 = arith.constant 4 : i32
      %mul3A_465 = arith.muli %add3A_463, %mul3A_464 : i32
      %add3A_466 = arith.constant 0 : i32
      %add3A_467 = arith.addi %mul3A_465, %add3A_466 : i32
      %mul3A_468 = arith.constant 32 : i32
      %mul3A_469 = arith.muli %add3A_467, %mul3A_468 : i32
      %dma_wait3A_470 = arith.constant 4 : i32
      %dma_wait3A_471 = arith.constant 4 : i32
      %dma_wait3A_472 = arith.constant 0 : i32
      %dma_wait3A_473 = arith.constant 0 : i32
      %dma_wait3A_474 = tpu.memref_slice %arg17[%dma_wait3A_470, %dma_wait3A_472, %dma_wait3A_473] : memref<8x32x128xf32, #tpu.memory_space<vmem>> -> memref<1x32x128xf32, #tpu.memory_space<vmem>>
      %dma_wait3A_475 = tpu.memref_squeeze %dma_wait3A_474 : memref<1x32x128xf32, #tpu.memory_space<vmem>> -> memref<32x128xf32, #tpu.memory_space<vmem>>
      %dma_wait3A_476 = tpu.memref_slice %arg6[%mul3A_469] : memref<9984xi32, #tpu.memory_space<vmem>> -> memref<32xi32, #tpu.memory_space<vmem>>
      %dma_wait3A_477 = arith.constant 0 : i32
      %dma_wait3A_478 = arith.constant 0 : i32
      %dma_wait3A_479 = tpu.memref_slice %arg2[%dma_wait3A_477, %dma_wait3A_478] : memref<10000x128xf32, #tpu.memory_space<hbm>> -> memref<10000x128xf32, #tpu.memory_space<hbm>>
      %dma_wait3A_480 = tpu.memref_slice %arg19[%dma_wait3A_471] : memref<8x!tpu.dma_semaphore, #tpu.memory_space<semaphore_mem>> -> memref<1x!tpu.dma_semaphore, #tpu.memory_space<semaphore_mem>>
      %dma_wait3A_481 = tpu.memref_squeeze %dma_wait3A_480 : memref<1x!tpu.dma_semaphore, #tpu.memory_space<semaphore_mem>> -> memref<!tpu.dma_semaphore, #tpu.memory_space<semaphore_mem>>
      tpu.wait_indirect_dma semaphore(%dma_wait3A_481 : memref<!tpu.dma_semaphore, #tpu.memory_space<semaphore_mem>>) src(%dma_wait3A_479 : memref<10000x128xf32, #tpu.memory_space<hbm>>) dst(%dma_wait3A_475 : memref<32x128xf32, #tpu.memory_space<vmem>>)
      %mul3A_482 = arith.constant 312 : i32
      %mul3A_483 = arith.muli %add3A, %mul3A_482 : i32
      %add3A_484 = arith.addi %mul3A_483, %add3A_459 : i32
      %mul3A_485 = arith.constant 32 : i32
      %mul3A_486 = arith.muli %add3A_484, %mul3A_485 : i32
      %add3A_487 = arith.constant 320000 : i32
      %add3A_488 = arith.addi %add3A_487, %mul3A_486 : i32
      %dma_wait3A_489 = arith.constant 4 : i32
      %dma_wait3A_490 = tpu.memref_slice %arg3[%add3A_488] : memref<640000xi32, #tpu.memory_space<hbm>> -> memref<32xi32, #tpu.memory_space<hbm>>
      %dma_wait3A_491 = tpu.memref_slice %arg20[%dma_wait3A_489] : memref<8x!tpu.dma_semaphore, #tpu.memory_space<semaphore_mem>> -> memref<1x!tpu.dma_semaphore, #tpu.memory_space<semaphore_mem>>
      %dma_wait3A_492 = tpu.memref_squeeze %dma_wait3A_491 : memref<1x!tpu.dma_semaphore, #tpu.memory_space<semaphore_mem>> -> memref<!tpu.dma_semaphore, #tpu.memory_space<semaphore_mem>>
      %dma_wait3A_493 = tpu.memref_slice %arg3[%add3A_488] : memref<640000xi32, #tpu.memory_space<hbm>> -> memref<32xi32, #tpu.memory_space<hbm>>
      tpu.wait_dma2 semaphore(%dma_wait3A_492 : memref<!tpu.dma_semaphore, #tpu.memory_space<semaphore_mem>>) src(%dma_wait3A_493 : memref<32xi32, #tpu.memory_space<hbm>>) dst(%arg11 : memref<32xi32, #tpu.memory_space<vmem>>)
      %dma_start3A_494 = arith.constant 4 : i32
      %dma_start3A_495 = arith.constant 4 : i32
      %dma_start3A_496 = arith.constant 0 : i32
      %dma_start3A_497 = arith.constant 0 : i32
      %dma_start3A_498 = tpu.memref_slice %arg17[%dma_start3A_494, %dma_start3A_496, %dma_start3A_497] : memref<8x32x128xf32, #tpu.memory_space<vmem>> -> memref<1x32x128xf32, #tpu.memory_space<vmem>>
      %dma_start3A_499 = tpu.memref_squeeze %dma_start3A_498 : memref<1x32x128xf32, #tpu.memory_space<vmem>> -> memref<32x128xf32, #tpu.memory_space<vmem>>
      %dma_start3A_500 = arith.constant 0 : i32
      %dma_start3A_501 = arith.constant 0 : i32
      %dma_start3A_502 = tpu.memref_slice %arg18[%dma_start3A_500, %dma_start3A_501] : memref<10000x128xf32, #tpu.memory_space<vmem_shared>> -> memref<10000x128xf32, #tpu.memory_space<vmem_shared>>
      %dma_start3A_503 = tpu.memref_slice %arg21[%dma_start3A_495] : memref<8x!tpu.dma_semaphore, #tpu.memory_space<semaphore_mem>> -> memref<1x!tpu.dma_semaphore, #tpu.memory_space<semaphore_mem>>
      %dma_start3A_504 = tpu.memref_squeeze %dma_start3A_503 : memref<1x!tpu.dma_semaphore, #tpu.memory_space<semaphore_mem>> -> memref<!tpu.dma_semaphore, #tpu.memory_space<semaphore_mem>>
      tpu.enqueue_indirect_dma source(%dma_start3A_499 : memref<32x128xf32, #tpu.memory_space<vmem>>) target(%dma_start3A_502 : memref<10000x128xf32, #tpu.memory_space<vmem_shared>>) offsets(%arg11 : memref<32xi32, #tpu.memory_space<vmem>>) semaphore(%dma_start3A_504 : memref<!tpu.dma_semaphore, #tpu.memory_space<semaphore_mem>>) {add = true}
      %ge3A_505 = arith.constant 2 : i32
      %ge3A_506 = arith.cmpi sge, %add3A_459, %ge3A_505 : i32
      %convert_element_type3A_507 = arith.extui %ge3A_506 : i1 to i32
      %cond3A_508 = arith.constant 0 : i32
      %cond3A_509 = arith.cmpi ne, %convert_element_type3A_507, %cond3A_508 : i32
      scf.if %cond3A_509 {
        %sub3A = arith.constant 2 : i32
        %sub3A_700 = arith.subi %add3A_459, %sub3A : i32
        %dma_wait3A_701 = arith.constant 2 : i32
        %dma_wait3A_702 = arith.constant 2 : i32
        %dma_wait3A_703 = arith.constant 0 : i32
        %dma_wait3A_704 = arith.constant 0 : i32
        %dma_wait3A_705 = tpu.memref_slice %arg17[%dma_wait3A_701, %dma_wait3A_703, %dma_wait3A_704] : memref<8x32x128xf32, #tpu.memory_space<vmem>> -> memref<1x32x128xf32, #tpu.memory_space<vmem>>
        %dma_wait3A_706 = tpu.memref_squeeze %dma_wait3A_705 : memref<1x32x128xf32, #tpu.memory_space<vmem>> -> memref<32x128xf32, #tpu.memory_space<vmem>>
        %dma_wait3A_707 = arith.constant 0 : i32
        %dma_wait3A_708 = arith.constant 0 : i32
        %dma_wait3A_709 = tpu.memref_slice %arg18[%dma_wait3A_707, %dma_wait3A_708] : memref<10000x128xf32, #tpu.memory_space<vmem_shared>> -> memref<10000x128xf32, #tpu.memory_space<vmem_shared>>
        %dma_wait3A_710 = tpu.memref_slice %arg21[%dma_wait3A_702] : memref<8x!tpu.dma_semaphore, #tpu.memory_space<semaphore_mem>> -> memref<1x!tpu.dma_semaphore, #tpu.memory_space<semaphore_mem>>
        %dma_wait3A_711 = tpu.memref_squeeze %dma_wait3A_710 : memref<1x!tpu.dma_semaphore, #tpu.memory_space<semaphore_mem>> -> memref<!tpu.dma_semaphore, #tpu.memory_space<semaphore_mem>>
        tpu.wait_indirect_dma semaphore(%dma_wait3A_711 : memref<!tpu.dma_semaphore, #tpu.memory_space<semaphore_mem>>) src(%dma_wait3A_706 : memref<32x128xf32, #tpu.memory_space<vmem>>) dst(%dma_wait3A_709 : memref<10000x128xf32, #tpu.memory_space<vmem_shared>>)
      } else {
      }
      %add3A_510 = arith.constant 6 : i32
      %add3A_511 = arith.addi %add3A_459, %add3A_510 : i32
      %lt3A_512 = arith.constant 312 : i32
      %lt3A_513 = arith.cmpi slt, %add3A_511, %lt3A_512 : i32
      %convert_element_type3A_514 = arith.extui %lt3A_513 : i1 to i32
      %cond3A_515 = arith.constant 0 : i32
      %cond3A_516 = arith.cmpi ne, %convert_element_type3A_514, %cond3A_515 : i32
      scf.if %cond3A_516 {
        %add3A_700 = arith.constant 6 : i32
        %add3A_701 = arith.addi %add3A_459, %add3A_700 : i32
        %mul3A_702 = arith.constant 312 : i32
        %mul3A_703 = arith.muli %add3A, %mul3A_702 : i32
        %add3A_704 = arith.addi %mul3A_703, %add3A_701 : i32
        %mul3A_705 = arith.constant 32 : i32
        %mul3A_706 = arith.muli %add3A_704, %mul3A_705 : i32
        %add3A_707 = arith.constant 320000 : i32
        %add3A_708 = arith.addi %add3A_707, %mul3A_706 : i32
        %dma_start3A_709 = arith.constant 2 : i32
        %dma_start3A_710 = tpu.memref_slice %arg3[%add3A_708] : memref<640000xi32, #tpu.memory_space<hbm>> -> memref<32xi32, #tpu.memory_space<hbm>>
        %dma_start3A_711 = tpu.memref_slice %arg20[%dma_start3A_709] : memref<8x!tpu.dma_semaphore, #tpu.memory_space<semaphore_mem>> -> memref<1x!tpu.dma_semaphore, #tpu.memory_space<semaphore_mem>>
        %dma_start3A_712 = tpu.memref_squeeze %dma_start3A_711 : memref<1x!tpu.dma_semaphore, #tpu.memory_space<semaphore_mem>> -> memref<!tpu.dma_semaphore, #tpu.memory_space<semaphore_mem>>
        %dma_start3A_713 = tpu.memref_slice %arg3[%add3A_708] : memref<640000xi32, #tpu.memory_space<hbm>> -> memref<32xi32, #tpu.memory_space<hbm>>
        tpu.enqueue_dma source(%dma_start3A_713 : memref<32xi32, #tpu.memory_space<hbm>>) target(%arg9 : memref<32xi32, #tpu.memory_space<vmem>>) target_semaphore(%dma_start3A_712 : memref<!tpu.dma_semaphore, #tpu.memory_space<semaphore_mem>>)
        %mul3A_714 = arith.constant 2 : i32
        %mul3A_715 = arith.muli %add3A_212, %mul3A_714 : i32
        %add3A_716 = arith.constant 2 : i32
        %add3A_717 = arith.addi %mul3A_715, %add3A_716 : i32
        %mul3A_718 = arith.constant 4 : i32
        %mul3A_719 = arith.muli %add3A_717, %mul3A_718 : i32
        %add3A_720 = arith.constant 2 : i32
        %add3A_721 = arith.addi %mul3A_719, %add3A_720 : i32
        %mul3A_722 = arith.constant 32 : i32
        %mul3A_723 = arith.muli %add3A_721, %mul3A_722 : i32
        %dma_start3A_724 = arith.constant 2 : i32
        %dma_start3A_725 = arith.constant 2 : i32
        %dma_start3A_726 = arith.constant 0 : i32
        %dma_start3A_727 = arith.constant 0 : i32
        %dma_start3A_728 = tpu.memref_slice %arg17[%dma_start3A_724, %dma_start3A_726, %dma_start3A_727] : memref<8x32x128xf32, #tpu.memory_space<vmem>> -> memref<1x32x128xf32, #tpu.memory_space<vmem>>
        %dma_start3A_729 = tpu.memref_squeeze %dma_start3A_728 : memref<1x32x128xf32, #tpu.memory_space<vmem>> -> memref<32x128xf32, #tpu.memory_space<vmem>>
        %dma_start3A_730 = tpu.memref_slice %arg6[%mul3A_723] : memref<9984xi32, #tpu.memory_space<vmem>> -> memref<32xi32, #tpu.memory_space<vmem>>
        %dma_start3A_731 = arith.constant 0 : i32
        %dma_start3A_732 = arith.constant 0 : i32
        %dma_start3A_733 = tpu.memref_slice %arg2[%dma_start3A_731, %dma_start3A_732] : memref<10000x128xf32, #tpu.memory_space<hbm>> -> memref<10000x128xf32, #tpu.memory_space<hbm>>
        %dma_start3A_734 = tpu.memref_slice %arg19[%dma_start3A_725] : memref<8x!tpu.dma_semaphore, #tpu.memory_space<semaphore_mem>> -> memref<1x!tpu.dma_semaphore, #tpu.memory_space<semaphore_mem>>
        %dma_start3A_735 = tpu.memref_squeeze %dma_start3A_734 : memref<1x!tpu.dma_semaphore, #tpu.memory_space<semaphore_mem>> -> memref<!tpu.dma_semaphore, #tpu.memory_space<semaphore_mem>>
        tpu.enqueue_indirect_dma source(%dma_start3A_733 : memref<10000x128xf32, #tpu.memory_space<hbm>>) target(%dma_start3A_729 : memref<32x128xf32, #tpu.memory_space<vmem>>) offsets(%dma_start3A_730 : memref<32xi32, #tpu.memory_space<vmem>>) semaphore(%dma_start3A_735 : memref<!tpu.dma_semaphore, #tpu.memory_space<semaphore_mem>>)
      } else {
      }
      %mul3A_517 = arith.constant 8 : i32
      %mul3A_518 = arith.muli %add3A_212, %mul3A_517 : i32
      %add3A_519 = arith.constant 5 : i32
      %add3A_520 = arith.addi %mul3A_518, %add3A_519 : i32
      %mul3A_521 = arith.constant 2 : i32
      %mul3A_522 = arith.muli %add3A_212, %mul3A_521 : i32
      %add3A_523 = arith.constant 1 : i32
      %add3A_524 = arith.addi %mul3A_522, %add3A_523 : i32
      %mul3A_525 = arith.constant 4 : i32
      %mul3A_526 = arith.muli %add3A_524, %mul3A_525 : i32
      %add3A_527 = arith.constant 1 : i32
      %add3A_528 = arith.addi %mul3A_526, %add3A_527 : i32
      %mul3A_529 = arith.constant 32 : i32
      %mul3A_530 = arith.muli %add3A_528, %mul3A_529 : i32
      %dma_wait3A_531 = arith.constant 5 : i32
      %dma_wait3A_532 = arith.constant 5 : i32
      %dma_wait3A_533 = arith.constant 0 : i32
      %dma_wait3A_534 = arith.constant 0 : i32
      %dma_wait3A_535 = tpu.memref_slice %arg17[%dma_wait3A_531, %dma_wait3A_533, %dma_wait3A_534] : memref<8x32x128xf32, #tpu.memory_space<vmem>> -> memref<1x32x128xf32, #tpu.memory_space<vmem>>
      %dma_wait3A_536 = tpu.memref_squeeze %dma_wait3A_535 : memref<1x32x128xf32, #tpu.memory_space<vmem>> -> memref<32x128xf32, #tpu.memory_space<vmem>>
      %dma_wait3A_537 = tpu.memref_slice %arg6[%mul3A_530] : memref<9984xi32, #tpu.memory_space<vmem>> -> memref<32xi32, #tpu.memory_space<vmem>>
      %dma_wait3A_538 = arith.constant 0 : i32
      %dma_wait3A_539 = arith.constant 0 : i32
      %dma_wait3A_540 = tpu.memref_slice %arg2[%dma_wait3A_538, %dma_wait3A_539] : memref<10000x128xf32, #tpu.memory_space<hbm>> -> memref<10000x128xf32, #tpu.memory_space<hbm>>
      %dma_wait3A_541 = tpu.memref_slice %arg19[%dma_wait3A_532] : memref<8x!tpu.dma_semaphore, #tpu.memory_space<semaphore_mem>> -> memref<1x!tpu.dma_semaphore, #tpu.memory_space<semaphore_mem>>
      %dma_wait3A_542 = tpu.memref_squeeze %dma_wait3A_541 : memref<1x!tpu.dma_semaphore, #tpu.memory_space<semaphore_mem>> -> memref<!tpu.dma_semaphore, #tpu.memory_space<semaphore_mem>>
      tpu.wait_indirect_dma semaphore(%dma_wait3A_542 : memref<!tpu.dma_semaphore, #tpu.memory_space<semaphore_mem>>) src(%dma_wait3A_540 : memref<10000x128xf32, #tpu.memory_space<hbm>>) dst(%dma_wait3A_536 : memref<32x128xf32, #tpu.memory_space<vmem>>)
      %mul3A_543 = arith.constant 312 : i32
      %mul3A_544 = arith.muli %add3A, %mul3A_543 : i32
      %add3A_545 = arith.addi %mul3A_544, %add3A_520 : i32
      %mul3A_546 = arith.constant 32 : i32
      %mul3A_547 = arith.muli %add3A_545, %mul3A_546 : i32
      %add3A_548 = arith.constant 320000 : i32
      %add3A_549 = arith.addi %add3A_548, %mul3A_547 : i32
      %dma_wait3A_550 = arith.constant 5 : i32
      %dma_wait3A_551 = tpu.memref_slice %arg3[%add3A_549] : memref<640000xi32, #tpu.memory_space<hbm>> -> memref<32xi32, #tpu.memory_space<hbm>>
      %dma_wait3A_552 = tpu.memref_slice %arg20[%dma_wait3A_550] : memref<8x!tpu.dma_semaphore, #tpu.memory_space<semaphore_mem>> -> memref<1x!tpu.dma_semaphore, #tpu.memory_space<semaphore_mem>>
      %dma_wait3A_553 = tpu.memref_squeeze %dma_wait3A_552 : memref<1x!tpu.dma_semaphore, #tpu.memory_space<semaphore_mem>> -> memref<!tpu.dma_semaphore, #tpu.memory_space<semaphore_mem>>
      %dma_wait3A_554 = tpu.memref_slice %arg3[%add3A_549] : memref<640000xi32, #tpu.memory_space<hbm>> -> memref<32xi32, #tpu.memory_space<hbm>>
      tpu.wait_dma2 semaphore(%dma_wait3A_553 : memref<!tpu.dma_semaphore, #tpu.memory_space<semaphore_mem>>) src(%dma_wait3A_554 : memref<32xi32, #tpu.memory_space<hbm>>) dst(%arg12 : memref<32xi32, #tpu.memory_space<vmem>>)
      %dma_start3A_555 = arith.constant 5 : i32
      %dma_start3A_556 = arith.constant 5 : i32
      %dma_start3A_557 = arith.constant 0 : i32
      %dma_start3A_558 = arith.constant 0 : i32
      %dma_start3A_559 = tpu.memref_slice %arg17[%dma_start3A_555, %dma_start3A_557, %dma_start3A_558] : memref<8x32x128xf32, #tpu.memory_space<vmem>> -> memref<1x32x128xf32, #tpu.memory_space<vmem>>
      %dma_start3A_560 = tpu.memref_squeeze %dma_start3A_559 : memref<1x32x128xf32, #tpu.memory_space<vmem>> -> memref<32x128xf32, #tpu.memory_space<vmem>>
      %dma_start3A_561 = arith.constant 0 : i32
      %dma_start3A_562 = arith.constant 0 : i32
      %dma_start3A_563 = tpu.memref_slice %arg18[%dma_start3A_561, %dma_start3A_562] : memref<10000x128xf32, #tpu.memory_space<vmem_shared>> -> memref<10000x128xf32, #tpu.memory_space<vmem_shared>>
      %dma_start3A_564 = tpu.memref_slice %arg21[%dma_start3A_556] : memref<8x!tpu.dma_semaphore, #tpu.memory_space<semaphore_mem>> -> memref<1x!tpu.dma_semaphore, #tpu.memory_space<semaphore_mem>>
      %dma_start3A_565 = tpu.memref_squeeze %dma_start3A_564 : memref<1x!tpu.dma_semaphore, #tpu.memory_space<semaphore_mem>> -> memref<!tpu.dma_semaphore, #tpu.memory_space<semaphore_mem>>
      tpu.enqueue_indirect_dma source(%dma_start3A_560 : memref<32x128xf32, #tpu.memory_space<vmem>>) target(%dma_start3A_563 : memref<10000x128xf32, #tpu.memory_space<vmem_shared>>) offsets(%arg12 : memref<32xi32, #tpu.memory_space<vmem>>) semaphore(%dma_start3A_565 : memref<!tpu.dma_semaphore, #tpu.memory_space<semaphore_mem>>) {add = true}
      %ge3A_566 = arith.constant 2 : i32
      %ge3A_567 = arith.cmpi sge, %add3A_520, %ge3A_566 : i32
      %convert_element_type3A_568 = arith.extui %ge3A_567 : i1 to i32
      %cond3A_569 = arith.constant 0 : i32
      %cond3A_570 = arith.cmpi ne, %convert_element_type3A_568, %cond3A_569 : i32
      scf.if %cond3A_570 {
        %sub3A = arith.constant 2 : i32
        %sub3A_700 = arith.subi %add3A_520, %sub3A : i32
        %dma_wait3A_701 = arith.constant 3 : i32
        %dma_wait3A_702 = arith.constant 3 : i32
        %dma_wait3A_703 = arith.constant 0 : i32
        %dma_wait3A_704 = arith.constant 0 : i32
        %dma_wait3A_705 = tpu.memref_slice %arg17[%dma_wait3A_701, %dma_wait3A_703, %dma_wait3A_704] : memref<8x32x128xf32, #tpu.memory_space<vmem>> -> memref<1x32x128xf32, #tpu.memory_space<vmem>>
        %dma_wait3A_706 = tpu.memref_squeeze %dma_wait3A_705 : memref<1x32x128xf32, #tpu.memory_space<vmem>> -> memref<32x128xf32, #tpu.memory_space<vmem>>
        %dma_wait3A_707 = arith.constant 0 : i32
        %dma_wait3A_708 = arith.constant 0 : i32
        %dma_wait3A_709 = tpu.memref_slice %arg18[%dma_wait3A_707, %dma_wait3A_708] : memref<10000x128xf32, #tpu.memory_space<vmem_shared>> -> memref<10000x128xf32, #tpu.memory_space<vmem_shared>>
        %dma_wait3A_710 = tpu.memref_slice %arg21[%dma_wait3A_702] : memref<8x!tpu.dma_semaphore, #tpu.memory_space<semaphore_mem>> -> memref<1x!tpu.dma_semaphore, #tpu.memory_space<semaphore_mem>>
        %dma_wait3A_711 = tpu.memref_squeeze %dma_wait3A_710 : memref<1x!tpu.dma_semaphore, #tpu.memory_space<semaphore_mem>> -> memref<!tpu.dma_semaphore, #tpu.memory_space<semaphore_mem>>
        tpu.wait_indirect_dma semaphore(%dma_wait3A_711 : memref<!tpu.dma_semaphore, #tpu.memory_space<semaphore_mem>>) src(%dma_wait3A_706 : memref<32x128xf32, #tpu.memory_space<vmem>>) dst(%dma_wait3A_709 : memref<10000x128xf32, #tpu.memory_space<vmem_shared>>)
      } else {
      }
      %add3A_571 = arith.constant 6 : i32
      %add3A_572 = arith.addi %add3A_520, %add3A_571 : i32
      %lt3A_573 = arith.constant 312 : i32
      %lt3A_574 = arith.cmpi slt, %add3A_572, %lt3A_573 : i32
      %convert_element_type3A_575 = arith.extui %lt3A_574 : i1 to i32
      %cond3A_576 = arith.constant 0 : i32
      %cond3A_577 = arith.cmpi ne, %convert_element_type3A_575, %cond3A_576 : i32
      scf.if %cond3A_577 {
        %add3A_700 = arith.constant 6 : i32
        %add3A_701 = arith.addi %add3A_520, %add3A_700 : i32
        %mul3A_702 = arith.constant 312 : i32
        %mul3A_703 = arith.muli %add3A, %mul3A_702 : i32
        %add3A_704 = arith.addi %mul3A_703, %add3A_701 : i32
        %mul3A_705 = arith.constant 32 : i32
        %mul3A_706 = arith.muli %add3A_704, %mul3A_705 : i32
        %add3A_707 = arith.constant 320000 : i32
        %add3A_708 = arith.addi %add3A_707, %mul3A_706 : i32
        %dma_start3A_709 = arith.constant 3 : i32
        %dma_start3A_710 = tpu.memref_slice %arg3[%add3A_708] : memref<640000xi32, #tpu.memory_space<hbm>> -> memref<32xi32, #tpu.memory_space<hbm>>
        %dma_start3A_711 = tpu.memref_slice %arg20[%dma_start3A_709] : memref<8x!tpu.dma_semaphore, #tpu.memory_space<semaphore_mem>> -> memref<1x!tpu.dma_semaphore, #tpu.memory_space<semaphore_mem>>
        %dma_start3A_712 = tpu.memref_squeeze %dma_start3A_711 : memref<1x!tpu.dma_semaphore, #tpu.memory_space<semaphore_mem>> -> memref<!tpu.dma_semaphore, #tpu.memory_space<semaphore_mem>>
        %dma_start3A_713 = tpu.memref_slice %arg3[%add3A_708] : memref<640000xi32, #tpu.memory_space<hbm>> -> memref<32xi32, #tpu.memory_space<hbm>>
        tpu.enqueue_dma source(%dma_start3A_713 : memref<32xi32, #tpu.memory_space<hbm>>) target(%arg10 : memref<32xi32, #tpu.memory_space<vmem>>) target_semaphore(%dma_start3A_712 : memref<!tpu.dma_semaphore, #tpu.memory_space<semaphore_mem>>)
        %mul3A_714 = arith.constant 2 : i32
        %mul3A_715 = arith.muli %add3A_212, %mul3A_714 : i32
        %add3A_716 = arith.constant 2 : i32
        %add3A_717 = arith.addi %mul3A_715, %add3A_716 : i32
        %mul3A_718 = arith.constant 4 : i32
        %mul3A_719 = arith.muli %add3A_717, %mul3A_718 : i32
        %add3A_720 = arith.constant 3 : i32
        %add3A_721 = arith.addi %mul3A_719, %add3A_720 : i32
        %mul3A_722 = arith.constant 32 : i32
        %mul3A_723 = arith.muli %add3A_721, %mul3A_722 : i32
        %dma_start3A_724 = arith.constant 3 : i32
        %dma_start3A_725 = arith.constant 3 : i32
        %dma_start3A_726 = arith.constant 0 : i32
        %dma_start3A_727 = arith.constant 0 : i32
        %dma_start3A_728 = tpu.memref_slice %arg17[%dma_start3A_724, %dma_start3A_726, %dma_start3A_727] : memref<8x32x128xf32, #tpu.memory_space<vmem>> -> memref<1x32x128xf32, #tpu.memory_space<vmem>>
        %dma_start3A_729 = tpu.memref_squeeze %dma_start3A_728 : memref<1x32x128xf32, #tpu.memory_space<vmem>> -> memref<32x128xf32, #tpu.memory_space<vmem>>
        %dma_start3A_730 = tpu.memref_slice %arg6[%mul3A_723] : memref<9984xi32, #tpu.memory_space<vmem>> -> memref<32xi32, #tpu.memory_space<vmem>>
        %dma_start3A_731 = arith.constant 0 : i32
        %dma_start3A_732 = arith.constant 0 : i32
        %dma_start3A_733 = tpu.memref_slice %arg2[%dma_start3A_731, %dma_start3A_732] : memref<10000x128xf32, #tpu.memory_space<hbm>> -> memref<10000x128xf32, #tpu.memory_space<hbm>>
        %dma_start3A_734 = tpu.memref_slice %arg19[%dma_start3A_725] : memref<8x!tpu.dma_semaphore, #tpu.memory_space<semaphore_mem>> -> memref<1x!tpu.dma_semaphore, #tpu.memory_space<semaphore_mem>>
        %dma_start3A_735 = tpu.memref_squeeze %dma_start3A_734 : memref<1x!tpu.dma_semaphore, #tpu.memory_space<semaphore_mem>> -> memref<!tpu.dma_semaphore, #tpu.memory_space<semaphore_mem>>
        tpu.enqueue_indirect_dma source(%dma_start3A_733 : memref<10000x128xf32, #tpu.memory_space<hbm>>) target(%dma_start3A_729 : memref<32x128xf32, #tpu.memory_space<vmem>>) offsets(%dma_start3A_730 : memref<32xi32, #tpu.memory_space<vmem>>) semaphore(%dma_start3A_735 : memref<!tpu.dma_semaphore, #tpu.memory_space<semaphore_mem>>)
      } else {
      }
      %mul3A_578 = arith.constant 8 : i32
      %mul3A_579 = arith.muli %add3A_212, %mul3A_578 : i32
      %add3A_580 = arith.constant 6 : i32
      %add3A_581 = arith.addi %mul3A_579, %add3A_580 : i32
      %mul3A_582 = arith.constant 2 : i32
      %mul3A_583 = arith.muli %add3A_212, %mul3A_582 : i32
      %add3A_584 = arith.constant 1 : i32
      %add3A_585 = arith.addi %mul3A_583, %add3A_584 : i32
      %mul3A_586 = arith.constant 4 : i32
      %mul3A_587 = arith.muli %add3A_585, %mul3A_586 : i32
      %add3A_588 = arith.constant 2 : i32
      %add3A_589 = arith.addi %mul3A_587, %add3A_588 : i32
      %mul3A_590 = arith.constant 32 : i32
      %mul3A_591 = arith.muli %add3A_589, %mul3A_590 : i32
      %dma_wait3A_592 = arith.constant 6 : i32
      %dma_wait3A_593 = arith.constant 6 : i32
      %dma_wait3A_594 = arith.constant 0 : i32
      %dma_wait3A_595 = arith.constant 0 : i32
      %dma_wait3A_596 = tpu.memref_slice %arg17[%dma_wait3A_592, %dma_wait3A_594, %dma_wait3A_595] : memref<8x32x128xf32, #tpu.memory_space<vmem>> -> memref<1x32x128xf32, #tpu.memory_space<vmem>>
      %dma_wait3A_597 = tpu.memref_squeeze %dma_wait3A_596 : memref<1x32x128xf32, #tpu.memory_space<vmem>> -> memref<32x128xf32, #tpu.memory_space<vmem>>
      %dma_wait3A_598 = tpu.memref_slice %arg6[%mul3A_591] : memref<9984xi32, #tpu.memory_space<vmem>> -> memref<32xi32, #tpu.memory_space<vmem>>
      %dma_wait3A_599 = arith.constant 0 : i32
      %dma_wait3A_600 = arith.constant 0 : i32
      %dma_wait3A_601 = tpu.memref_slice %arg2[%dma_wait3A_599, %dma_wait3A_600] : memref<10000x128xf32, #tpu.memory_space<hbm>> -> memref<10000x128xf32, #tpu.memory_space<hbm>>
      %dma_wait3A_602 = tpu.memref_slice %arg19[%dma_wait3A_593] : memref<8x!tpu.dma_semaphore, #tpu.memory_space<semaphore_mem>> -> memref<1x!tpu.dma_semaphore, #tpu.memory_space<semaphore_mem>>
      %dma_wait3A_603 = tpu.memref_squeeze %dma_wait3A_602 : memref<1x!tpu.dma_semaphore, #tpu.memory_space<semaphore_mem>> -> memref<!tpu.dma_semaphore, #tpu.memory_space<semaphore_mem>>
      tpu.wait_indirect_dma semaphore(%dma_wait3A_603 : memref<!tpu.dma_semaphore, #tpu.memory_space<semaphore_mem>>) src(%dma_wait3A_601 : memref<10000x128xf32, #tpu.memory_space<hbm>>) dst(%dma_wait3A_597 : memref<32x128xf32, #tpu.memory_space<vmem>>)
      %mul3A_604 = arith.constant 312 : i32
      %mul3A_605 = arith.muli %add3A, %mul3A_604 : i32
      %add3A_606 = arith.addi %mul3A_605, %add3A_581 : i32
      %mul3A_607 = arith.constant 32 : i32
      %mul3A_608 = arith.muli %add3A_606, %mul3A_607 : i32
      %add3A_609 = arith.constant 320000 : i32
      %add3A_610 = arith.addi %add3A_609, %mul3A_608 : i32
      %dma_wait3A_611 = arith.constant 6 : i32
      %dma_wait3A_612 = tpu.memref_slice %arg3[%add3A_610] : memref<640000xi32, #tpu.memory_space<hbm>> -> memref<32xi32, #tpu.memory_space<hbm>>
      %dma_wait3A_613 = tpu.memref_slice %arg20[%dma_wait3A_611] : memref<8x!tpu.dma_semaphore, #tpu.memory_space<semaphore_mem>> -> memref<1x!tpu.dma_semaphore, #tpu.memory_space<semaphore_mem>>
      %dma_wait3A_614 = tpu.memref_squeeze %dma_wait3A_613 : memref<1x!tpu.dma_semaphore, #tpu.memory_space<semaphore_mem>> -> memref<!tpu.dma_semaphore, #tpu.memory_space<semaphore_mem>>
      %dma_wait3A_615 = tpu.memref_slice %arg3[%add3A_610] : memref<640000xi32, #tpu.memory_space<hbm>> -> memref<32xi32, #tpu.memory_space<hbm>>
      tpu.wait_dma2 semaphore(%dma_wait3A_614 : memref<!tpu.dma_semaphore, #tpu.memory_space<semaphore_mem>>) src(%dma_wait3A_615 : memref<32xi32, #tpu.memory_space<hbm>>) dst(%arg13 : memref<32xi32, #tpu.memory_space<vmem>>)
      %dma_start3A_616 = arith.constant 6 : i32
      %dma_start3A_617 = arith.constant 6 : i32
      %dma_start3A_618 = arith.constant 0 : i32
      %dma_start3A_619 = arith.constant 0 : i32
      %dma_start3A_620 = tpu.memref_slice %arg17[%dma_start3A_616, %dma_start3A_618, %dma_start3A_619] : memref<8x32x128xf32, #tpu.memory_space<vmem>> -> memref<1x32x128xf32, #tpu.memory_space<vmem>>
      %dma_start3A_621 = tpu.memref_squeeze %dma_start3A_620 : memref<1x32x128xf32, #tpu.memory_space<vmem>> -> memref<32x128xf32, #tpu.memory_space<vmem>>
      %dma_start3A_622 = arith.constant 0 : i32
      %dma_start3A_623 = arith.constant 0 : i32
      %dma_start3A_624 = tpu.memref_slice %arg18[%dma_start3A_622, %dma_start3A_623] : memref<10000x128xf32, #tpu.memory_space<vmem_shared>> -> memref<10000x128xf32, #tpu.memory_space<vmem_shared>>
      %dma_start3A_625 = tpu.memref_slice %arg21[%dma_start3A_617] : memref<8x!tpu.dma_semaphore, #tpu.memory_space<semaphore_mem>> -> memref<1x!tpu.dma_semaphore, #tpu.memory_space<semaphore_mem>>
      %dma_start3A_626 = tpu.memref_squeeze %dma_start3A_625 : memref<1x!tpu.dma_semaphore, #tpu.memory_space<semaphore_mem>> -> memref<!tpu.dma_semaphore, #tpu.memory_space<semaphore_mem>>
      tpu.enqueue_indirect_dma source(%dma_start3A_621 : memref<32x128xf32, #tpu.memory_space<vmem>>) target(%dma_start3A_624 : memref<10000x128xf32, #tpu.memory_space<vmem_shared>>) offsets(%arg13 : memref<32xi32, #tpu.memory_space<vmem>>) semaphore(%dma_start3A_626 : memref<!tpu.dma_semaphore, #tpu.memory_space<semaphore_mem>>) {add = true}
      %ge3A_627 = arith.constant 2 : i32
      %ge3A_628 = arith.cmpi sge, %add3A_581, %ge3A_627 : i32
      %convert_element_type3A_629 = arith.extui %ge3A_628 : i1 to i32
      %cond3A_630 = arith.constant 0 : i32
      %cond3A_631 = arith.cmpi ne, %convert_element_type3A_629, %cond3A_630 : i32
      scf.if %cond3A_631 {
        %sub3A = arith.constant 2 : i32
        %sub3A_700 = arith.subi %add3A_581, %sub3A : i32
        %dma_wait3A_701 = arith.constant 4 : i32
        %dma_wait3A_702 = arith.constant 4 : i32
        %dma_wait3A_703 = arith.constant 0 : i32
        %dma_wait3A_704 = arith.constant 0 : i32
        %dma_wait3A_705 = tpu.memref_slice %arg17[%dma_wait3A_701, %dma_wait3A_703, %dma_wait3A_704] : memref<8x32x128xf32, #tpu.memory_space<vmem>> -> memref<1x32x128xf32, #tpu.memory_space<vmem>>
        %dma_wait3A_706 = tpu.memref_squeeze %dma_wait3A_705 : memref<1x32x128xf32, #tpu.memory_space<vmem>> -> memref<32x128xf32, #tpu.memory_space<vmem>>
        %dma_wait3A_707 = arith.constant 0 : i32
        %dma_wait3A_708 = arith.constant 0 : i32
        %dma_wait3A_709 = tpu.memref_slice %arg18[%dma_wait3A_707, %dma_wait3A_708] : memref<10000x128xf32, #tpu.memory_space<vmem_shared>> -> memref<10000x128xf32, #tpu.memory_space<vmem_shared>>
        %dma_wait3A_710 = tpu.memref_slice %arg21[%dma_wait3A_702] : memref<8x!tpu.dma_semaphore, #tpu.memory_space<semaphore_mem>> -> memref<1x!tpu.dma_semaphore, #tpu.memory_space<semaphore_mem>>
        %dma_wait3A_711 = tpu.memref_squeeze %dma_wait3A_710 : memref<1x!tpu.dma_semaphore, #tpu.memory_space<semaphore_mem>> -> memref<!tpu.dma_semaphore, #tpu.memory_space<semaphore_mem>>
        tpu.wait_indirect_dma semaphore(%dma_wait3A_711 : memref<!tpu.dma_semaphore, #tpu.memory_space<semaphore_mem>>) src(%dma_wait3A_706 : memref<32x128xf32, #tpu.memory_space<vmem>>) dst(%dma_wait3A_709 : memref<10000x128xf32, #tpu.memory_space<vmem_shared>>)
      } else {
      }
      %add3A_632 = arith.constant 6 : i32
      %add3A_633 = arith.addi %add3A_581, %add3A_632 : i32
      %lt3A_634 = arith.constant 312 : i32
      %lt3A_635 = arith.cmpi slt, %add3A_633, %lt3A_634 : i32
      %convert_element_type3A_636 = arith.extui %lt3A_635 : i1 to i32
      %cond3A_637 = arith.constant 0 : i32
      %cond3A_638 = arith.cmpi ne, %convert_element_type3A_636, %cond3A_637 : i32
      scf.if %cond3A_638 {
        %add3A_700 = arith.constant 6 : i32
        %add3A_701 = arith.addi %add3A_581, %add3A_700 : i32
        %mul3A_702 = arith.constant 312 : i32
        %mul3A_703 = arith.muli %add3A, %mul3A_702 : i32
        %add3A_704 = arith.addi %mul3A_703, %add3A_701 : i32
        %mul3A_705 = arith.constant 32 : i32
        %mul3A_706 = arith.muli %add3A_704, %mul3A_705 : i32
        %add3A_707 = arith.constant 320000 : i32
        %add3A_708 = arith.addi %add3A_707, %mul3A_706 : i32
        %dma_start3A_709 = arith.constant 4 : i32
        %dma_start3A_710 = tpu.memref_slice %arg3[%add3A_708] : memref<640000xi32, #tpu.memory_space<hbm>> -> memref<32xi32, #tpu.memory_space<hbm>>
        %dma_start3A_711 = tpu.memref_slice %arg20[%dma_start3A_709] : memref<8x!tpu.dma_semaphore, #tpu.memory_space<semaphore_mem>> -> memref<1x!tpu.dma_semaphore, #tpu.memory_space<semaphore_mem>>
        %dma_start3A_712 = tpu.memref_squeeze %dma_start3A_711 : memref<1x!tpu.dma_semaphore, #tpu.memory_space<semaphore_mem>> -> memref<!tpu.dma_semaphore, #tpu.memory_space<semaphore_mem>>
        %dma_start3A_713 = tpu.memref_slice %arg3[%add3A_708] : memref<640000xi32, #tpu.memory_space<hbm>> -> memref<32xi32, #tpu.memory_space<hbm>>
        tpu.enqueue_dma source(%dma_start3A_713 : memref<32xi32, #tpu.memory_space<hbm>>) target(%arg11 : memref<32xi32, #tpu.memory_space<vmem>>) target_semaphore(%dma_start3A_712 : memref<!tpu.dma_semaphore, #tpu.memory_space<semaphore_mem>>)
        %mul3A_714 = arith.constant 2 : i32
        %mul3A_715 = arith.muli %add3A_212, %mul3A_714 : i32
        %add3A_716 = arith.constant 3 : i32
        %add3A_717 = arith.addi %mul3A_715, %add3A_716 : i32
        %mul3A_718 = arith.constant 4 : i32
        %mul3A_719 = arith.muli %add3A_717, %mul3A_718 : i32
        %add3A_720 = arith.constant 0 : i32
        %add3A_721 = arith.addi %mul3A_719, %add3A_720 : i32
        %mul3A_722 = arith.constant 32 : i32
        %mul3A_723 = arith.muli %add3A_721, %mul3A_722 : i32
        %dma_start3A_724 = arith.constant 4 : i32
        %dma_start3A_725 = arith.constant 4 : i32
        %dma_start3A_726 = arith.constant 0 : i32
        %dma_start3A_727 = arith.constant 0 : i32
        %dma_start3A_728 = tpu.memref_slice %arg17[%dma_start3A_724, %dma_start3A_726, %dma_start3A_727] : memref<8x32x128xf32, #tpu.memory_space<vmem>> -> memref<1x32x128xf32, #tpu.memory_space<vmem>>
        %dma_start3A_729 = tpu.memref_squeeze %dma_start3A_728 : memref<1x32x128xf32, #tpu.memory_space<vmem>> -> memref<32x128xf32, #tpu.memory_space<vmem>>
        %dma_start3A_730 = tpu.memref_slice %arg6[%mul3A_723] : memref<9984xi32, #tpu.memory_space<vmem>> -> memref<32xi32, #tpu.memory_space<vmem>>
        %dma_start3A_731 = arith.constant 0 : i32
        %dma_start3A_732 = arith.constant 0 : i32
        %dma_start3A_733 = tpu.memref_slice %arg2[%dma_start3A_731, %dma_start3A_732] : memref<10000x128xf32, #tpu.memory_space<hbm>> -> memref<10000x128xf32, #tpu.memory_space<hbm>>
        %dma_start3A_734 = tpu.memref_slice %arg19[%dma_start3A_725] : memref<8x!tpu.dma_semaphore, #tpu.memory_space<semaphore_mem>> -> memref<1x!tpu.dma_semaphore, #tpu.memory_space<semaphore_mem>>
        %dma_start3A_735 = tpu.memref_squeeze %dma_start3A_734 : memref<1x!tpu.dma_semaphore, #tpu.memory_space<semaphore_mem>> -> memref<!tpu.dma_semaphore, #tpu.memory_space<semaphore_mem>>
        tpu.enqueue_indirect_dma source(%dma_start3A_733 : memref<10000x128xf32, #tpu.memory_space<hbm>>) target(%dma_start3A_729 : memref<32x128xf32, #tpu.memory_space<vmem>>) offsets(%dma_start3A_730 : memref<32xi32, #tpu.memory_space<vmem>>) semaphore(%dma_start3A_735 : memref<!tpu.dma_semaphore, #tpu.memory_space<semaphore_mem>>)
      } else {
      }
      %mul3A_639 = arith.constant 8 : i32
      %mul3A_640 = arith.muli %add3A_212, %mul3A_639 : i32
      %add3A_641 = arith.constant 7 : i32
      %add3A_642 = arith.addi %mul3A_640, %add3A_641 : i32
      %mul3A_643 = arith.constant 2 : i32
      %mul3A_644 = arith.muli %add3A_212, %mul3A_643 : i32
      %add3A_645 = arith.constant 1 : i32
      %add3A_646 = arith.addi %mul3A_644, %add3A_645 : i32
      %mul3A_647 = arith.constant 4 : i32
      %mul3A_648 = arith.muli %add3A_646, %mul3A_647 : i32
      %add3A_649 = arith.constant 3 : i32
      %add3A_650 = arith.addi %mul3A_648, %add3A_649 : i32
      %mul3A_651 = arith.constant 32 : i32
      %mul3A_652 = arith.muli %add3A_650, %mul3A_651 : i32
      %dma_wait3A_653 = arith.constant 7 : i32
      %dma_wait3A_654 = arith.constant 7 : i32
      %dma_wait3A_655 = arith.constant 0 : i32
      %dma_wait3A_656 = arith.constant 0 : i32
      %dma_wait3A_657 = tpu.memref_slice %arg17[%dma_wait3A_653, %dma_wait3A_655, %dma_wait3A_656] : memref<8x32x128xf32, #tpu.memory_space<vmem>> -> memref<1x32x128xf32, #tpu.memory_space<vmem>>
      %dma_wait3A_658 = tpu.memref_squeeze %dma_wait3A_657 : memref<1x32x128xf32, #tpu.memory_space<vmem>> -> memref<32x128xf32, #tpu.memory_space<vmem>>
      %dma_wait3A_659 = tpu.memref_slice %arg6[%mul3A_652] : memref<9984xi32, #tpu.memory_space<vmem>> -> memref<32xi32, #tpu.memory_space<vmem>>
      %dma_wait3A_660 = arith.constant 0 : i32
      %dma_wait3A_661 = arith.constant 0 : i32
      %dma_wait3A_662 = tpu.memref_slice %arg2[%dma_wait3A_660, %dma_wait3A_661] : memref<10000x128xf32, #tpu.memory_space<hbm>> -> memref<10000x128xf32, #tpu.memory_space<hbm>>
      %dma_wait3A_663 = tpu.memref_slice %arg19[%dma_wait3A_654] : memref<8x!tpu.dma_semaphore, #tpu.memory_space<semaphore_mem>> -> memref<1x!tpu.dma_semaphore, #tpu.memory_space<semaphore_mem>>
      %dma_wait3A_664 = tpu.memref_squeeze %dma_wait3A_663 : memref<1x!tpu.dma_semaphore, #tpu.memory_space<semaphore_mem>> -> memref<!tpu.dma_semaphore, #tpu.memory_space<semaphore_mem>>
      tpu.wait_indirect_dma semaphore(%dma_wait3A_664 : memref<!tpu.dma_semaphore, #tpu.memory_space<semaphore_mem>>) src(%dma_wait3A_662 : memref<10000x128xf32, #tpu.memory_space<hbm>>) dst(%dma_wait3A_658 : memref<32x128xf32, #tpu.memory_space<vmem>>)
      %mul3A_665 = arith.constant 312 : i32
      %mul3A_666 = arith.muli %add3A, %mul3A_665 : i32
      %add3A_667 = arith.addi %mul3A_666, %add3A_642 : i32
      %mul3A_668 = arith.constant 32 : i32
      %mul3A_669 = arith.muli %add3A_667, %mul3A_668 : i32
      %add3A_670 = arith.constant 320000 : i32
      %add3A_671 = arith.addi %add3A_670, %mul3A_669 : i32
      %dma_wait3A_672 = arith.constant 7 : i32
      %dma_wait3A_673 = tpu.memref_slice %arg3[%add3A_671] : memref<640000xi32, #tpu.memory_space<hbm>> -> memref<32xi32, #tpu.memory_space<hbm>>
      %dma_wait3A_674 = tpu.memref_slice %arg20[%dma_wait3A_672] : memref<8x!tpu.dma_semaphore, #tpu.memory_space<semaphore_mem>> -> memref<1x!tpu.dma_semaphore, #tpu.memory_space<semaphore_mem>>
      %dma_wait3A_675 = tpu.memref_squeeze %dma_wait3A_674 : memref<1x!tpu.dma_semaphore, #tpu.memory_space<semaphore_mem>> -> memref<!tpu.dma_semaphore, #tpu.memory_space<semaphore_mem>>
      %dma_wait3A_676 = tpu.memref_slice %arg3[%add3A_671] : memref<640000xi32, #tpu.memory_space<hbm>> -> memref<32xi32, #tpu.memory_space<hbm>>
      tpu.wait_dma2 semaphore(%dma_wait3A_675 : memref<!tpu.dma_semaphore, #tpu.memory_space<semaphore_mem>>) src(%dma_wait3A_676 : memref<32xi32, #tpu.memory_space<hbm>>) dst(%arg14 : memref<32xi32, #tpu.memory_space<vmem>>)
      %dma_start3A_677 = arith.constant 7 : i32
      %dma_start3A_678 = arith.constant 7 : i32
      %dma_start3A_679 = arith.constant 0 : i32
      %dma_start3A_680 = arith.constant 0 : i32
      %dma_start3A_681 = tpu.memref_slice %arg17[%dma_start3A_677, %dma_start3A_679, %dma_start3A_680] : memref<8x32x128xf32, #tpu.memory_space<vmem>> -> memref<1x32x128xf32, #tpu.memory_space<vmem>>
      %dma_start3A_682 = tpu.memref_squeeze %dma_start3A_681 : memref<1x32x128xf32, #tpu.memory_space<vmem>> -> memref<32x128xf32, #tpu.memory_space<vmem>>
      %dma_start3A_683 = arith.constant 0 : i32
      %dma_start3A_684 = arith.constant 0 : i32
      %dma_start3A_685 = tpu.memref_slice %arg18[%dma_start3A_683, %dma_start3A_684] : memref<10000x128xf32, #tpu.memory_space<vmem_shared>> -> memref<10000x128xf32, #tpu.memory_space<vmem_shared>>
      %dma_start3A_686 = tpu.memref_slice %arg21[%dma_start3A_678] : memref<8x!tpu.dma_semaphore, #tpu.memory_space<semaphore_mem>> -> memref<1x!tpu.dma_semaphore, #tpu.memory_space<semaphore_mem>>
      %dma_start3A_687 = tpu.memref_squeeze %dma_start3A_686 : memref<1x!tpu.dma_semaphore, #tpu.memory_space<semaphore_mem>> -> memref<!tpu.dma_semaphore, #tpu.memory_space<semaphore_mem>>
      tpu.enqueue_indirect_dma source(%dma_start3A_682 : memref<32x128xf32, #tpu.memory_space<vmem>>) target(%dma_start3A_685 : memref<10000x128xf32, #tpu.memory_space<vmem_shared>>) offsets(%arg14 : memref<32xi32, #tpu.memory_space<vmem>>) semaphore(%dma_start3A_687 : memref<!tpu.dma_semaphore, #tpu.memory_space<semaphore_mem>>) {add = true}
      %ge3A_688 = arith.constant 2 : i32
      %ge3A_689 = arith.cmpi sge, %add3A_642, %ge3A_688 : i32
      %convert_element_type3A_690 = arith.extui %ge3A_689 : i1 to i32
      %cond3A_691 = arith.constant 0 : i32
      %cond3A_692 = arith.cmpi ne, %convert_element_type3A_690, %cond3A_691 : i32
      scf.if %cond3A_692 {
        %sub3A = arith.constant 2 : i32
        %sub3A_700 = arith.subi %add3A_642, %sub3A : i32
        %dma_wait3A_701 = arith.constant 5 : i32
        %dma_wait3A_702 = arith.constant 5 : i32
        %dma_wait3A_703 = arith.constant 0 : i32
        %dma_wait3A_704 = arith.constant 0 : i32
        %dma_wait3A_705 = tpu.memref_slice %arg17[%dma_wait3A_701, %dma_wait3A_703, %dma_wait3A_704] : memref<8x32x128xf32, #tpu.memory_space<vmem>> -> memref<1x32x128xf32, #tpu.memory_space<vmem>>
        %dma_wait3A_706 = tpu.memref_squeeze %dma_wait3A_705 : memref<1x32x128xf32, #tpu.memory_space<vmem>> -> memref<32x128xf32, #tpu.memory_space<vmem>>
        %dma_wait3A_707 = arith.constant 0 : i32
        %dma_wait3A_708 = arith.constant 0 : i32
        %dma_wait3A_709 = tpu.memref_slice %arg18[%dma_wait3A_707, %dma_wait3A_708] : memref<10000x128xf32, #tpu.memory_space<vmem_shared>> -> memref<10000x128xf32, #tpu.memory_space<vmem_shared>>
        %dma_wait3A_710 = tpu.memref_slice %arg21[%dma_wait3A_702] : memref<8x!tpu.dma_semaphore, #tpu.memory_space<semaphore_mem>> -> memref<1x!tpu.dma_semaphore, #tpu.memory_space<semaphore_mem>>
        %dma_wait3A_711 = tpu.memref_squeeze %dma_wait3A_710 : memref<1x!tpu.dma_semaphore, #tpu.memory_space<semaphore_mem>> -> memref<!tpu.dma_semaphore, #tpu.memory_space<semaphore_mem>>
        tpu.wait_indirect_dma semaphore(%dma_wait3A_711 : memref<!tpu.dma_semaphore, #tpu.memory_space<semaphore_mem>>) src(%dma_wait3A_706 : memref<32x128xf32, #tpu.memory_space<vmem>>) dst(%dma_wait3A_709 : memref<10000x128xf32, #tpu.memory_space<vmem_shared>>)
      } else {
      }
      %add3A_693 = arith.constant 6 : i32
      %add3A_694 = arith.addi %add3A_642, %add3A_693 : i32
      %lt3A_695 = arith.constant 312 : i32
      %lt3A_696 = arith.cmpi slt, %add3A_694, %lt3A_695 : i32
      %convert_element_type3A_697 = arith.extui %lt3A_696 : i1 to i32
      %cond3A_698 = arith.constant 0 : i32
      %cond3A_699 = arith.cmpi ne, %convert_element_type3A_697, %cond3A_698 : i32
      scf.if %cond3A_699 {
        %add3A_700 = arith.constant 6 : i32
        %add3A_701 = arith.addi %add3A_642, %add3A_700 : i32
        %mul3A_702 = arith.constant 312 : i32
        %mul3A_703 = arith.muli %add3A, %mul3A_702 : i32
        %add3A_704 = arith.addi %mul3A_703, %add3A_701 : i32
        %mul3A_705 = arith.constant 32 : i32
        %mul3A_706 = arith.muli %add3A_704, %mul3A_705 : i32
        %add3A_707 = arith.constant 320000 : i32
        %add3A_708 = arith.addi %add3A_707, %mul3A_706 : i32
        %dma_start3A_709 = arith.constant 5 : i32
        %dma_start3A_710 = tpu.memref_slice %arg3[%add3A_708] : memref<640000xi32, #tpu.memory_space<hbm>> -> memref<32xi32, #tpu.memory_space<hbm>>
        %dma_start3A_711 = tpu.memref_slice %arg20[%dma_start3A_709] : memref<8x!tpu.dma_semaphore, #tpu.memory_space<semaphore_mem>> -> memref<1x!tpu.dma_semaphore, #tpu.memory_space<semaphore_mem>>
        %dma_start3A_712 = tpu.memref_squeeze %dma_start3A_711 : memref<1x!tpu.dma_semaphore, #tpu.memory_space<semaphore_mem>> -> memref<!tpu.dma_semaphore, #tpu.memory_space<semaphore_mem>>
        %dma_start3A_713 = tpu.memref_slice %arg3[%add3A_708] : memref<640000xi32, #tpu.memory_space<hbm>> -> memref<32xi32, #tpu.memory_space<hbm>>
        tpu.enqueue_dma source(%dma_start3A_713 : memref<32xi32, #tpu.memory_space<hbm>>) target(%arg12 : memref<32xi32, #tpu.memory_space<vmem>>) target_semaphore(%dma_start3A_712 : memref<!tpu.dma_semaphore, #tpu.memory_space<semaphore_mem>>)
        %mul3A_714 = arith.constant 2 : i32
        %mul3A_715 = arith.muli %add3A_212, %mul3A_714 : i32
        %add3A_716 = arith.constant 3 : i32
        %add3A_717 = arith.addi %mul3A_715, %add3A_716 : i32
        %mul3A_718 = arith.constant 4 : i32
        %mul3A_719 = arith.muli %add3A_717, %mul3A_718 : i32
        %add3A_720 = arith.constant 1 : i32
        %add3A_721 = arith.addi %mul3A_719, %add3A_720 : i32
        %mul3A_722 = arith.constant 32 : i32
        %mul3A_723 = arith.muli %add3A_721, %mul3A_722 : i32
        %dma_start3A_724 = arith.constant 5 : i32
        %dma_start3A_725 = arith.constant 5 : i32
        %dma_start3A_726 = arith.constant 0 : i32
        %dma_start3A_727 = arith.constant 0 : i32
        %dma_start3A_728 = tpu.memref_slice %arg17[%dma_start3A_724, %dma_start3A_726, %dma_start3A_727] : memref<8x32x128xf32, #tpu.memory_space<vmem>> -> memref<1x32x128xf32, #tpu.memory_space<vmem>>
        %dma_start3A_729 = tpu.memref_squeeze %dma_start3A_728 : memref<1x32x128xf32, #tpu.memory_space<vmem>> -> memref<32x128xf32, #tpu.memory_space<vmem>>
        %dma_start3A_730 = tpu.memref_slice %arg6[%mul3A_723] : memref<9984xi32, #tpu.memory_space<vmem>> -> memref<32xi32, #tpu.memory_space<vmem>>
        %dma_start3A_731 = arith.constant 0 : i32
        %dma_start3A_732 = arith.constant 0 : i32
        %dma_start3A_733 = tpu.memref_slice %arg2[%dma_start3A_731, %dma_start3A_732] : memref<10000x128xf32, #tpu.memory_space<hbm>> -> memref<10000x128xf32, #tpu.memory_space<hbm>>
        %dma_start3A_734 = tpu.memref_slice %arg19[%dma_start3A_725] : memref<8x!tpu.dma_semaphore, #tpu.memory_space<semaphore_mem>> -> memref<1x!tpu.dma_semaphore, #tpu.memory_space<semaphore_mem>>
        %dma_start3A_735 = tpu.memref_squeeze %dma_start3A_734 : memref<1x!tpu.dma_semaphore, #tpu.memory_space<semaphore_mem>> -> memref<!tpu.dma_semaphore, #tpu.memory_space<semaphore_mem>>
        tpu.enqueue_indirect_dma source(%dma_start3A_733 : memref<10000x128xf32, #tpu.memory_space<hbm>>) target(%dma_start3A_729 : memref<32x128xf32, #tpu.memory_space<vmem>>) offsets(%dma_start3A_730 : memref<32xi32, #tpu.memory_space<vmem>>) semaphore(%dma_start3A_735 : memref<!tpu.dma_semaphore, #tpu.memory_space<semaphore_mem>>)
      } else {
      }
    }
    %scan3A_174 = arith.constant 39 : i32
    %dma_wait3A_175 = arith.constant 6 : i32
    %dma_wait3A_176 = arith.constant 6 : i32
    %dma_wait3A_177 = arith.constant 0 : i32
    %dma_wait3A_178 = arith.constant 0 : i32
    %dma_wait3A_179 = tpu.memref_slice %arg17[%dma_wait3A_175, %dma_wait3A_177, %dma_wait3A_178] : memref<8x32x128xf32, #tpu.memory_space<vmem>> -> memref<1x32x128xf32, #tpu.memory_space<vmem>>
    %dma_wait3A_180 = tpu.memref_squeeze %dma_wait3A_179 : memref<1x32x128xf32, #tpu.memory_space<vmem>> -> memref<32x128xf32, #tpu.memory_space<vmem>>
    %dma_wait3A_181 = arith.constant 0 : i32
    %dma_wait3A_182 = arith.constant 0 : i32
    %dma_wait3A_183 = tpu.memref_slice %arg18[%dma_wait3A_181, %dma_wait3A_182] : memref<10000x128xf32, #tpu.memory_space<vmem_shared>> -> memref<10000x128xf32, #tpu.memory_space<vmem_shared>>
    %dma_wait3A_184 = tpu.memref_slice %arg21[%dma_wait3A_176] : memref<8x!tpu.dma_semaphore, #tpu.memory_space<semaphore_mem>> -> memref<1x!tpu.dma_semaphore, #tpu.memory_space<semaphore_mem>>
    %dma_wait3A_185 = tpu.memref_squeeze %dma_wait3A_184 : memref<1x!tpu.dma_semaphore, #tpu.memory_space<semaphore_mem>> -> memref<!tpu.dma_semaphore, #tpu.memory_space<semaphore_mem>>
    tpu.wait_indirect_dma semaphore(%dma_wait3A_185 : memref<!tpu.dma_semaphore, #tpu.memory_space<semaphore_mem>>) src(%dma_wait3A_180 : memref<32x128xf32, #tpu.memory_space<vmem>>) dst(%dma_wait3A_183 : memref<10000x128xf32, #tpu.memory_space<vmem_shared>>)
    %dma_wait3A_186 = arith.constant 7 : i32
    %dma_wait3A_187 = arith.constant 7 : i32
    %dma_wait3A_188 = arith.constant 0 : i32
    %dma_wait3A_189 = arith.constant 0 : i32
    %dma_wait3A_190 = tpu.memref_slice %arg17[%dma_wait3A_186, %dma_wait3A_188, %dma_wait3A_189] : memref<8x32x128xf32, #tpu.memory_space<vmem>> -> memref<1x32x128xf32, #tpu.memory_space<vmem>>
    %dma_wait3A_191 = tpu.memref_squeeze %dma_wait3A_190 : memref<1x32x128xf32, #tpu.memory_space<vmem>> -> memref<32x128xf32, #tpu.memory_space<vmem>>
    %dma_wait3A_192 = arith.constant 0 : i32
    %dma_wait3A_193 = arith.constant 0 : i32
    %dma_wait3A_194 = tpu.memref_slice %arg18[%dma_wait3A_192, %dma_wait3A_193] : memref<10000x128xf32, #tpu.memory_space<vmem_shared>> -> memref<10000x128xf32, #tpu.memory_space<vmem_shared>>
    %dma_wait3A_195 = tpu.memref_slice %arg21[%dma_wait3A_187] : memref<8x!tpu.dma_semaphore, #tpu.memory_space<semaphore_mem>> -> memref<1x!tpu.dma_semaphore, #tpu.memory_space<semaphore_mem>>
    %dma_wait3A_196 = tpu.memref_squeeze %dma_wait3A_195 : memref<1x!tpu.dma_semaphore, #tpu.memory_space<semaphore_mem>> -> memref<!tpu.dma_semaphore, #tpu.memory_space<semaphore_mem>>
    tpu.wait_indirect_dma semaphore(%dma_wait3A_196 : memref<!tpu.dma_semaphore, #tpu.memory_space<semaphore_mem>>) src(%dma_wait3A_191 : memref<32x128xf32, #tpu.memory_space<vmem>>) dst(%dma_wait3A_194 : memref<10000x128xf32, #tpu.memory_space<vmem_shared>>)
    %lt3A_197 = arith.constant 16 : i32
    %lt3A_198 = arith.cmpi slt, %add3A, %lt3A_197 : i32
    %convert_element_type3A_199 = arith.extui %lt3A_198 : i1 to i32
    %cond3A_200 = arith.constant 0 : i32
    %cond3A_201 = arith.cmpi ne, %convert_element_type3A_199, %cond3A_200 : i32
    scf.if %cond3A_201 {
      %dma_start3A_208 = arith.constant 0 : i32
      %dma_start3A_209 = arith.constant 0 : i32
      %dma_start3A_210 = arith.constant 0 : i32
      %dma_start3A_211 = arith.constant 0 : i32
      %dma_start3A_212 = tpu.memref_slice %arg17[%dma_start3A_208, %dma_start3A_210, %dma_start3A_211] : memref<8x32x128xf32, #tpu.memory_space<vmem>> -> memref<1x32x128xf32, #tpu.memory_space<vmem>>
      %dma_start3A_213 = tpu.memref_squeeze %dma_start3A_212 : memref<1x32x128xf32, #tpu.memory_space<vmem>> -> memref<32x128xf32, #tpu.memory_space<vmem>>
      %dma_start3A_214 = arith.constant 0 : i32
      %dma_start3A_215 = arith.constant 0 : i32
      %dma_start3A_216 = tpu.memref_slice %arg2[%dma_start3A_214, %dma_start3A_215] : memref<10000x128xf32, #tpu.memory_space<hbm>> -> memref<10000x128xf32, #tpu.memory_space<hbm>>
      %dma_start3A_217 = tpu.memref_slice %arg19[%dma_start3A_209] : memref<8x!tpu.dma_semaphore, #tpu.memory_space<semaphore_mem>> -> memref<1x!tpu.dma_semaphore, #tpu.memory_space<semaphore_mem>>
      %dma_start3A_218 = tpu.memref_squeeze %dma_start3A_217 : memref<1x!tpu.dma_semaphore, #tpu.memory_space<semaphore_mem>> -> memref<!tpu.dma_semaphore, #tpu.memory_space<semaphore_mem>>
      tpu.enqueue_indirect_dma source(%dma_start3A_216 : memref<10000x128xf32, #tpu.memory_space<hbm>>) target(%dma_start3A_213 : memref<32x128xf32, #tpu.memory_space<vmem>>) offsets(%arg15 : memref<32xi32, #tpu.memory_space<vmem>>) semaphore(%dma_start3A_218 : memref<!tpu.dma_semaphore, #tpu.memory_space<semaphore_mem>>)
      %dma_wait3A_219 = arith.constant 0 : i32
      %dma_wait3A_220 = arith.constant 0 : i32
      %dma_wait3A_221 = arith.constant 0 : i32
      %dma_wait3A_222 = arith.constant 0 : i32
      %dma_wait3A_223 = tpu.memref_slice %arg17[%dma_wait3A_219, %dma_wait3A_221, %dma_wait3A_222] : memref<8x32x128xf32, #tpu.memory_space<vmem>> -> memref<1x32x128xf32, #tpu.memory_space<vmem>>
      %dma_wait3A_224 = tpu.memref_squeeze %dma_wait3A_223 : memref<1x32x128xf32, #tpu.memory_space<vmem>> -> memref<32x128xf32, #tpu.memory_space<vmem>>
      %dma_wait3A_225 = arith.constant 0 : i32
      %dma_wait3A_226 = arith.constant 0 : i32
      %dma_wait3A_227 = tpu.memref_slice %arg2[%dma_wait3A_225, %dma_wait3A_226] : memref<10000x128xf32, #tpu.memory_space<hbm>> -> memref<10000x128xf32, #tpu.memory_space<hbm>>
      %dma_wait3A_228 = tpu.memref_slice %arg19[%dma_wait3A_220] : memref<8x!tpu.dma_semaphore, #tpu.memory_space<semaphore_mem>> -> memref<1x!tpu.dma_semaphore, #tpu.memory_space<semaphore_mem>>
      %dma_wait3A_229 = tpu.memref_squeeze %dma_wait3A_228 : memref<1x!tpu.dma_semaphore, #tpu.memory_space<semaphore_mem>> -> memref<!tpu.dma_semaphore, #tpu.memory_space<semaphore_mem>>
      tpu.wait_indirect_dma semaphore(%dma_wait3A_229 : memref<!tpu.dma_semaphore, #tpu.memory_space<semaphore_mem>>) src(%dma_wait3A_227 : memref<10000x128xf32, #tpu.memory_space<hbm>>) dst(%dma_wait3A_224 : memref<32x128xf32, #tpu.memory_space<vmem>>)
      %run_scoped3A = arith.constant 0 : i32
      "tpu.region"() ({
        %run_scoped3A_230 = tpu.sem_alloc : memref<!tpu.dma_semaphore, #tpu.memory_space<semaphore_mem>>
        %dma_start3A_231 = arith.constant 0 : i32
        %dma_start3A_232 = arith.constant 0 : i32
        %dma_start3A_233 = tpu.memref_slice %arg17[%run_scoped3A, %dma_start3A_231, %dma_start3A_232] : memref<8x32x128xf32, #tpu.memory_space<vmem>> -> memref<1x32x128xf32, #tpu.memory_space<vmem>>
        %dma_start3A_234 = tpu.memref_squeeze %dma_start3A_233 : memref<1x32x128xf32, #tpu.memory_space<vmem>> -> memref<32x128xf32, #tpu.memory_space<vmem>>
        %dma_start3A_235 = arith.constant 0 : i32
        %dma_start3A_236 = arith.constant 0 : i32
        %dma_start3A_237 = tpu.memref_slice %arg18[%dma_start3A_235, %dma_start3A_236] : memref<10000x128xf32, #tpu.memory_space<vmem_shared>> -> memref<10000x128xf32, #tpu.memory_space<vmem_shared>>
        tpu.enqueue_indirect_dma source(%dma_start3A_234 : memref<32x128xf32, #tpu.memory_space<vmem>>) target(%dma_start3A_237 : memref<10000x128xf32, #tpu.memory_space<vmem_shared>>) offsets(%arg16 : memref<32xi32, #tpu.memory_space<vmem>>) semaphore(%run_scoped3A_230 : memref<!tpu.dma_semaphore, #tpu.memory_space<semaphore_mem>>) {add = true}
        %dma_wait3A_238 = arith.constant 0 : i32
        %dma_wait3A_239 = arith.constant 0 : i32
        %dma_wait3A_240 = tpu.memref_slice %arg17[%run_scoped3A, %dma_wait3A_238, %dma_wait3A_239] : memref<8x32x128xf32, #tpu.memory_space<vmem>> -> memref<1x32x128xf32, #tpu.memory_space<vmem>>
        %dma_wait3A_241 = tpu.memref_squeeze %dma_wait3A_240 : memref<1x32x128xf32, #tpu.memory_space<vmem>> -> memref<32x128xf32, #tpu.memory_space<vmem>>
        %dma_wait3A_242 = arith.constant 0 : i32
        %dma_wait3A_243 = arith.constant 0 : i32
        %dma_wait3A_244 = tpu.memref_slice %arg18[%dma_wait3A_242, %dma_wait3A_243] : memref<10000x128xf32, #tpu.memory_space<vmem_shared>> -> memref<10000x128xf32, #tpu.memory_space<vmem_shared>>
        tpu.wait_indirect_dma semaphore(%run_scoped3A_230 : memref<!tpu.dma_semaphore, #tpu.memory_space<semaphore_mem>>) src(%dma_wait3A_241 : memref<32x128xf32, #tpu.memory_space<vmem>>) dst(%dma_wait3A_244 : memref<10000x128xf32, #tpu.memory_space<vmem_shared>>)
        tpu.yield
      }) : () -> ()
    } else {
    }
    %barrier3A_202 = arith.constant 0 : index
    tpu.barrier barrier_id(%barrier3A_202)
    "tpu.region"() ({
      %run_scoped3A = tpu.sem_alloc : memref<!tpu.dma_semaphore, #tpu.memory_space<semaphore_mem>>
      %dma_start3A_208 = arith.constant 0 : i32
      %dma_start3A_209 = tpu.memref_slice %arg5[%arg0, %mul3A_2, %dma_start3A_208] : memref<2x10000x128xf32, #tpu.memory_space<hbm>> -> memref<1x624x128xf32, #tpu.memory_space<hbm>>
      %dma_start3A_210 = tpu.memref_squeeze %dma_start3A_209 : memref<1x624x128xf32, #tpu.memory_space<hbm>> -> memref<624x128xf32, #tpu.memory_space<hbm>>
      %dma_start3A_211 = arith.constant 0 : i32
      %dma_start3A_212 = tpu.memref_slice %arg18[%mul3A_2, %dma_start3A_211] : memref<10000x128xf32, #tpu.memory_space<vmem_shared>> -> memref<624x128xf32, #tpu.memory_space<vmem_shared>>
      tpu.enqueue_dma source(%dma_start3A_212 : memref<624x128xf32, #tpu.memory_space<vmem_shared>>) target(%dma_start3A_210 : memref<624x128xf32, #tpu.memory_space<hbm>>) target_semaphore(%run_scoped3A : memref<!tpu.dma_semaphore, #tpu.memory_space<semaphore_mem>>)
      %dma_wait3A_213 = arith.constant 0 : i32
      %dma_wait3A_214 = tpu.memref_slice %arg5[%arg0, %mul3A_2, %dma_wait3A_213] : memref<2x10000x128xf32, #tpu.memory_space<hbm>> -> memref<1x624x128xf32, #tpu.memory_space<hbm>>
      %dma_wait3A_215 = tpu.memref_squeeze %dma_wait3A_214 : memref<1x624x128xf32, #tpu.memory_space<hbm>> -> memref<624x128xf32, #tpu.memory_space<hbm>>
      %dma_wait3A_216 = arith.constant 0 : i32
      %dma_wait3A_217 = tpu.memref_slice %arg18[%mul3A_2, %dma_wait3A_216] : memref<10000x128xf32, #tpu.memory_space<vmem_shared>> -> memref<624x128xf32, #tpu.memory_space<vmem_shared>>
      tpu.wait_dma2 semaphore(%run_scoped3A : memref<!tpu.dma_semaphore, #tpu.memory_space<semaphore_mem>>) src(%dma_wait3A_217 : memref<624x128xf32, #tpu.memory_space<vmem_shared>>) dst(%dma_wait3A_215 : memref<624x128xf32, #tpu.memory_space<hbm>>)
      tpu.yield
    }) : () -> ()
    %eq3A_203 = arith.constant 15 : i32
    %eq3A_204 = arith.cmpi eq, %arg1, %eq3A_203 : i32
    %convert_element_type3A_205 = arith.extui %eq3A_204 : i1 to i32
    %cond3A_206 = arith.constant 0 : i32
    %cond3A_207 = arith.cmpi ne, %convert_element_type3A_205, %cond3A_206 : i32
    scf.if %cond3A_207 {
      "tpu.region"() ({
        %run_scoped3A = tpu.sem_alloc : memref<!tpu.dma_semaphore, #tpu.memory_space<semaphore_mem>>
        %dma_start3A_208 = arith.constant 9984 : i32
        %dma_start3A_209 = arith.constant 0 : i32
        %dma_start3A_210 = tpu.memref_slice %arg5[%arg0, %dma_start3A_208, %dma_start3A_209] : memref<2x10000x128xf32, #tpu.memory_space<hbm>> -> memref<1x16x128xf32, #tpu.memory_space<hbm>>
        %dma_start3A_211 = tpu.memref_squeeze %dma_start3A_210 : memref<1x16x128xf32, #tpu.memory_space<hbm>> -> memref<16x128xf32, #tpu.memory_space<hbm>>
        %dma_start3A_212 = arith.constant 9984 : i32
        %dma_start3A_213 = arith.constant 0 : i32
        %dma_start3A_214 = tpu.memref_slice %arg18[%dma_start3A_212, %dma_start3A_213] : memref<10000x128xf32, #tpu.memory_space<vmem_shared>> -> memref<16x128xf32, #tpu.memory_space<vmem_shared>>
        tpu.enqueue_dma source(%dma_start3A_214 : memref<16x128xf32, #tpu.memory_space<vmem_shared>>) target(%dma_start3A_211 : memref<16x128xf32, #tpu.memory_space<hbm>>) target_semaphore(%run_scoped3A : memref<!tpu.dma_semaphore, #tpu.memory_space<semaphore_mem>>)
        %dma_wait3A_215 = arith.constant 9984 : i32
        %dma_wait3A_216 = arith.constant 0 : i32
        %dma_wait3A_217 = tpu.memref_slice %arg5[%arg0, %dma_wait3A_215, %dma_wait3A_216] : memref<2x10000x128xf32, #tpu.memory_space<hbm>> -> memref<1x16x128xf32, #tpu.memory_space<hbm>>
        %dma_wait3A_218 = tpu.memref_squeeze %dma_wait3A_217 : memref<1x16x128xf32, #tpu.memory_space<hbm>> -> memref<16x128xf32, #tpu.memory_space<hbm>>
        %dma_wait3A_219 = arith.constant 9984 : i32
        %dma_wait3A_220 = arith.constant 0 : i32
        %dma_wait3A_221 = tpu.memref_slice %arg18[%dma_wait3A_219, %dma_wait3A_220] : memref<10000x128xf32, #tpu.memory_space<vmem_shared>> -> memref<16x128xf32, #tpu.memory_space<vmem_shared>>
        tpu.wait_dma2 semaphore(%run_scoped3A : memref<!tpu.dma_semaphore, #tpu.memory_space<semaphore_mem>>) src(%dma_wait3A_221 : memref<16x128xf32, #tpu.memory_space<vmem_shared>>) dst(%dma_wait3A_218 : memref<16x128xf32, #tpu.memory_space<hbm>>)
        tpu.yield
      }) : () -> ()
    } else {
    }
    return
  }
}

#map = affine_map<(d0, d1) -> (0)>
#map1 = affine_map<(d0, d1) -> (0, 0)>
module attributes {stable_mosaic.version = 14 : i64} {
  func.func @_sc_agg1(%arg0: i32, %arg1: i32, %arg2: memref<10000xf32, #tpu.memory_space<hbm>>, %arg3: memref<640000xi32, #tpu.memory_space<hbm>>, %arg4: memref<32x10000xf32, #tpu.memory_space<hbm>>, %arg5: memref<10000xi32, #tpu.memory_space<vmem>>, %arg6: memref<10000xi32, #tpu.memory_space<vmem>>, %arg7: memref<10000xf32, #tpu.memory_space<vmem>>, %arg8: memref<10000xf32, #tpu.memory_space<vmem>>, %arg9: memref<3x!tpu.dma_semaphore, #tpu.memory_space<semaphore_mem>>) attributes {dimension_semantics = [#tpu.dimension_semantics<core_parallel>, #tpu.dimension_semantics<subcore_parallel>], iteration_bounds = array<i64: 2, 16>, scalar_prefetch = 0 : i64, scratch_operands = 5 : i64, tpu.core_type = #tpu.core_type<sc_vector_subcore>, window_params = [{transform_indices = #map}, {transform_indices = #map}, {transform_indices = #map1}]} {
    %mul3A = arith.constant 16 : i32
    %mul3A_0 = arith.muli %arg0, %mul3A : i32
    %add3A = arith.addi %mul3A_0, %arg1 : i32
    %broadcast_in_dim3A = arith.constant 0.000000e+00 : f32
    %broadcast_in_dim3A_1 = vector.broadcast %broadcast_in_dim3A : f32 to vector<16xf32>
    %mul3A_2 = arith.constant 10000 : i32
    %mul3A_3 = arith.muli %add3A, %mul3A_2 : i32
    %add3A_4 = arith.constant 320000 : i32
    %add3A_5 = arith.addi %add3A_4, %mul3A_3 : i32
    %dma_start3A = arith.constant 0 : i32
    %dma_start3A_6 = tpu.memref_slice %arg3[%mul3A_3] : memref<640000xi32, #tpu.memory_space<hbm>> -> memref<10000xi32, #tpu.memory_space<hbm>>
    %dma_start3A_7 = tpu.memref_slice %arg9[%dma_start3A] : memref<3x!tpu.dma_semaphore, #tpu.memory_space<semaphore_mem>> -> memref<1x!tpu.dma_semaphore, #tpu.memory_space<semaphore_mem>>
    %dma_start3A_8 = tpu.memref_squeeze %dma_start3A_7 : memref<1x!tpu.dma_semaphore, #tpu.memory_space<semaphore_mem>> -> memref<!tpu.dma_semaphore, #tpu.memory_space<semaphore_mem>>
    %dma_start3A_9 = tpu.memref_slice %arg3[%mul3A_3] : memref<640000xi32, #tpu.memory_space<hbm>> -> memref<10000xi32, #tpu.memory_space<hbm>>
    tpu.enqueue_dma source(%dma_start3A_9 : memref<10000xi32, #tpu.memory_space<hbm>>) target(%arg5 : memref<10000xi32, #tpu.memory_space<vmem>>) target_semaphore(%dma_start3A_8 : memref<!tpu.dma_semaphore, #tpu.memory_space<semaphore_mem>>)
    %dma_start3A_10 = arith.constant 1 : i32
    %dma_start3A_11 = tpu.memref_slice %arg3[%add3A_5] : memref<640000xi32, #tpu.memory_space<hbm>> -> memref<10000xi32, #tpu.memory_space<hbm>>
    %dma_start3A_12 = tpu.memref_slice %arg9[%dma_start3A_10] : memref<3x!tpu.dma_semaphore, #tpu.memory_space<semaphore_mem>> -> memref<1x!tpu.dma_semaphore, #tpu.memory_space<semaphore_mem>>
    %dma_start3A_13 = tpu.memref_squeeze %dma_start3A_12 : memref<1x!tpu.dma_semaphore, #tpu.memory_space<semaphore_mem>> -> memref<!tpu.dma_semaphore, #tpu.memory_space<semaphore_mem>>
    %dma_start3A_14 = tpu.memref_slice %arg3[%add3A_5] : memref<640000xi32, #tpu.memory_space<hbm>> -> memref<10000xi32, #tpu.memory_space<hbm>>
    tpu.enqueue_dma source(%dma_start3A_14 : memref<10000xi32, #tpu.memory_space<hbm>>) target(%arg6 : memref<10000xi32, #tpu.memory_space<vmem>>) target_semaphore(%dma_start3A_13 : memref<!tpu.dma_semaphore, #tpu.memory_space<semaphore_mem>>)
    %dma_start3A_15 = arith.constant 2 : i32
    %dma_start3A_16 = tpu.memref_slice %arg9[%dma_start3A_15] : memref<3x!tpu.dma_semaphore, #tpu.memory_space<semaphore_mem>> -> memref<1x!tpu.dma_semaphore, #tpu.memory_space<semaphore_mem>>
    %dma_start3A_17 = tpu.memref_squeeze %dma_start3A_16 : memref<1x!tpu.dma_semaphore, #tpu.memory_space<semaphore_mem>> -> memref<!tpu.dma_semaphore, #tpu.memory_space<semaphore_mem>>
    tpu.enqueue_dma source(%arg2 : memref<10000xf32, #tpu.memory_space<hbm>>) target(%arg7 : memref<10000xf32, #tpu.memory_space<vmem>>) target_semaphore(%dma_start3A_17 : memref<!tpu.dma_semaphore, #tpu.memory_space<semaphore_mem>>)
    %scan3A = arith.constant 0 : i32
    %scan3A_18 = arith.constant 625 : i32
    %scan3A_19 = arith.addi %scan3A, %scan3A_18 : i32
    %scan3A_20 = arith.constant 1 : i32
    scf.for %scan3A_39 = %scan3A to %scan3A_19 step %scan3A_20  : i32 {
      %mul3A_40 = arith.constant 1 : i32
      %mul3A_41 = arith.muli %scan3A_39, %mul3A_40 : i32
      %add3A_42 = arith.constant 0 : i32
      %add3A_43 = arith.addi %add3A_42, %mul3A_41 : i32
      %mul3A_44 = arith.constant 16 : i32
      %mul3A_45 = arith.muli %add3A_43, %mul3A_44 : i32
      %swap3A = arith.index_cast %mul3A_45 : i32 to index
      %swap3A_46 = tpu.vector_load %arg8[%swap3A] {strides = array<i32>} : memref<10000xf32, #tpu.memory_space<vmem>>, vector<16xf32>,
      tpu.vector_store %arg8[%swap3A], %broadcast_in_dim3A_1 {strides = array<i32>} : memref<10000xf32, #tpu.memory_space<vmem>>, vector<16xf32>,
    }
    %scan3A_21 = arith.constant 625 : i32
    %dma_wait3A = arith.constant 0 : i32
    %dma_wait3A_22 = tpu.memref_slice %arg3[%mul3A_3] : memref<640000xi32, #tpu.memory_space<hbm>> -> memref<10000xi32, #tpu.memory_space<hbm>>
    %dma_wait3A_23 = tpu.memref_slice %arg9[%dma_wait3A] : memref<3x!tpu.dma_semaphore, #tpu.memory_space<semaphore_mem>> -> memref<1x!tpu.dma_semaphore, #tpu.memory_space<semaphore_mem>>
    %dma_wait3A_24 = tpu.memref_squeeze %dma_wait3A_23 : memref<1x!tpu.dma_semaphore, #tpu.memory_space<semaphore_mem>> -> memref<!tpu.dma_semaphore, #tpu.memory_space<semaphore_mem>>
    %dma_wait3A_25 = tpu.memref_slice %arg3[%mul3A_3] : memref<640000xi32, #tpu.memory_space<hbm>> -> memref<10000xi32, #tpu.memory_space<hbm>>
    tpu.wait_dma2 semaphore(%dma_wait3A_24 : memref<!tpu.dma_semaphore, #tpu.memory_space<semaphore_mem>>) src(%dma_wait3A_25 : memref<10000xi32, #tpu.memory_space<hbm>>) dst(%arg5 : memref<10000xi32, #tpu.memory_space<vmem>>)
    %dma_wait3A_26 = arith.constant 1 : i32
    %dma_wait3A_27 = tpu.memref_slice %arg3[%add3A_5] : memref<640000xi32, #tpu.memory_space<hbm>> -> memref<10000xi32, #tpu.memory_space<hbm>>
    %dma_wait3A_28 = tpu.memref_slice %arg9[%dma_wait3A_26] : memref<3x!tpu.dma_semaphore, #tpu.memory_space<semaphore_mem>> -> memref<1x!tpu.dma_semaphore, #tpu.memory_space<semaphore_mem>>
    %dma_wait3A_29 = tpu.memref_squeeze %dma_wait3A_28 : memref<1x!tpu.dma_semaphore, #tpu.memory_space<semaphore_mem>> -> memref<!tpu.dma_semaphore, #tpu.memory_space<semaphore_mem>>
    %dma_wait3A_30 = tpu.memref_slice %arg3[%add3A_5] : memref<640000xi32, #tpu.memory_space<hbm>> -> memref<10000xi32, #tpu.memory_space<hbm>>
    tpu.wait_dma2 semaphore(%dma_wait3A_29 : memref<!tpu.dma_semaphore, #tpu.memory_space<semaphore_mem>>) src(%dma_wait3A_30 : memref<10000xi32, #tpu.memory_space<hbm>>) dst(%arg6 : memref<10000xi32, #tpu.memory_space<vmem>>)
    %dma_wait3A_31 = arith.constant 2 : i32
    %dma_wait3A_32 = tpu.memref_slice %arg9[%dma_wait3A_31] : memref<3x!tpu.dma_semaphore, #tpu.memory_space<semaphore_mem>> -> memref<1x!tpu.dma_semaphore, #tpu.memory_space<semaphore_mem>>
    %dma_wait3A_33 = tpu.memref_squeeze %dma_wait3A_32 : memref<1x!tpu.dma_semaphore, #tpu.memory_space<semaphore_mem>> -> memref<!tpu.dma_semaphore, #tpu.memory_space<semaphore_mem>>
    tpu.wait_dma2 semaphore(%dma_wait3A_33 : memref<!tpu.dma_semaphore, #tpu.memory_space<semaphore_mem>>) src(%arg2 : memref<10000xf32, #tpu.memory_space<hbm>>) dst(%arg7 : memref<10000xf32, #tpu.memory_space<vmem>>)
    %scan3A_34 = arith.constant 0 : i32
    %scan3A_35 = arith.constant 625 : i32
    %scan3A_36 = arith.addi %scan3A_34, %scan3A_35 : i32
    %scan3A_37 = arith.constant 1 : i32
    scf.for %scan3A_39 = %scan3A_34 to %scan3A_36 step %scan3A_37  : i32 {
      %mul3A_40 = arith.constant 1 : i32
      %mul3A_41 = arith.muli %scan3A_39, %mul3A_40 : i32
      %add3A_42 = arith.constant 0 : i32
      %add3A_43 = arith.addi %add3A_42, %mul3A_41 : i32
      %mul3A_44 = arith.constant 16 : i32
      %mul3A_45 = arith.muli %add3A_43, %mul3A_44 : i32
      %get3A = arith.index_cast %mul3A_45 : i32 to index
      %get3A_46 = tpu.vector_load %arg5[%get3A] {strides = array<i32>} : memref<10000xi32, #tpu.memory_space<vmem>>, vector<16xi32>,
      %gather3A = tpu.vector_load_idx %arg7[%get3A_46] : memref<10000xf32, #tpu.memory_space<vmem>>[vector<16xi32>], vector<16xf32>,
      %get3A_47 = arith.index_cast %mul3A_45 : i32 to index
      %get3A_48 = tpu.vector_load %arg6[%get3A_47] {strides = array<i32>} : memref<10000xi32, #tpu.memory_space<vmem>>, vector<16xi32>,
      tpu.vector_store_idx %arg8[%get3A_48], %gather3A {add = true} : memref<10000xf32, #tpu.memory_space<vmem>>[vector<16xi32>], vector<16xf32>,
    }
    %scan3A_38 = arith.constant 625 : i32
    "tpu.region"() ({
      %run_scoped3A = tpu.sem_alloc : memref<!tpu.dma_semaphore, #tpu.memory_space<semaphore_mem>>
      %dma_start3A_39 = arith.constant 0 : i32
      %dma_start3A_40 = tpu.memref_slice %arg4[%add3A, %dma_start3A_39] : memref<32x10000xf32, #tpu.memory_space<hbm>> -> memref<1x10000xf32, #tpu.memory_space<hbm>>
      %dma_start3A_41 = tpu.memref_squeeze %dma_start3A_40 : memref<1x10000xf32, #tpu.memory_space<hbm>> -> memref<10000xf32, #tpu.memory_space<hbm>>
      %dma_start3A_42 = arith.constant 0 : i32
      %dma_start3A_43 = tpu.memref_slice %arg4[%add3A, %dma_start3A_42] : memref<32x10000xf32, #tpu.memory_space<hbm>> -> memref<1x10000xf32, #tpu.memory_space<hbm>>
      %dma_start3A_44 = tpu.memref_squeeze %dma_start3A_43 : memref<1x10000xf32, #tpu.memory_space<hbm>> -> memref<10000xf32, #tpu.memory_space<hbm>>
      tpu.enqueue_dma source(%arg8 : memref<10000xf32, #tpu.memory_space<vmem>>) target(%dma_start3A_44 : memref<10000xf32, #tpu.memory_space<hbm>>) target_semaphore(%run_scoped3A : memref<!tpu.dma_semaphore, #tpu.memory_space<semaphore_mem>>)
      %dma_wait3A_45 = arith.constant 0 : i32
      %dma_wait3A_46 = tpu.memref_slice %arg4[%add3A, %dma_wait3A_45] : memref<32x10000xf32, #tpu.memory_space<hbm>> -> memref<1x10000xf32, #tpu.memory_space<hbm>>
      %dma_wait3A_47 = tpu.memref_squeeze %dma_wait3A_46 : memref<1x10000xf32, #tpu.memory_space<hbm>> -> memref<10000xf32, #tpu.memory_space<hbm>>
      %dma_wait3A_48 = arith.constant 0 : i32
      %dma_wait3A_49 = tpu.memref_slice %arg4[%add3A, %dma_wait3A_48] : memref<32x10000xf32, #tpu.memory_space<hbm>> -> memref<1x10000xf32, #tpu.memory_space<hbm>>
      %dma_wait3A_50 = tpu.memref_squeeze %dma_wait3A_49 : memref<1x10000xf32, #tpu.memory_space<hbm>> -> memref<10000xf32, #tpu.memory_space<hbm>>
      tpu.wait_dma2 semaphore(%run_scoped3A : memref<!tpu.dma_semaphore, #tpu.memory_space<semaphore_mem>>) src(%arg8 : memref<10000xf32, #tpu.memory_space<vmem>>) dst(%dma_wait3A_50 : memref<10000xf32, #tpu.memory_space<hbm>>)
      tpu.yield
    }) : () -> ()
    return
  }
}

module attributes {stable_mosaic.version = 14 : i64} {
  func.func @_mm_body(%arg0: memref<32x2x10000xf32, #tpu.memory_space<vmem>>, %arg1: memref<10000x128xf32, #tpu.memory_space<vmem>>, %arg2: memref<128x128xf32, #tpu.memory_space<vmem>>, %arg3: memref<10000x128xf32, #tpu.memory_space<vmem>>) attributes {dimension_semantics = [], scalar_prefetch = 0 : i64, scratch_operands = 0 : i64, tpu.core_type = #tpu.core_type<tc>} {
    %get3A = arith.constant 0 : index
    %get3A_0 = arith.constant 0 : index
    %get3A_1 = arith.constant 0 : index
    %get3A_2 = vector.load %arg0[%get3A, %get3A_0, %get3A_1] : memref<32x2x10000xf32, #tpu.memory_space<vmem>>, vector<32x1x10000xf32>
    %get3A_3 = vector.shape_cast %get3A_2 : vector<32x1x10000xf32> to vector<32x10000xf32>
    %reduce_sum3A = arith.constant dense<0.000000e+00> : vector<10000xf32>
    %reduce_sum3A_4 = vector.multi_reduction <add>, %get3A_3, %reduce_sum3A [0] : vector<32x10000xf32> to vector<10000xf32>
    %max3A = arith.constant 1.000000e+00 : f32
    %max3A_5 = vector.broadcast %max3A : f32 to vector<10000xf32>
    %max3A_6 = arith.maximumf %reduce_sum3A_4, %max3A_5 : vector<10000xf32>
    %rsqrt3A = math.rsqrt %max3A_6 : vector<10000xf32>
    %get3A_7 = arith.constant 0 : index
    %get3A_8 = arith.constant 0 : index
    %get3A_9 = vector.load %arg1[%get3A_7, %get3A_8] : memref<10000x128xf32, #tpu.memory_space<vmem>>, vector<10000x128xf32>
    %broadcast_in_dim3A = vector.shape_cast %rsqrt3A : vector<10000xf32> to vector<10000x1xf32>
    %mul3A = vector.broadcast %broadcast_in_dim3A : vector<10000x1xf32> to vector<10000x128xf32>
    %mul3A_10 = arith.mulf %get3A_9, %mul3A : vector<10000x128xf32>
    %get3A_11 = arith.constant 0 : index
    %get3A_12 = arith.constant 0 : index
    %get3A_13 = vector.load %arg2[%get3A_11, %get3A_12] : memref<128x128xf32, #tpu.memory_space<vmem>>, vector<128x128xf32>
    %dot_general3A = arith.constant dense<0.000000e+00> : vector<10000x128xf32>
    %dot_general3A_14 = tpu.matmul %mul3A_10, %get3A_13, %dot_general3A {dimension_numbers = #tpu.dot_dimension_numbers<[1], [0], [0], [1], [0, 0, 1, 1], [], []>, transpose_lhs_hint = false} : vector<10000x128xf32>, vector<128x128xf32>, vector<10000x128xf32> -> vector<10000x128xf32>
    %swap3A = arith.constant 0 : index
    %swap3A_15 = arith.constant 0 : index
    %swap3A_16 = vector.load %arg3[%swap3A, %swap3A_15] : memref<10000x128xf32, #tpu.memory_space<vmem>>, vector<10000x128xf32>
    tpu.vector_store %arg3[%swap3A, %swap3A_15], %dot_general3A_14 {strides = array<i32>} : memref<10000x128xf32, #tpu.memory_space<vmem>>, vector<10000x128xf32>,
    return
  }
}

module attributes {stable_mosaic.version = 14 : i64} {
  func.func @_mid_body(%arg0: memref<2x10000x128xf32, #tpu.memory_space<vmem>>, %arg1: memref<32x2x10000xf32, #tpu.memory_space<vmem>>, %arg2: memref<1x128xf32, #tpu.memory_space<vmem>>, %arg3: memref<128x128xf32, #tpu.memory_space<vmem>>, %arg4: memref<128x1xf32, #tpu.memory_space<vmem>>, %arg5: memref<10000xf32, #tpu.memory_space<vmem>>) attributes {dimension_semantics = [], scalar_prefetch = 0 : i64, scratch_operands = 0 : i64, tpu.core_type = #tpu.core_type<tc>} {
    %get3A = arith.constant 0 : index
    %get3A_0 = arith.constant 0 : index
    %get3A_1 = arith.constant 0 : index
    %get3A_2 = vector.load %arg1[%get3A, %get3A_0, %get3A_1] : memref<32x2x10000xf32, #tpu.memory_space<vmem>>, vector<32x1x10000xf32>
    %get3A_3 = vector.shape_cast %get3A_2 : vector<32x1x10000xf32> to vector<32x10000xf32>
    %reduce_sum3A = arith.constant dense<0.000000e+00> : vector<10000xf32>
    %reduce_sum3A_4 = vector.multi_reduction <add>, %get3A_3, %reduce_sum3A [0] : vector<32x10000xf32> to vector<10000xf32>
    %get3A_5 = arith.constant 0 : index
    %get3A_6 = arith.constant 1 : index
    %get3A_7 = arith.constant 0 : index
    %get3A_8 = vector.load %arg1[%get3A_5, %get3A_6, %get3A_7] : memref<32x2x10000xf32, #tpu.memory_space<vmem>>, vector<32x1x10000xf32>
    %get3A_9 = vector.shape_cast %get3A_8 : vector<32x1x10000xf32> to vector<32x10000xf32>
    %reduce_sum3A_10 = arith.constant dense<0.000000e+00> : vector<10000xf32>
    %reduce_sum3A_11 = vector.multi_reduction <add>, %get3A_9, %reduce_sum3A_10 [0] : vector<32x10000xf32> to vector<10000xf32>
    %max3A = arith.constant 1.000000e+00 : f32
    %max3A_12 = vector.broadcast %max3A : f32 to vector<10000xf32>
    %max3A_13 = arith.maximumf %reduce_sum3A_4, %max3A_12 : vector<10000xf32>
    %rsqrt3A = math.rsqrt %max3A_13 : vector<10000xf32>
    %max3A_14 = arith.constant 1.000000e+00 : f32
    %max3A_15 = vector.broadcast %max3A_14 : f32 to vector<10000xf32>
    %max3A_16 = arith.maximumf %reduce_sum3A_11, %max3A_15 : vector<10000xf32>
    %rsqrt3A_17 = math.rsqrt %max3A_16 : vector<10000xf32>
    %get3A_18 = arith.constant 0 : index
    %get3A_19 = arith.constant 0 : index
    %get3A_20 = arith.constant 0 : index
    %get3A_21 = vector.load %arg0[%get3A_18, %get3A_19, %get3A_20] : memref<2x10000x128xf32, #tpu.memory_space<vmem>>, vector<1x10000x128xf32>
    %get3A_22 = vector.shape_cast %get3A_21 : vector<1x10000x128xf32> to vector<10000x128xf32>
    %get3A_23 = arith.constant 1 : index
    %get3A_24 = arith.constant 0 : index
    %get3A_25 = arith.constant 0 : index
    %get3A_26 = vector.load %arg0[%get3A_23, %get3A_24, %get3A_25] : memref<2x10000x128xf32, #tpu.memory_space<vmem>>, vector<1x10000x128xf32>
    %get3A_27 = vector.shape_cast %get3A_26 : vector<1x10000x128xf32> to vector<10000x128xf32>
    %add3A = arith.addf %get3A_22, %get3A_27 : vector<10000x128xf32>
    %broadcast_in_dim3A = vector.shape_cast %rsqrt3A_17 : vector<10000xf32> to vector<10000x1xf32>
    %mul3A = vector.broadcast %broadcast_in_dim3A : vector<10000x1xf32> to vector<10000x128xf32>
    %mul3A_28 = arith.mulf %add3A, %mul3A : vector<10000x128xf32>
    %get3A_29 = arith.constant 0 : index
    %get3A_30 = arith.constant 0 : index
    %get3A_31 = vector.load %arg2[%get3A_29, %get3A_30] : memref<1x128xf32, #tpu.memory_space<vmem>>, vector<1x128xf32>
    %add3A_32 = vector.broadcast %get3A_31 : vector<1x128xf32> to vector<10000x128xf32>
    %add3A_33 = arith.addf %mul3A_28, %add3A_32 : vector<10000x128xf32>
    %max3A_34 = arith.constant 0.000000e+00 : f32
    %max3A_35 = vector.broadcast %max3A_34 : f32 to vector<10000x128xf32>
    %max3A_36 = arith.maximumf %add3A_33, %max3A_35 : vector<10000x128xf32>
    %get3A_37 = arith.constant 0 : index
    %get3A_38 = arith.constant 0 : index
    %get3A_39 = vector.load %arg3[%get3A_37, %get3A_38] : memref<128x128xf32, #tpu.memory_space<vmem>>, vector<128x128xf32>
    %get3A_40 = arith.constant 0 : index
    %get3A_41 = arith.constant 0 : index
    %get3A_42 = vector.load %arg4[%get3A_40, %get3A_41] : memref<128x1xf32, #tpu.memory_space<vmem>>, vector<128x1xf32>
    %dot_general3A = arith.constant dense<0.000000e+00> : vector<128x1xf32>
    %dot_general3A_43 = tpu.matmul %get3A_39, %get3A_42, %dot_general3A {dimension_numbers = #tpu.dot_dimension_numbers<[1], [0], [0], [1], [0, 0, 1, 1], [], []>, transpose_lhs_hint = false} : vector<128x128xf32>, vector<128x1xf32>, vector<128x1xf32> -> vector<128x1xf32>
    %dot_general3A_44 = arith.constant dense<0.000000e+00> : vector<10000x1xf32>
    %dot_general3A_45 = tpu.matmul %max3A_36, %dot_general3A_43, %dot_general3A_44 {dimension_numbers = #tpu.dot_dimension_numbers<[1], [0], [0], [1], [0, 0, 1, 1], [], []>, transpose_lhs_hint = false} : vector<10000x128xf32>, vector<128x1xf32>, vector<10000x1xf32> -> vector<10000x1xf32>
    %squeeze3A = vector.shape_cast %dot_general3A_45 : vector<10000x1xf32> to vector<10000xf32>
    %mul3A_46 = arith.mulf %squeeze3A, %rsqrt3A : vector<10000xf32>
    %swap3A = arith.constant 0 : index
    %swap3A_47 = vector.load %arg5[%swap3A] : memref<10000xf32, #tpu.memory_space<vmem>>, vector<10000xf32>
    tpu.vector_store %arg5[%swap3A], %mul3A_46 {strides = array<i32>} : memref<10000xf32, #tpu.memory_space<vmem>>, vector<10000xf32>,
    return
  }
}

module attributes {stable_mosaic.version = 14 : i64} {
  func.func @_fin_body(%arg0: memref<32x10000xf32, #tpu.memory_space<vmem>>, %arg1: memref<32x2x10000xf32, #tpu.memory_space<vmem>>, %arg2: memref<1x128xf32, #tpu.memory_space<vmem>>, %arg3: memref<128x1xf32, #tpu.memory_space<vmem>>, %arg4: memref<1x1xf32, #tpu.memory_space<vmem>>, %arg5: memref<10000x1xf32, #tpu.memory_space<vmem>>) attributes {dimension_semantics = [], scalar_prefetch = 0 : i64, scratch_operands = 0 : i64, tpu.core_type = #tpu.core_type<tc>} {
    %get3A = arith.constant 0 : index
    %get3A_0 = arith.constant 1 : index
    %get3A_1 = arith.constant 0 : index
    %get3A_2 = vector.load %arg1[%get3A, %get3A_0, %get3A_1] : memref<32x2x10000xf32, #tpu.memory_space<vmem>>, vector<32x1x10000xf32>
    %get3A_3 = vector.shape_cast %get3A_2 : vector<32x1x10000xf32> to vector<32x10000xf32>
    %reduce_sum3A = arith.constant dense<0.000000e+00> : vector<10000xf32>
    %reduce_sum3A_4 = vector.multi_reduction <add>, %get3A_3, %reduce_sum3A [0] : vector<32x10000xf32> to vector<10000xf32>
    %max3A = arith.constant 1.000000e+00 : f32
    %max3A_5 = vector.broadcast %max3A : f32 to vector<10000xf32>
    %max3A_6 = arith.maximumf %reduce_sum3A_4, %max3A_5 : vector<10000xf32>
    %rsqrt3A = math.rsqrt %max3A_6 : vector<10000xf32>
    %get3A_7 = arith.constant 0 : index
    %get3A_8 = arith.constant 0 : index
    %get3A_9 = vector.load %arg0[%get3A_7, %get3A_8] : memref<32x10000xf32, #tpu.memory_space<vmem>>, vector<32x10000xf32>
    %reduce_sum3A_10 = arith.constant dense<0.000000e+00> : vector<10000xf32>
    %reduce_sum3A_11 = vector.multi_reduction <add>, %get3A_9, %reduce_sum3A_10 [0] : vector<32x10000xf32> to vector<10000xf32>
    %get3A_12 = arith.constant 0 : index
    %get3A_13 = arith.constant 0 : index
    %get3A_14 = vector.load %arg2[%get3A_12, %get3A_13] : memref<1x128xf32, #tpu.memory_space<vmem>>, vector<1x128xf32>
    %get3A_15 = arith.constant 0 : index
    %get3A_16 = arith.constant 0 : index
    %get3A_17 = vector.load %arg3[%get3A_15, %get3A_16] : memref<128x1xf32, #tpu.memory_space<vmem>>, vector<128x1xf32>
    %dot_general3A = arith.constant dense<0.000000e+00> : vector<1x1xf32>
    %dot_general3A_18 = tpu.matmul %get3A_14, %get3A_17, %dot_general3A {dimension_numbers = #tpu.dot_dimension_numbers<[1], [0], [0], [1], [0, 0, 1, 1], [], []>, transpose_lhs_hint = false} : vector<1x128xf32>, vector<128x1xf32>, vector<1x1xf32> -> vector<1x1xf32>
    %squeeze3A = vector.extract %dot_general3A_18[0, 0] : f32 from vector<1x1xf32>
    %get3A_19 = arith.constant 0 : index
    %get3A_20 = arith.constant 0 : index
    %get3A_21 = vector.load %arg4[%get3A_19, %get3A_20] : memref<1x1xf32, #tpu.memory_space<vmem>>, vector<1x1xf32>
    %get3A_22 = vector.extract %get3A_21[0, 0] : f32 from vector<1x1xf32>
    %add3A = arith.addf %squeeze3A, %get3A_22 : f32
    %mul3A = arith.mulf %reduce_sum3A_11, %rsqrt3A : vector<10000xf32>
    %add3A_23 = vector.broadcast %add3A : f32 to vector<10000xf32>
    %add3A_24 = arith.addf %mul3A, %add3A_23 : vector<10000xf32>
    %broadcast_in_dim3A = vector.shape_cast %add3A_24 : vector<10000xf32> to vector<10000x1xf32>
    %swap3A = arith.constant 0 : index
    %swap3A_25 = arith.constant 0 : index
    %swap3A_26 = vector.load %arg5[%swap3A, %swap3A_25] : memref<10000x1xf32, #tpu.memory_space<vmem>>, vector<10000x1xf32>
    tpu.vector_store %arg5[%swap3A, %swap3A_25], %broadcast_in_dim3A {strides = array<i32>} : memref<10000x1xf32, #tpu.memory_space<vmem>>, vector<10000x1xf32>,
    return
  }
}

</mosaic_0001>

<sc_bundles>
// kernel: kernel.11.cloned.1.call-start
scs
__scs_entry_jumppad:
0x0: {  	(pc) =	sbr.rel $0x88, $3  }
0x1: {  	(tag) =	ssettag $0x0;
	lr =	simm.s32 $0x1  }
0x2: {  	[smem:$0x3F99] =	sst lr;
	_ =	strace $0xD0000000  }
0x3: {  	_ = 	snop  }
0x4: {  	_ = 	snop  }
0x5: {  	_ = 	snop  }
0x6: {  	_ = 	snop  }
0x7: {  	_ = 	snop  }
__scs_overlays_trampoline_lowered:
0x8: {  	[smem:$0x3FA8] =	sst s0  }
0x9: {  	[smem:$0x3FA9] =	sst s1  }
0xa: {  	[smem:$0x3FAA] =	sst s2  }
0xb: {  	[smem:$0x3FAB] =	sst s3  }
0xc: {  	[smem:$0x3FAC] =	sst s4  }
0xd: {  	[smem:$0x3FAD] =	sst s5  }
0xe: {  	[smem:$0x3FAE] =	sst s6  }
0xf: {  	[smem:$0x3FAF] =	sst s7  }
0x10: {  	[smem:$0x3FB0] =	sst s8  }
0x11: {  	[smem:$0x3FB1] =	sst s9;
	s0 =	simm.s32 @!p0 $0x0  }
0x12: {  	s1 =	sld [smem:$0x3F97];
	s0 =	simm.s32 @p0 $0x1  }
0x13: {  	[smem:$0x3FB2] =	sst s0;
	s0 =	simm.s32 @!p1 $0x0  }
0x14: {  	s2 =	sld [smem:$0x3F96];
	s0 =	simm.s32 @p1 $0x1  }
0x15: {  	[smem:$0x3FB3] =	sst s0;
	s0 =	simm.s32 @!p2 $0x0  }
0x16: {  	s3 =	sld [smem:$0x3FDB];
	s0 =	simm.s32 @p2 $0x1  }
0x17: {  	s4 =	simm.s32 $0x1BF5;
	[smem:$0x3FB5] =	sst s0  }
0x18: {  	s0 =	sld [smem:$0x3F98];
	_ =	swait.ge [sflag:s4], $0x0  }
0x19: {  	s7 =	sld [smem:$0x3F99]  }
0x1a: {  	s8 =	sadd.s32 $0xFFFFE003, lr  }
0x1b: {  	s9 =	sadd.s32 $0xFFFFFEF7, lr;
	s5 =	simm.s32 $0xFFFFFFFF;
	p2 =	slt.u32 s8, $0xFFFFF086  }
0x1c: {  	p1 =	slt.u32 s9, $0xF7A;
	s5 =	simm.s32 @!p2 $0x0  }
0x1d: {  	s5 =	simm.s32 @p1 $0x1;
	p0 =	seq.s32 s7, s2  }
0x1e: {  	s7 =	smul.u32 @!p0 $0xF7A, s2;
	p2 =	seq.s32 @!p0 s5, $0x0  }
0x1f: {  	s9 =	smul.u32 $0xF7A, s1;
	s8 =	simm.s32 @!p0 $0x1BF5;
	p2 =	por !p2, p0  }
0x20: {  	[sflag:s8] =	ssyncset.s32 @!p0 $0xFFFFF086;
	s6 =	sadd.s32 @!p0 s3, s7;
	s7 =	simm.s32 @!p0 $0x108  }
0x21: {  	s3 =	sadd.s32 s3, s9;
	s6 =	sadd.s32 @!p0 $0x88, s6;
	s7 =	simm.s32 @p2 $0x1082  }
0x22: {  	[simem:s7], [sflag:s8] =	dma.local @!p0 [hbm:s6], $0xF7A  }
0x23: {  	s9 =	sor.u32 $0xD0000000, s2;
	s6 =	simm.s32 $0x108;
	_ =	swait.ge @!p0 [sflag:s8], $0x0  }
0x24: {  	s3 =	sadd.s32 $0x88, s3;
	s6 =	simm.s32 @!p1 $0x1082;
	[sflag:s4] =	ssyncset.s32 $0xFFFFF086  }
0x25: {  	[simem:s6], [sflag:s4] =	dma.local [hbm:s3], $0xF7A  }
0x26: {  	[smem:$0x3F99] =	sst s1;
	(tag) =	ssettag s2;
	_ =	strace s9  }
0x27: {  	s1 =	sld [smem:$0x3FA9]  }
0x28: {  	s2 =	sld [smem:$0x3FAA]  }
0x29: {  	s4 =	sld [smem:$0x3FAC]  }
0x2a: {  	p0 =	seq.s32 s5, $0x0;
	s5 =	sld [smem:$0x3FAD]  }
0x2b: {  	s6 =	sld [smem:$0x3FAE]  }
0x2c: {  	s7 =	sld [smem:$0x3FAF]  }
0x2d: {  	s3 =	simm.s32 $0x108;
	s8 =	sld [smem:$0x3FB0]  }
0x2e: {  	s3 =	simm.s32 @!p0 $0x1082;
	s9 =	sld [smem:$0x3FB1]  }
0x2f: {  	lr =	sadd.s32 s0, s3;
	s0 =	sld [smem:$0x3FA8]  }
0x30: {  	s3 =	sld [smem:$0x3FAB]  }
0x31: {  	[smem:$0x3FB4] =	sst s10  }
0x32: {  	s10 =	sld [smem:$0x3FB2];
	_ =	sdelay $0x3  }
0x33: {  	p0 =	seq.s32 s10, $0x1;
	s10 =	sld [smem:$0x3FB4];
	_ =	sdelay $0x3  }
0x34: {  	[smem:$0x3FB4] =	sst s10  }
0x35: {  	s10 =	sld [smem:$0x3FB3];
	_ =	sdelay $0x3  }
0x36: {  	p1 =	seq.s32 s10, $0x1;
	s10 =	sld [smem:$0x3FB4];
	_ =	sdelay $0x3  }
0x37: {  	[smem:$0x3FB4] =	sst s10  }
0x38: {  	s10 =	sld [smem:$0x3FB5]  }
0x39: {  	_ = 	snop;
	(pc) =	sbr.ind lr, $3  }
0x3a: {  	_ = 	snop  }
0x3b: {  	_ = 	snop  }
0x3c: {  	p2 =	seq.s32 s10, $0x1;
	s10 =	sld [smem:$0x3FB4]  }
0x3d: {  	_ =	shalt  }
0x3e: {  	_ =	shalt  }
0x3f: {  	_ =	shalt  }
0x40: {  	_ =	shalt  }
0x41: {  	_ =	shalt  }
0x42: {  	_ =	shalt  }
0x43: {  	_ =	shalt  }
0x44: {  	_ =	shalt  }
0x45: {  	_ =	shalt  }
0x46: {  	_ =	shalt  }
0x47: {  	_ =	shalt  }
0x48: {  	_ =	shalt  }
0x49: {  	_ =	shalt  }
0x4a: {  	_ =	shalt  }
0x4b: {  	_ =	shalt  }
0x4c: {  	_ =	shalt  }
0x4d: {  	_ =	shalt  }
0x4e: {  	_ =	shalt  }
0x4f: {  	_ =	shalt  }
0x50: {  	_ =	shalt  }
0x51: {  	_ =	shalt  }
0x52: {  	_ =	shalt  }
0x53: {  	_ =	shalt  }
0x54: {  	_ =	shalt  }
0x55: {  	_ =	shalt  }
0x56: {  	_ =	shalt  }
0x57: {  	_ =	shalt  }
0x58: {  	_ =	shalt  }
0x59: {  	_ =	shalt  }
0x5a: {  	_ =	shalt  }
0x5b: {  	_ =	shalt  }
0x5c: {  	_ =	shalt  }
0x5d: {  	_ =	shalt  }
0x5e: {  	_ =	shalt  }
0x5f: {  	_ =	shalt  }
0x60: {  	_ =	shalt  }
0x61: {  	_ =	shalt  }
0x62: {  	_ =	shalt  }
0x63: {  	_ =	shalt  }
0x64: {  	_ =	shalt  }
0x65: {  	_ =	shalt  }
0x66: {  	_ =	shalt  }
0x67: {  	_ =	shalt  }
0x68: {  	_ =	shalt  }
0x69: {  	_ =	shalt  }
0x6a: {  	_ =	shalt  }
0x6b: {  	_ =	shalt  }
0x6c: {  	_ =	shalt  }
0x6d: {  	_ =	shalt  }
0x6e: {  	_ =	shalt  }
0x6f: {  	_ =	shalt  }
0x70: {  	_ =	shalt  }
0x71: {  	_ =	shalt  }
0x72: {  	_ =	shalt  }
0x73: {  	_ =	shalt  }
0x74: {  	_ =	shalt  }
0x75: {  	_ =	shalt  }
0x76: {  	_ =	shalt  }
0x77: {  	_ =	shalt  }
0x78: {  	_ =	shalt  }
0x79: {  	_ =	shalt  }
0x7a: {  	_ =	shalt  }
0x7b: {  	_ =	shalt  }
0x7c: {  	_ =	shalt  }
0x7d: {  	_ =	shalt  }
0x7e: {  	_ =	shalt  }
0x7f: {  	_ =	shalt  }
0x80: {  	_ =	shalt  }
0x81: {  	_ =	shalt  }
0x82: {  	_ =	shalt  }
0x83: {  	_ =	shalt  }
0x84: {  	_ =	shalt  }
0x85: {  	_ =	shalt  }
0x86: {  	_ =	shalt  }
0x87: {  	_ =	shalt  }
.Lfunc_end0:
.L_simem_size_0:
called_computation.1_lowered:
.L_overlay_start_0:
0x88: {  	s2 =	sld [smem:$0x3FD9]  }
0x89: {  	s3 =	sld [smem:$0x3FFE];
	_ =	sdelay $0x1  }
0x8a: {  	s1 =	srdreg.scid  }
0x8b: {  	s0 =	sand.u32 $0x1, s1  }
0x8c: {  	s16 =	sshll.u32 s0, $0xA;
	s2 =	sadd.s32 s3, s2  }
0x8d: {  	s2 =	sadd.s32 s2, s16  }
0x8e: {  	[smem:$0x3FC0] =	sst s2  }
0x8f: {  	_ = 	snop  }
0x90: {  	(tm) =	ssettm $0x1  }
0x91: {  	s17 =	sld [smem:$0x3FFB];
	_ =	sdelay $0x3  }
0x92: {  	_ =	strace s17  }
0x93: {  	s2 =	sld [smem:$0x3FFC];
	_ =	sdelay $0x3  }
0x94: {  	_ =	strace s2  }
0x95: {  	s2 =	sld [smem:$0x3FFD];
	_ =	sdelay $0x3  }
0x96: {  	_ =	strace s2  }
0x97: {  	_ =	strace $0x8FFFFFFF  }
0x98: {  	s18 =	sld [smem:$0x3FDB];
	_ =	sdelay $0x1  }
0x99: {  	s19 =	simm.s32 $_scs_section_size  }
0x9a: {  	s4 =	simm.s32 $_size__tile_overlayer_lowered;
	s5 =	simm.s32 $_tile_overlayer_lowered  }
0x9b: {  	s22 =	simm.s32 $0x1BFF;
	s21 =	sshll.u32 s5, $0x1;
	s2 =	sadd.s32 s19, s18  }
0x9c: {  	s6 =	simm.s32 $0x0;
	s20 =	sshll.u32 s4, $0x1;
	s4 =	sadd.s32 s21, s2  }
0x9d: {  	[timem:s6], [sflag:s22] =	dma.local [hbm:s4], s20  }
0x9e: {  	_ =	swait.ge [sflag:s22], s20  }
0x9f: {  	s3 =	ssub.s32 $0x0, s20;
	[sflag:s22] =	ssyncset.done $0x0  }
0xa0: {  	[sflag:s22] =	ssyncadd.s32 s3;
	_ =	sdelay $0x1  }
0xa1: {  	s23 =	simm.s32 $0x1B8B  }
0xa2: {  	_ =	swait.ge [sflag:s23], $0x1  }
0xa3: {  	[sflag:s23] =	ssyncset.done $0x0  }
0xa4: {  	s25 =	simm.s32 $0x1B8E;
	s24 =	sld [smem:$0x3FFE];
	[sflag:s23] =	ssyncadd.s32 $0xFFFFFFFF  }
0xa5: {  	s26 =	simm.s32 $execute0_lowered;
	[smem:$0x3FD2] =	sst s25  }
0xa6: {  	s4 =	sshll.u32 s26, $0x1;
	_ =	strace $0x80000049;
	[dreg:$0x1] =	wrdreg $0xFFFFFFFF  }
0xa7: {  	s28 =	simm.s32 $_size_execute0_lowered;
	s2 =	sadd.s32 s2, s4;
	[dreg:$0x0] =	wrdreg $0x0  }
0xa8: {  	s4 =	sshll.u32 s28, $0x1;
	[dreg:$0x2] =	wrdreg s2  }
0xa9: {  	[dreg:$0x3] =	wrdreg s4  }
0xaa: {  	[dreg:$0x4] =	wrdreg $0xC0  }
0xab: {  	_ =	task [dreg:s6], $0x5FFFF  }
0xac: {  	[dreg:$0x1] =	wrdreg $0xFFFFFFFF  }
0xad: {  	[dreg:$0x0] =	wrdreg $0x60  }
0xae: {  	[dreg:$0x2] =	wrdreg s24  }
0xaf: {  	[dreg:$0x3] =	wrdreg $0xAC000  }
0xb0: {  	[dreg:$0x4] =	wrdreg $0x9  }
0xb1: {  	_ =	task.clear_ibuf [dreg:s6], $0x5FFFF;
	_ =	strace $0x90000049  }
0xb2: {  	s29 =	simm.s32 $0x9;
	_ =	strace $0x8000004B  }
0xb3: {  	_ =	swait.ge [sflag:s29], $0x1  }
0xb4: {  	[sflag:s29] =	ssyncadd.s32 $0xFFFFFFFF  }
0xb5: {  	_ =	strace $0x9000004B  }
0xb6: {  	_ =	sfence  }
0xb7: {  	s30 =	sld [smem:$0x0];
	_ =	sdelay $0x2  }
0xb8: {  	s31 =	sshll.u32 s1, $0xD;
	s1 =	sshrl.u32 s1, $0x2  }
0xb9: {  	s3 =	sand.u32 $0x4000, s31;
	s1 =	sadd.s32 s1, s30  }
0xba: {  	s0 =	sor.u32 s3, s0;
	s1 =	sshll.u32 s1, $0x11  }
0xbb: {  	s0 =	sor.u32 s1, s0  }
0xbc: {  	s0 =	sadd.s32 $0x8F2B, s0  }
0xbd: {  	[sflag:s0] =	ssyncadd.remote.s32 $0x1  }
0xbe: {  	_ =	sfence.sel $0xFFFF  }
0xbf: {  	[dreg:$0x0] =	wrdreg $0xFFFFFFFF;
	(pc) =	sbr.abs _section_cstart, $3  }
0xc0: {  	[dreg:$0x1] =	wrdreg $0xFFFFFFFF  }
0xc1: {  	_ =	task.clear_ibuf [dreg:s6], $0x2FFFF;
	_ =	strace $0x9FFFFFFF  }
0xc2: {  	(tm) =	ssettm $0x7FFFFFFF  }
0xc3: {  	_ =	shalt  }
tec
execute0_lowered:
.L_overlay_start_1:
0x0: {  	(tag) =	ssettag $0x1  }
0x1: {  	s0 =	rddreg [dreg:$0x0]  }
0x2: {  	s1 =	rddreg [dreg:$0x1];
	s2 =	srdreg.scid;
	s3 =	simm.s32 $0x0  }
0x3: {  	s12 =	stileid.u32;
	s28 =	simm.s32 $0x16;
	s2 =	sand.u32 $0x1, s2  }
0x4: {  	[smem:$0x7FF] =	sst s3;
	s4 =	sadd.s32 $0x16200, s0;
	s6 =	sadd.s32 $0x2800, s0  }
0x5: {  	s8 =	sadd.s32 $0x3D400, s0;
	s9 =	smul.u32 $0x4E000, s12;
	s0 =	sadd.s32 $0x3FC00, s0  }
0x6: {  	s16 =	sshll.u32 s12, $0x2;
	s17 =	sshll.u32 s12, $0x6;
	s24 =	smul.u32 $0x13800, s12  }
0x7: {  	s18 =	sadd.s32 $0x138000, s1;
	s29 =	smul.u32 $0x4E0, s12;
	p0 =	sne.s32 s12, $0xF  }
0x8: {  	s5 =	sshll.u32 s2, $0x4;
	_ =	strace $0x8000004A;
	s7 =	ssub.s32 $0x2, s2  }
0x9: {  	[dreg:$0x3] =	wrdreg s8;
	s8 =	sadd.s32 s16, s6;
	s21 =	smul.u32 $0x138800, s2  }
0xa: {  	s13 =	sor.u32 $0x1C1A, s17;
	[dreg:$0x6] =	wrdreg s18;
	s26 =	smul.u32 $0x4E00, s2  }
0xb: {  	p1 =	sne.s32 s2, $0x0;
	s16 =	simm.s32 $0x9C00;
	s18 =	simm.s32 $0x2A80  }
0xc: {  	s5 =	sor.u32 s12, s5;
	s14 =	sshrl.u32 s7, $0x1;
	s15 =	sshrl.u32 s9, $0x2  }
0xd: {  	s19 =	sadd.s32 $0x9C00, s8;
	s8 =	sadd.s32 $0x13840, s8;
	[dreg:$0x5] =	wrdreg s13  }
0xe: {  	s12 =	simm.s32 $0x2A80;
	s5 =	smul.u32 $0x2700, s5;
	[dreg:$0x7] =	wrdreg s19  }
0xf: {  	s7 =	ssub.s32 s7, s14;
	[dreg:$0x8] =	wrdreg s8;
	s9 =	sadd.s32 s24, s21  }
0x10: {  	s8 =	sshrl.u32 s21, $0x3;
	s21 =	simm.s32 $0x7;
	s24 =	simm.s32 $0x8  }
0x11: {  	s14 =	simm.s32 $0x0;
	s19 =	simm.s32 $0x9C00;
	s9 =	sshrl.u32 s9, $0x3  }
0x12: {  	s30 =	smax.u32 s7, $0x1;
	s7 =	simm.s32 $0x15;
	s5 =	sshrl.u32 s5, $0x3  }
0x13: {  	s9 =	sadd.s32 s0, s9;
	s0 =	sadd.s32 s0, s8;
	[dreg:$0x11] =	wrdreg s30  }
0x14: {  	s11 =	sadd.s32 s6, s5;
	s5 =	sadd.s32 s15, s1;
	[dreg:$0xf] =	wrdreg s9  }
0x15: {  	s6 =	sadd.s32 s26, s6;
	s0 =	sadd.s32 $0x27000, s0;
	[dreg:$0x4] =	wrdreg s11  }
0x16: {  	s9 =	simm.s32 $0x1A;
	s20 =	sadd.s32 $0x9C40, s11;
	[dreg:$0x10] =	wrdreg s0  }
0x17: {  	s26 =	simm.s32 $0x10;
	s22 =	sadd.s32 $0x9C44, s11;
	[dreg:$0x9] =	wrdreg s20  }
0x18: {  	s15 =	simm.s32 $0x8C00;
	s23 =	sadd.s32 $0x9C48, s11;
	[dreg:$0xa] =	wrdreg s22  }
0x19: {  	s10 =	sadd.s32 $0x9C4C, s11;
	s25 =	sadd.s32 $0x9C50, s11;
	[dreg:$0xb] =	wrdreg s23  }
0x1a: {  	s11 =	sadd.s32 $0x9C54, s11;
	s6 =	sadd.s32 s29, s6;
	[dreg:$0xc] =	wrdreg s10  }
.Ltmp0:
0x1b: {  	s8 =	sshrl.u32 s5, $0x3;
	[dreg:$0xd] =	wrdreg s25;
	(pc) =	sbr.rel .LBB2_1-.Ltmp0, $4  }
0x1c: {  	s5 =	simm.s32 $0x13;
	[dreg:$0xe] =	wrdreg s11;
	s31 =	sadd.s32 $0x9C74, s6  }
0x1d: {  	s25 =	simm.s32 $0x20;
	s10 =	simm.s32 $0x2900;
	s11 =	simm.s32 $0x6C00  }
0x1e: {  	s20 =	simm.s32 $0x11;
	s6 =	simm.s32 $0x5;
	[dreg:$0x13] =	wrdreg s8  }
0x1f: {  	s23 =	simm.s32 $0xD;
	s22 =	simm.s32 $0xF;
	[dreg:$0x12] =	wrdreg s31  }
.LBB2_4:
0x20: {  	_ =	swait.ge [sflag:s24], $0x1000  }
0x21: {  	[sflag:s24] =	ssyncset.done $0x0  }
0x22: {  	[sflag:s24] =	ssyncadd.s32 $0xFFFFF000  }
0x23: {  	_ =	swait.ge [sflag:s26], $0x20  }
0x24: {  	[sflag:s26] =	ssyncset.done $0x0  }
0x25: {  	[sflag:s26] =	ssyncadd.s32 $0xFFFFFFE0  }
0x26: {  	[spmem:s1] =	stream.indirect.scatter.add.f32 [tilespmem:s19], [sflag:$0x18], $0x80, s18, s25, $0xb8;
	[tilespmem:$0x1E480] =	vst v63  }
0x27: {  	_ =	swait.ge [sflag:s28], $0x1000  }
0x28: {  	[sflag:s28] =	ssyncset.done $0x0  }
0x29: {  	s0 =	simm.s32 $0x17;
	[sflag:s28] =	ssyncadd.s32 $0xFFFFF000  }
0x2a: {  	_ =	swait.ge [sflag:s0], $0x1000  }
0x2b: {  	[sflag:s0] =	ssyncset.done $0x0  }
0x2c: {  	s29 =	simm.s32 $0x18;
	[sflag:s0] =	ssyncadd.s32 $0xFFFFF000  }
0x2d: {  	_ =	swait.ge [sflag:s29], $0x1000  }
0x2e: {  	s2 =	simm.s32 @!p1 $0x2B00;
	[sflag:s29] =	ssyncset.done $0x0  }
0x2f: {  	s8 =	simm.s32 @!p1 $0x2C00;
	s0 =	simm.s32 @!p1 $0x20;
	[sflag:s29] =	ssyncadd.s32 $0xFFFFF000  }
0x30: {  	[tilespmem:s8], [sflag:$0x1] =	stream.indirect.gather @!p1 [hbm4b:s4+s0], $0x80, s2, s0, $0xb8;
	[tilespmem:$0x1E480] =	vst v63  }
0x31: {  	s2 =	simm.s32 @!p1 $0x1  }
0x32: {  	_ =	swait.ge @!p1 [sflag:s2], $0x1000  }
0x33: {  	[sflag:s2] =	ssyncset.done @!p1 $0x0  }
0x34: {  	[sflag:s2] =	ssyncadd.s32 @!p1 $0xFFFFF000;
	s2 =	simm.s32 @!p1 $0x2B80  }
0x35: {  	[spmem:s1] =	stream.indirect.scatter.add.f32 @!p1 [tilespmem:s8], [sflag:$0x1A], $0x80, s2, s0, $0xb8;
	[tilespmem:$0x1E480] =	vst v63  }
0x36: {  	s0 =	simm.s32 @!p1 $0x1A  }
0x37: {  	_ =	swait.ge @!p1 [sflag:s0], $0x1000  }
0x38: {  	[sflag:s0] =	ssyncset.done @!p1 $0x0  }
0x39: {  	[sflag:s0] =	ssyncadd.s32 @!p1 $0xFFFFF000  }
0x3a: {  	[bflag:$0x0] =	sbarrier.arrive $0xFFFF  }
0x3b: {  	s13 =	rddreg [dreg:$0x5]  }
0x3c: {  	s30 =	rddreg [dreg:$0xf]  }
0x3d: {  	s9 =	simm.s32 $0x1A;
	s8 =	rddreg [dreg:$0x13]  }
0x3e: {  	[hbm:s30], [sflag:s13] =	dma.local [spmem:s8], $0x2700  }
0x3f: {  	_ =	swait.ge [sflag:s9], $0x2700  }
0x40: {  	[sflag:s9] =	ssyncset.done $0x0;
	s0 =	rddreg [dreg:$0x10]  }
0x41: {  	s2 =	rddreg [dreg:$0x15];
	[sflag:s9] =	ssyncadd.s32 $0xFFFFD900  }
0x42: {  	[hbm:s0], [sflag:s13] =	dma.local @!p0 [spmem:s2], $0x100  }
0x43: {  	s0 =	simm.s32 @!p0 $0x1A  }
0x44: {  	_ =	swait.ge @!p0 [sflag:s0], $0x100  }
0x45: {  	s14 =	rddreg [dreg:$0x14]  }
0x46: {  	s31 =	rddreg [dreg:$0x11];
	s14 =	sadd.s32 $0x1, s14  }
0x47: {  	p2 =	sne.s32 s14, s31  }
.Ltmp1:
0x48: {  	_ = 	snop;
	(pc) =	sbr.rel @!p2 .LBB2_5-.Ltmp1, $3  }
0x49: {  	_ =	sdelay $0x1  }
0x4a: {  	s10 =	simm.s32 $0x2900;
	s11 =	simm.s32 $0x6C00;
	[sflag:s0] =	ssyncset.done @!p0 $0x0  }
0x4b: {  	s12 =	simm.s32 $0x2A80;
	s16 =	simm.s32 $0x9C00;
	[sflag:s0] =	ssyncadd.s32 @!p0 $0xFFFFFF00  }
.LBB2_1:
0x4c: {  	[dreg:$0x14] =	wrdreg s14  }
0x4d: {  	s0 =	rddreg [dreg:$0x4]  }
0x4e: {  	[tilespmem:s3], [sflag:$0x19] =	stream.linear.gather [hbm4b:s0+s3], $0x2700, $0x38;
	[tilespmem:$0x1E480] =	vst v63  }
0x4f: {  	s0 =	rddreg [dreg:$0x3]  }
0x50: {  	[spmem:s8], [sflag:s13] =	dma.local [hbm:s0], $0x2700  }
0x51: {  	_ =	swait.ge [sflag:s9], $0x2700  }
0x52: {  	s2 =	rddreg [dreg:$0x6]  }
0x53: {  	[sflag:s9] =	ssyncset.done $0x0;
	s2 =	sshrl.u32 @!p0 s2, $0x3  }
0x54: {  	[sflag:s9] =	ssyncadd.s32 $0xFFFFD900;
	[dreg:$0x15] =	wrdreg s2  }
0x55: {  	[spmem:s2], [sflag:s13] =	dma.local @!p0 [hbm:s0], $0x100  }
0x56: {  	s0 =	simm.s32 @!p0 $0x1A  }
0x57: {  	_ =	swait.ge @!p0 [sflag:s0], $0x100  }
0x58: {  	s8 =	simm.s32 @!p1 $0x2B00;
	[sflag:s0] =	ssyncset.done @!p0 $0x0  }
0x59: {  	s2 =	rddreg [dreg:$0x7];
	[sflag:s0] =	ssyncadd.s32 @!p0 $0xFFFFFF00;
	s0 =	simm.s32 @!p1 $0x0  }
0x5a: {  	[tilespmem:s8], [sflag:$0x1A] =	stream.linear.gather @!p1 [hbm4b:s2+s0], $0x20, $0x38;
	[tilespmem:$0x1E480] =	vst v63  }
0x5b: {  	s8 =	simm.s32 @!p1 $0x1A  }
0x5c: {  	_ =	swait.ge @!p1 [sflag:s8], $0x20  }
0x5d: {  	[sflag:s8] =	ssyncset.done @!p1 $0x0  }
0x5e: {  	s9 =	simm.s32 @!p1 $0x2B80;
	s2 =	rddreg [dreg:$0x8];
	[sflag:s8] =	ssyncadd.s32 @!p1 $0xFFFFFFE0  }
0x5f: {  	[tilespmem:s9], [sflag:$0x1A] =	stream.linear.gather @!p1 [hbm4b:s2+s0], $0x20, $0x38;
	[tilespmem:$0x1E480] =	vst v63  }
0x60: {  	_ =	swait.ge @!p1 [sflag:s8], $0x20  }
0x61: {  	[sflag:s8] =	ssyncset.done @!p1 $0x0  }
0x62: {  	s9 =	simm.s32 $0x19;
	[sflag:s8] =	ssyncadd.s32 @!p1 $0xFFFFFFE0  }
0x63: {  	_ =	swait.ge [sflag:s9], $0x2700  }
0x64: {  	[sflag:s9] =	ssyncset.done $0x0  }
0x65: {  	[sflag:s9] =	ssyncadd.s32 $0xFFFFD900  }
0x66: {  	[bflag:$0x0] =	sbarrier.arrive $0xFFFF  }
0x67: {  	s14 =	simm.s32 $0x2700;
	s13 =	rddreg [dreg:$0x9]  }
0x68: {  	[tilespmem:s14], [sflag:$0x9] =	stream.linear.gather [hbm4b:s13+s3], $0x20, $0x38;
	[tilespmem:$0x1E480] =	vst v63  }
0x69: {  	s17 =	simm.s32 $0x2C00  }
0x6a: {  	[tilespmem:s17], [sflag:$0x1] =	stream.indirect.gather [hbm4b:s4+s25], $0x80, s3, s25, $0xb8;
	[tilespmem:$0x1E480] =	vst v63  }
0x6b: {  	s31 =	simm.s32 $0x2780;
	s30 =	rddreg [dreg:$0xa]  }
0x6c: {  	[tilespmem:s31], [sflag:$0xA] =	stream.linear.gather [hbm4b:s30+s3], $0x20, $0x38;
	[tilespmem:$0x1E480] =	vst v63  }
0x6d: {  	s8 =	simm.s32 $0x3C00  }
0x6e: {  	[tilespmem:s8], [sflag:$0x2] =	stream.indirect.gather [hbm4b:s4+s25], $0x80, s25, s25, $0xb8;
	[tilespmem:$0x1E480] =	vst v63  }
0x6f: {  	s9 =	rddreg [dreg:$0xb];
	s13 =	simm.s32 $0x2800  }
0x70: {  	[tilespmem:s13], [sflag:$0xB] =	stream.linear.gather [hbm4b:s9+s3], $0x20, $0x38;
	[tilespmem:$0x1E480] =	vst v63  }
0x71: {  	s14 =	simm.s32 $0x40;
	s17 =	simm.s32 $0x4C00  }
0x72: {  	[tilespmem:s17], [sflag:$0x3] =	stream.indirect.gather [hbm4b:s4+s25], $0x80, s14, s25, $0xb8;
	[tilespmem:$0x1E480] =	vst v63  }
0x73: {  	s30 =	rddreg [dreg:$0xc];
	s31 =	simm.s32 $0x2880  }
0x74: {  	[tilespmem:s31], [sflag:$0xC] =	stream.linear.gather [hbm4b:s30+s3], $0x20, $0x38;
	[tilespmem:$0x1E480] =	vst v63  }
0x75: {  	s2 =	simm.s32 $0x60;
	s29 =	rddreg [dreg:$0x12];
	s8 =	simm.s32 $0x5C00  }
0x76: {  	[tilespmem:s8], [sflag:$0x4] =	stream.indirect.gather [hbm4b:s4+s25], $0x80, s2, s25, $0xb8;
	[tilespmem:$0x1E480] =	vst v63  }
0x77: {  	s9 =	rddreg [dreg:$0xd]  }
0x78: {  	[tilespmem:s10], [sflag:$0xD] =	stream.linear.gather [hbm4b:s9+s3], $0x20, $0x38;
	[tilespmem:$0x1E480] =	vst v63  }
0x79: {  	s13 =	simm.s32 $0x80;
	s14 =	rddreg [dreg:$0xe]  }
0x7a: {  	[tilespmem:s11], [sflag:$0x5] =	stream.indirect.gather [hbm4b:s4+s25], $0x80, s13, s25, $0xb8;
	[tilespmem:$0x1E480] =	vst v63  }
0x7b: {  	s17 =	simm.s32 $0x2980;
	s30 =	simm.s32 $0xA0;
	s31 =	simm.s32 $0x7C00  }
0x7c: {  	[tilespmem:s17], [sflag:$0xE] =	stream.linear.gather [hbm4b:s14+s3], $0x20, $0x38;
	[tilespmem:$0x1E480] =	vst v63  }
0x7d: {  	s8 =	simm.s32 $0x0;
	s10 =	simm.s32 $0x2900;
	s11 =	simm.s32 $0x6C00  }
0x7e: {  	[tilespmem:s31], [sflag:$0x6] =	stream.indirect.gather [hbm4b:s4+s25], $0x80, s30, s25, $0xb8;
	[tilespmem:$0x1E480] =	vst v63  }
.LBB2_2:
0x7f: {  	s0 =	simm.s32 $0x1  }
0x80: {  	_ =	swait.ge [sflag:s0], $0x1000  }
0x81: {  	[sflag:s0] =	ssyncset.done $0x0  }
0x82: {  	s14 =	simm.s32 $0x9;
	[sflag:s0] =	ssyncadd.s32 $0xFFFFF000  }
0x83: {  	_ =	swait.ge [sflag:s14], $0x20  }
0x84: {  	s17 =	simm.s32 $0x2700;
	p2 =	seq.s32 s8, $0x0;
	[sflag:s14] =	ssyncset.done $0x0  }
0x85: {  	s2 =	simm.s32 $0x2C00;
	s0 =	simm.s32 @!p2 $0x17;
	[sflag:s14] =	ssyncadd.s32 $0xFFFFFFE0  }
0x86: {  	[spmem:s1] =	stream.indirect.scatter.add.f32 [tilespmem:s2], [sflag:$0x11], $0x80, s17, s25, $0xb8;
	[tilespmem:$0x1E480] =	vst v63  }
0x87: {  	_ =	swait.ge @!p2 [sflag:s0], $0x1000  }
0x88: {  	s31 =	sadd.s32 $0xFFFFFFE4, s29;
	[sflag:s0] =	ssyncset.done @!p2 $0x0  }
0x89: {  	s30 =	sshra.s32 s8, $0x2;
	s14 =	simm.s32 $0x2A00;
	[sflag:s0] =	ssyncadd.s32 @!p2 $0xFFFFF000  }
0x8a: {  	[tilespmem:s14], [sflag:$0xF] =	stream.linear.gather [hbm4b:s31+s3], $0x20, $0x38;
	[tilespmem:$0x1E480] =	vst v63  }
0x8b: {  	s9 =	simm.s32 $0x2;
	s2 =	sadd.s32 $0xC0, s30  }
0x8c: {  	[tilespmem:s15], [sflag:$0x7] =	stream.indirect.gather [hbm4b:s4+s25], $0x80, s2, s25, $0xb8;
	[tilespmem:$0x1E480] =	vst v63  }
0x8d: {  	_ =	swait.ge [sflag:s9], $0x1000  }
0x8e: {  	[sflag:s9] =	ssyncset.done $0x0  }
0x8f: {  	s13 =	simm.s32 $0xA;
	[sflag:s9] =	ssyncadd.s32 $0xFFFFF000  }
0x90: {  	_ =	swait.ge [sflag:s13], $0x20  }
0x91: {  	s17 =	simm.s32 $0x2780;
	[sflag:s13] =	ssyncset.done $0x0  }
0x92: {  	s0 =	simm.s32 @!p2 $0x18;
	s31 =	simm.s32 $0x3C00;
	[sflag:s13] =	ssyncadd.s32 $0xFFFFFFE0  }
0x93: {  	[spmem:s1] =	stream.indirect.scatter.add.f32 [tilespmem:s31], [sflag:$0x12], $0x80, s17, s25, $0xb8;
	[tilespmem:$0x1E480] =	vst v63  }
0x94: {  	_ =	swait.ge @!p2 [sflag:s0], $0x1000  }
0x95: {  	[sflag:s0] =	ssyncset.done @!p2 $0x0  }
0x96: {  	s9 =	sadd.s32 $0xFFFFFFE8, s29;
	[sflag:s0] =	ssyncadd.s32 @!p2 $0xFFFFF000  }
0x97: {  	[tilespmem:s12], [sflag:$0x10] =	stream.linear.gather [hbm4b:s9+s3], $0x20, $0x38;
	[tilespmem:$0x1E480] =	vst v63  }
0x98: {  	s13 =	simm.s32 $0x3;
	s12 =	sadd.s32 $0xE0, s30  }
0x99: {  	[tilespmem:s16], [sflag:$0x8] =	stream.indirect.gather [hbm4b:s4+s25], $0x80, s12, s25, $0xb8;
	[tilespmem:$0x1E480] =	vst v63  }
0x9a: {  	_ =	swait.ge [sflag:s13], $0x1000  }
0x9b: {  	[sflag:s13] =	ssyncset.done $0x0  }
0x9c: {  	s16 =	simm.s32 $0xB;
	[sflag:s13] =	ssyncadd.s32 $0xFFFFF000  }
0x9d: {  	_ =	swait.ge [sflag:s16], $0x20  }
0x9e: {  	[sflag:s16] =	ssyncset.done $0x0  }
0x9f: {  	s17 =	simm.s32 $0x2800;
	s31 =	simm.s32 $0x4C00;
	[sflag:s16] =	ssyncadd.s32 $0xFFFFFFE0  }
0xa0: {  	[spmem:s1] =	stream.indirect.scatter.add.f32 [tilespmem:s31], [sflag:$0x13], $0x80, s17, s25, $0xb8;
	[tilespmem:$0x1E480] =	vst v63  }
0xa1: {  	_ =	swait.ge [sflag:s20], $0x1000  }
0xa2: {  	p2 =	seq.s32 s8, $0x9800;
	[sflag:s20] =	ssyncset.done $0x0  }
0xa3: {  	s0 =	simm.s32 @p2 $0x4;
	[sflag:s20] =	ssyncadd.s32 $0xFFFFF000  }
0xa4: {  	_ =	swait.ge @p2 [sflag:s0], $0x1000  }
0xa5: {  	[sflag:s0] =	ssyncset.done @p2 $0x0  }
0xa6: {  	[sflag:s0] =	ssyncadd.s32 @p2 $0xFFFFF000;
	s0 =	simm.s32 @p2 $0xC  }
0xa7: {  	_ =	swait.ge @p2 [sflag:s0], $0x20  }
0xa8: {  	s2 =	simm.s32 @p2 $0x20;
	[sflag:s0] =	ssyncset.done @p2 $0x0  }
0xa9: {  	s9 =	simm.s32 @p2 $0x5C00;
	[sflag:s0] =	ssyncadd.s32 @p2 $0xFFFFFFE0;
	s0 =	simm.s32 @p2 $0x2880  }
0xaa: {  	[spmem:s1] =	stream.indirect.scatter.add.f32 @p2 [tilespmem:s9], [sflag:$0x14], $0x80, s0, s2, $0xb8;
	[tilespmem:$0x1E480] =	vst v63  }
0xab: {  	s0 =	simm.s32 @p2 $0x12  }
0xac: {  	_ =	swait.ge @p2 [sflag:s0], $0x1000  }
0xad: {  	s31 =	simm.s32 @!p2 $0x2700;
	[sflag:s0] =	ssyncset.done @p2 $0x0  }
0xae: {  	s9 =	simm.s32 @!p2 $0x0;
	[sflag:s0] =	ssyncadd.s32 @p2 $0xFFFFF000;
	s0 =	sadd.s32 @!p2 $0xFFFFFFEC, s29  }
0xaf: {  	[tilespmem:s31], [sflag:$0x9] =	stream.linear.gather @!p2 [hbm4b:s0+s9], $0x20, $0x38;
	[tilespmem:$0x1E480] =	vst v63  }
0xb0: {  	s0 =	sshra.s32 @!p2 s8, $0x2  }
0xb1: {  	s13 =	simm.s32 @!p2 $0x2C00;
	s31 =	simm.s32 @!p2 $0x20;
	s12 =	sadd.s32 @!p2 $0x100, s0  }
0xb2: {  	[tilespmem:s13], [sflag:$0x1] =	stream.indirect.gather @!p2 [hbm4b:s4+s31], $0x80, s12, s31, $0xb8;
	[tilespmem:$0x1E480] =	vst v63  }
0xb3: {  	s12 =	simm.s32 @!p2 $0x4  }
0xb4: {  	_ =	swait.ge @!p2 [sflag:s12], $0x1000  }
0xb5: {  	[sflag:s12] =	ssyncset.done @!p2 $0x0  }
0xb6: {  	[sflag:s12] =	ssyncadd.s32 @!p2 $0xFFFFF000;
	s12 =	simm.s32 @!p2 $0xC  }
0xb7: {  	_ =	swait.ge @!p2 [sflag:s12], $0x20  }
0xb8: {  	s16 =	simm.s32 @!p2 $0x12;
	[sflag:s12] =	ssyncset.done @!p2 $0x0  }
0xb9: {  	s13 =	simm.s32 @!p2 $0x5C00;
	[sflag:s12] =	ssyncadd.s32 @!p2 $0xFFFFFFE0;
	s12 =	simm.s32 @!p2 $0x2880  }
0xba: {  	[spmem:s1] =	stream.indirect.scatter.add.f32 @!p2 [tilespmem:s13], [sflag:$0x14], $0x80, s12, s31, $0xb8;
	[tilespmem:$0x1E480] =	vst v63  }
0xbb: {  	_ =	swait.ge @!p2 [sflag:s16], $0x1000  }
0xbc: {  	[sflag:s16] =	ssyncset.done @!p2 $0x0  }
0xbd: {  	s17 =	simm.s32 @!p2 $0x2780;
	[sflag:s16] =	ssyncadd.s32 @!p2 $0xFFFFF000;
	s16 =	sadd.s32 @!p2 $0xFFFFFFF0, s29  }
0xbe: {  	[tilespmem:s17], [sflag:$0xA] =	stream.linear.gather @!p2 [hbm4b:s16+s9], $0x20, $0x38;
	[tilespmem:$0x1E480] =	vst v63  }
0xbf: {  	s16 =	sadd.s32 @!p2 $0x120, s0;
	s17 =	simm.s32 @!p2 $0x3C00  }
0xc0: {  	[tilespmem:s17], [sflag:$0x2] =	stream.indirect.gather @!p2 [hbm4b:s4+s31], $0x80, s16, s31, $0xb8;
	[tilespmem:$0x1E480] =	vst v63  }
0xc1: {  	_ =	swait.ge [sflag:s6], $0x1000  }
0xc2: {  	[sflag:s6] =	ssyncset.done $0x0  }
0xc3: {  	[sflag:s6] =	ssyncadd.s32 $0xFFFFF000  }
0xc4: {  	_ =	swait.ge [sflag:s23], $0x20  }
0xc5: {  	[sflag:s23] =	ssyncset.done $0x0  }
0xc6: {  	[sflag:s23] =	ssyncadd.s32 $0xFFFFFFE0  }
0xc7: {  	[spmem:s1] =	stream.indirect.scatter.add.f32 [tilespmem:s11], [sflag:$0x15], $0x80, s10, s25, $0xb8;
	[tilespmem:$0x1E480] =	vst v63  }
0xc8: {  	_ =	swait.ge [sflag:s5], $0x1000  }
0xc9: {  	[sflag:s5] =	ssyncset.done $0x0  }
0xca: {  	s16 =	simm.s32 @p2 $0x6;
	[sflag:s5] =	ssyncadd.s32 $0xFFFFF000  }
0xcb: {  	_ =	swait.ge @p2 [sflag:s16], $0x1000  }
0xcc: {  	[sflag:s16] =	ssyncset.done @p2 $0x0  }
0xcd: {  	[sflag:s16] =	ssyncadd.s32 @p2 $0xFFFFF000;
	s16 =	simm.s32 @p2 $0xE  }
0xce: {  	_ =	swait.ge @p2 [sflag:s16], $0x20  }
0xcf: {  	[sflag:s16] =	ssyncset.done @p2 $0x0  }
0xd0: {  	s17 =	simm.s32 @p2 $0x7C00;
	[sflag:s16] =	ssyncadd.s32 @p2 $0xFFFFFFE0;
	s16 =	simm.s32 @p2 $0x2980  }
0xd1: {  	[spmem:s1] =	stream.indirect.scatter.add.f32 @p2 [tilespmem:s17], [sflag:$0x16], $0x80, s16, s2, $0xb8;
	[tilespmem:$0x1E480] =	vst v63  }
0xd2: {  	s2 =	simm.s32 @p2 $0x14  }
0xd3: {  	_ =	swait.ge @p2 [sflag:s2], $0x1000  }
0xd4: {  	[sflag:s2] =	ssyncset.done @p2 $0x0  }
0xd5: {  	s16 =	simm.s32 @!p2 $0x2800;
	[sflag:s2] =	ssyncadd.s32 @p2 $0xFFFFF000;
	s2 =	sadd.s32 @!p2 $0xFFFFFFF4, s29  }
0xd6: {  	[tilespmem:s16], [sflag:$0xB] =	stream.linear.gather @!p2 [hbm4b:s2+s9], $0x20, $0x38;
	[tilespmem:$0x1E480] =	vst v63  }
0xd7: {  	s2 =	sadd.s32 @!p2 $0x140, s0;
	s16 =	simm.s32 @!p2 $0x4C00  }
0xd8: {  	[tilespmem:s16], [sflag:$0x3] =	stream.indirect.gather @!p2 [hbm4b:s4+s31], $0x80, s2, s31, $0xb8;
	[tilespmem:$0x1E480] =	vst v63  }
0xd9: {  	s2 =	simm.s32 @!p2 $0x6  }
0xda: {  	_ =	swait.ge @!p2 [sflag:s2], $0x1000  }
0xdb: {  	[sflag:s2] =	ssyncset.done @!p2 $0x0  }
0xdc: {  	[sflag:s2] =	ssyncadd.s32 @!p2 $0xFFFFF000;
	s2 =	simm.s32 @!p2 $0xE  }
0xdd: {  	_ =	swait.ge @!p2 [sflag:s2], $0x20  }
0xde: {  	[sflag:s2] =	ssyncset.done @!p2 $0x0  }
0xdf: {  	s16 =	simm.s32 @!p2 $0x7C00;
	[sflag:s2] =	ssyncadd.s32 @!p2 $0xFFFFFFE0;
	s2 =	simm.s32 @!p2 $0x2980  }
0xe0: {  	[spmem:s1] =	stream.indirect.scatter.add.f32 @!p2 [tilespmem:s16], [sflag:$0x16], $0x80, s2, s31, $0xb8;
	[tilespmem:$0x1E480] =	vst v63  }
0xe1: {  	s2 =	simm.s32 @!p2 $0x14  }
0xe2: {  	_ =	swait.ge @!p2 [sflag:s2], $0x1000  }
0xe3: {  	[sflag:s2] =	ssyncset.done @!p2 $0x0  }
0xe4: {  	[sflag:s2] =	ssyncadd.s32 @!p2 $0xFFFFF000;
	s2 =	sadd.s32 @!p2 $0xFFFFFFF8, s29  }
0xe5: {  	[tilespmem:s12], [sflag:$0xC] =	stream.linear.gather @!p2 [hbm4b:s2+s9], $0x20, $0x38;
	[tilespmem:$0x1E480] =	vst v63  }
0xe6: {  	s0 =	sadd.s32 @!p2 $0x160, s0  }
0xe7: {  	[tilespmem:s13], [sflag:$0x4] =	stream.indirect.gather @!p2 [hbm4b:s4+s31], $0x80, s0, s31, $0xb8;
	[tilespmem:$0x1E480] =	vst v63  }
0xe8: {  	_ =	swait.ge [sflag:s21], $0x1000  }
0xe9: {  	[sflag:s21] =	ssyncset.done $0x0  }
0xea: {  	[sflag:s21] =	ssyncadd.s32 $0xFFFFF000  }
0xeb: {  	_ =	swait.ge [sflag:s22], $0x20  }
0xec: {  	[sflag:s22] =	ssyncset.done $0x0  }
.Ltmp2:
0xed: {  	[sflag:s22] =	ssyncadd.s32 $0xFFFFFFE0;
	(pc) =	sbr.rel @p2 .LBB2_4-.Ltmp2, $4  }
0xee: {  	[spmem:s1] =	stream.indirect.scatter.add.f32 [tilespmem:s15], [sflag:$0x17], $0x80, s14, s25, $0xb8;
	[tilespmem:$0x1E480] =	vst v63  }
0xef: {  	_ =	swait.ge [sflag:s7], $0x1000  }
0xf0: {  	[sflag:s7] =	ssyncset.done $0x0  }
0xf1: {  	[sflag:s7] =	ssyncadd.s32 $0xFFFFF000  }
0xf2: {  	s0 =	sadd.s32 $0xFFFFFFFC, s29  }
0xf3: {  	[tilespmem:s10], [sflag:$0xD] =	stream.linear.gather [hbm4b:s0+s3], $0x20, $0x38;
	[tilespmem:$0x1E480] =	vst v63  }
0xf4: {  	s16 =	sadd.s32 $0x180, s30  }
0xf5: {  	[tilespmem:s11], [sflag:$0x5] =	stream.indirect.gather [hbm4b:s4+s25], $0x80, s16, s25, $0xb8;
	[tilespmem:$0x1E480] =	vst v63  }
0xf6: {  	_ =	swait.ge [sflag:s24], $0x1000  }
0xf7: {  	[sflag:s24] =	ssyncset.done $0x0  }
0xf8: {  	[sflag:s24] =	ssyncadd.s32 $0xFFFFF000  }
0xf9: {  	_ =	swait.ge [sflag:s26], $0x20  }
0xfa: {  	[sflag:s26] =	ssyncset.done $0x0  }
0xfb: {  	[sflag:s26] =	ssyncadd.s32 $0xFFFFFFE0  }
0xfc: {  	[spmem:s1] =	stream.indirect.scatter.add.f32 [tilespmem:s19], [sflag:$0x18], $0x80, s18, s25, $0xb8;
	[tilespmem:$0x1E480] =	vst v63  }
0xfd: {  	s17 =	simm.s32 $0x2980;
	_ =	swait.ge [sflag:s28], $0x1000  }
.Ltmp3:
0xfe: {  	s31 =	sadd.s32 $0x1A0, s30;
	[sflag:s28] =	ssyncset.done $0x0;
	(pc) =	sbr.rel .LBB2_2-.Ltmp3, $4  }
0xff: {  	s2 =	simm.s32 $0x7C00;
	s8 =	sadd.s32 $0x400, s8;
	[sflag:s28] =	ssyncadd.s32 $0xFFFFF000  }
0x100: {  	[tilespmem:s17], [sflag:$0xE] =	stream.linear.gather [hbm4b:s29+s3], $0x20, $0x38;
	[tilespmem:$0x1E480] =	vst v63  }
0x101: {  	s12 =	simm.s32 $0x2A80;
	s16 =	simm.s32 $0x9C00;
	s29 =	sadd.s32 $0x20, s29  }
0x102: {  	[tilespmem:s2], [sflag:$0x6] =	stream.indirect.gather [hbm4b:s4+s25], $0x80, s31, s25, $0xb8;
	[tilespmem:$0x1E480] =	vst v63  }
.LBB2_5:
0x103: {  	_ =	sfence.sel $0x180000  }
0x104: {  	[bflag:$0x0] =	sbarrier.arrive $0xFFFF  }
0x105: {  	_ =	strace $0x9000004A  }
0x106: {  	s0 =	stileid.u32;
	[bflag:$0x2] =	sbarrier.arrive $0xFFFF  }
0x107: {  	p0 =	sne.s32 s0, $0x0;
	s0 =	rddreg [dreg:$0x2]  }
0x108: {  	s0 =	sadd.s32 @!p0 $0x100000, s0  }
0x109: {  	[sflag:s0] =	ssyncadd.tile.s32 @!p0 $0x1;
	_ =	shalt  }
.Lfunc_end2:
_tile_overlayer_lowered:
.L_overlay_start_2:
0x10a: {  	(tag) =	ssettag $0x2  }
0x10b: {  	s0 =	rddreg [dreg:$0x0];
	s2 =	stileid.u32  }
0x10c: {  	s1 =	rddreg [dreg:$0x1];
	p0 =	sne.s32 s2, $0x0  }
0x10d: {  	s3 =	rddreg [dreg:$0x2];
	[bflag:$0x3] =	sbarrier.arrive $0xFFFF;
	s2 =	simm.s32 @!p0 $0x1C1A  }
0x10e: {  	[timem:s3], [sflag:s2] =	dma.local @!p0 [hbm:s0], s1  }
0x10f: {  	s0 =	simm.s32 @!p0 $0x1A  }
0x110: {  	_ =	swait.ge @!p0 [sflag:s0], s1  }
0x111: {  	s1 =	ssub.s32 @!p0 $0x0, s1;
	[sflag:s0] =	ssyncset.done @!p0 $0x0  }
0x112: {  	[sflag:s0] =	ssyncadd.s32 @!p0 s1  }
0x113: {  	[bflag:$0x3] =	sbarrier.arrive $0xFFFF  }
0x114: {  	_ =	shalt  }

// kernel: kernel.14.cloned.1.call-start
scs
__scs_entry_jumppad:
0x0: {  	(pc) =	sbr.rel $0x88, $3  }
0x1: {  	(tag) =	ssettag $0x0;
	lr =	simm.s32 $0x1  }
0x2: {  	[smem:$0x3F99] =	sst lr;
	_ =	strace $0xD0000000  }
0x3: {  	_ = 	snop  }
0x4: {  	_ = 	snop  }
0x5: {  	_ = 	snop  }
0x6: {  	_ = 	snop  }
0x7: {  	_ = 	snop  }
__scs_overlays_trampoline_lowered:
0x8: {  	[smem:$0x3FA8] =	sst s0  }
0x9: {  	[smem:$0x3FA9] =	sst s1  }
0xa: {  	[smem:$0x3FAA] =	sst s2  }
0xb: {  	[smem:$0x3FAB] =	sst s3  }
0xc: {  	[smem:$0x3FAC] =	sst s4  }
0xd: {  	[smem:$0x3FAD] =	sst s5  }
0xe: {  	[smem:$0x3FAE] =	sst s6  }
0xf: {  	[smem:$0x3FAF] =	sst s7  }
0x10: {  	[smem:$0x3FB0] =	sst s8  }
0x11: {  	[smem:$0x3FB1] =	sst s9;
	s0 =	simm.s32 @!p0 $0x0  }
0x12: {  	s1 =	sld [smem:$0x3F97];
	s0 =	simm.s32 @p0 $0x1  }
0x13: {  	[smem:$0x3FB2] =	sst s0;
	s0 =	simm.s32 @!p1 $0x0  }
0x14: {  	s2 =	sld [smem:$0x3F96];
	s0 =	simm.s32 @p1 $0x1  }
0x15: {  	[smem:$0x3FB3] =	sst s0;
	s0 =	simm.s32 @!p2 $0x0  }
0x16: {  	s3 =	sld [smem:$0x3FDB];
	s0 =	simm.s32 @p2 $0x1  }
0x17: {  	s4 =	simm.s32 $0x1BF5;
	[smem:$0x3FB5] =	sst s0  }
0x18: {  	s0 =	sld [smem:$0x3F98];
	_ =	swait.ge [sflag:s4], $0x0  }
0x19: {  	s7 =	sld [smem:$0x3F99]  }
0x1a: {  	s8 =	sadd.s32 $0xFFFFE003, lr  }
0x1b: {  	s9 =	sadd.s32 $0xFFFFFEF7, lr;
	s5 =	simm.s32 $0xFFFFFFFF;
	p2 =	slt.u32 s8, $0xFFFFF086  }
0x1c: {  	p1 =	slt.u32 s9, $0xF7A;
	s5 =	simm.s32 @!p2 $0x0  }
0x1d: {  	s5 =	simm.s32 @p1 $0x1;
	p0 =	seq.s32 s7, s2  }
0x1e: {  	s7 =	smul.u32 @!p0 $0xF7A, s2;
	p2 =	seq.s32 @!p0 s5, $0x0  }
0x1f: {  	s9 =	smul.u32 $0xF7A, s1;
	s8 =	simm.s32 @!p0 $0x1BF5;
	p2 =	por !p2, p0  }
0x20: {  	[sflag:s8] =	ssyncset.s32 @!p0 $0xFFFFF086;
	s6 =	sadd.s32 @!p0 s3, s7;
	s7 =	simm.s32 @!p0 $0x108  }
0x21: {  	s3 =	sadd.s32 s3, s9;
	s6 =	sadd.s32 @!p0 $0x88, s6;
	s7 =	simm.s32 @p2 $0x1082  }
0x22: {  	[simem:s7], [sflag:s8] =	dma.local @!p0 [hbm:s6], $0xF7A  }
0x23: {  	s9 =	sor.u32 $0xD0000000, s2;
	s6 =	simm.s32 $0x108;
	_ =	swait.ge @!p0 [sflag:s8], $0x0  }
0x24: {  	s3 =	sadd.s32 $0x88, s3;
	s6 =	simm.s32 @!p1 $0x1082;
	[sflag:s4] =	ssyncset.s32 $0xFFFFF086  }
0x25: {  	[simem:s6], [sflag:s4] =	dma.local [hbm:s3], $0xF7A  }
0x26: {  	[smem:$0x3F99] =	sst s1;
	(tag) =	ssettag s2;
	_ =	strace s9  }
0x27: {  	s1 =	sld [smem:$0x3FA9]  }
0x28: {  	s2 =	sld [smem:$0x3FAA]  }
0x29: {  	s4 =	sld [smem:$0x3FAC]  }
0x2a: {  	p0 =	seq.s32 s5, $0x0;
	s5 =	sld [smem:$0x3FAD]  }
0x2b: {  	s6 =	sld [smem:$0x3FAE]  }
0x2c: {  	s7 =	sld [smem:$0x3FAF]  }
0x2d: {  	s3 =	simm.s32 $0x108;
	s8 =	sld [smem:$0x3FB0]  }
0x2e: {  	s3 =	simm.s32 @!p0 $0x1082;
	s9 =	sld [smem:$0x3FB1]  }
0x2f: {  	lr =	sadd.s32 s0, s3;
	s0 =	sld [smem:$0x3FA8]  }
0x30: {  	s3 =	sld [smem:$0x3FAB]  }
0x31: {  	[smem:$0x3FB4] =	sst s10  }
0x32: {  	s10 =	sld [smem:$0x3FB2];
	_ =	sdelay $0x3  }
0x33: {  	p0 =	seq.s32 s10, $0x1;
	s10 =	sld [smem:$0x3FB4];
	_ =	sdelay $0x3  }
0x34: {  	[smem:$0x3FB4] =	sst s10  }
0x35: {  	s10 =	sld [smem:$0x3FB3];
	_ =	sdelay $0x3  }
0x36: {  	p1 =	seq.s32 s10, $0x1;
	s10 =	sld [smem:$0x3FB4];
	_ =	sdelay $0x3  }
0x37: {  	[smem:$0x3FB4] =	sst s10  }
0x38: {  	s10 =	sld [smem:$0x3FB5]  }
0x39: {  	_ = 	snop;
	(pc) =	sbr.ind lr, $3  }
0x3a: {  	_ = 	snop  }
0x3b: {  	_ = 	snop  }
0x3c: {  	p2 =	seq.s32 s10, $0x1;
	s10 =	sld [smem:$0x3FB4]  }
0x3d: {  	_ =	shalt  }
0x3e: {  	_ =	shalt  }
0x3f: {  	_ =	shalt  }
0x40: {  	_ =	shalt  }
0x41: {  	_ =	shalt  }
0x42: {  	_ =	shalt  }
0x43: {  	_ =	shalt  }
0x44: {  	_ =	shalt  }
0x45: {  	_ =	shalt  }
0x46: {  	_ =	shalt  }
0x47: {  	_ =	shalt  }
0x48: {  	_ =	shalt  }
0x49: {  	_ =	shalt  }
0x4a: {  	_ =	shalt  }
0x4b: {  	_ =	shalt  }
0x4c: {  	_ =	shalt  }
0x4d: {  	_ =	shalt  }
0x4e: {  	_ =	shalt  }
0x4f: {  	_ =	shalt  }
0x50: {  	_ =	shalt  }
0x51: {  	_ =	shalt  }
0x52: {  	_ =	shalt  }
0x53: {  	_ =	shalt  }
0x54: {  	_ =	shalt  }
0x55: {  	_ =	shalt  }
0x56: {  	_ =	shalt  }
0x57: {  	_ =	shalt  }
0x58: {  	_ =	shalt  }
0x59: {  	_ =	shalt  }
0x5a: {  	_ =	shalt  }
0x5b: {  	_ =	shalt  }
0x5c: {  	_ =	shalt  }
0x5d: {  	_ =	shalt  }
0x5e: {  	_ =	shalt  }
0x5f: {  	_ =	shalt  }
0x60: {  	_ =	shalt  }
0x61: {  	_ =	shalt  }
0x62: {  	_ =	shalt  }
0x63: {  	_ =	shalt  }
0x64: {  	_ =	shalt  }
0x65: {  	_ =	shalt  }
0x66: {  	_ =	shalt  }
0x67: {  	_ =	shalt  }
0x68: {  	_ =	shalt  }
0x69: {  	_ =	shalt  }
0x6a: {  	_ =	shalt  }
0x6b: {  	_ =	shalt  }
0x6c: {  	_ =	shalt  }
0x6d: {  	_ =	shalt  }
0x6e: {  	_ =	shalt  }
0x6f: {  	_ =	shalt  }
0x70: {  	_ =	shalt  }
0x71: {  	_ =	shalt  }
0x72: {  	_ =	shalt  }
0x73: {  	_ =	shalt  }
0x74: {  	_ =	shalt  }
0x75: {  	_ =	shalt  }
0x76: {  	_ =	shalt  }
0x77: {  	_ =	shalt  }
0x78: {  	_ =	shalt  }
0x79: {  	_ =	shalt  }
0x7a: {  	_ =	shalt  }
0x7b: {  	_ =	shalt  }
0x7c: {  	_ =	shalt  }
0x7d: {  	_ =	shalt  }
0x7e: {  	_ =	shalt  }
0x7f: {  	_ =	shalt  }
0x80: {  	_ =	shalt  }
0x81: {  	_ =	shalt  }
0x82: {  	_ =	shalt  }
0x83: {  	_ =	shalt  }
0x84: {  	_ =	shalt  }
0x85: {  	_ =	shalt  }
0x86: {  	_ =	shalt  }
0x87: {  	_ =	shalt  }
.Lfunc_end0:
.L_simem_size_0:
called_computation.2_lowered:
.L_overlay_start_0:
0x88: {  	s2 =	sld [smem:$0x3FD9]  }
0x89: {  	s3 =	sld [smem:$0x3FFE];
	_ =	sdelay $0x1  }
0x8a: {  	s1 =	srdreg.scid  }
0x8b: {  	s0 =	sand.u32 $0x1, s1  }
0x8c: {  	s16 =	sshll.u32 s0, $0xA;
	s2 =	sadd.s32 s3, s2  }
0x8d: {  	s2 =	sadd.s32 s2, s16  }
0x8e: {  	[smem:$0x3FC0] =	sst s2  }
0x8f: {  	_ = 	snop  }
0x90: {  	(tm) =	ssettm $0x1  }
0x91: {  	s17 =	sld [smem:$0x3FFB];
	_ =	sdelay $0x3  }
0x92: {  	_ =	strace s17  }
0x93: {  	s2 =	sld [smem:$0x3FFC];
	_ =	sdelay $0x3  }
0x94: {  	_ =	strace s2  }
0x95: {  	s2 =	sld [smem:$0x3FFD];
	_ =	sdelay $0x3  }
0x96: {  	_ =	strace s2  }
0x97: {  	_ =	strace $0x8FFFFFFF  }
0x98: {  	s18 =	sld [smem:$0x3FDB];
	_ =	sdelay $0x1  }
0x99: {  	s19 =	simm.s32 $_scs_section_size  }
0x9a: {  	s4 =	simm.s32 $_size__tile_overlayer_lowered;
	s5 =	simm.s32 $_tile_overlayer_lowered  }
0x9b: {  	s22 =	simm.s32 $0x1BFF;
	s21 =	sshll.u32 s5, $0x1;
	s2 =	sadd.s32 s19, s18  }
0x9c: {  	s6 =	simm.s32 $0x0;
	s20 =	sshll.u32 s4, $0x1;
	s4 =	sadd.s32 s21, s2  }
0x9d: {  	[timem:s6], [sflag:s22] =	dma.local [hbm:s4], s20  }
0x9e: {  	_ =	swait.ge [sflag:s22], s20  }
0x9f: {  	s3 =	ssub.s32 $0x0, s20;
	[sflag:s22] =	ssyncset.done $0x0  }
0xa0: {  	[sflag:s22] =	ssyncadd.s32 s3;
	_ =	sdelay $0x1  }
0xa1: {  	s23 =	simm.s32 $0x1B8B  }
0xa2: {  	_ =	swait.ge [sflag:s23], $0x1  }
0xa3: {  	[sflag:s23] =	ssyncset.done $0x0  }
0xa4: {  	s25 =	simm.s32 $0x1B8E;
	s24 =	sld [smem:$0x3FFE];
	[sflag:s23] =	ssyncadd.s32 $0xFFFFFFFF  }
0xa5: {  	s26 =	simm.s32 $execute0_lowered;
	[smem:$0x3FD2] =	sst s25  }
0xa6: {  	s4 =	sshll.u32 s26, $0x1;
	_ =	strace $0x8000004C;
	[dreg:$0x1] =	wrdreg $0xFFFFFFFF  }
0xa7: {  	s28 =	simm.s32 $_size_execute0_lowered;
	s2 =	sadd.s32 s2, s4;
	[dreg:$0x0] =	wrdreg $0x0  }
0xa8: {  	s4 =	sshll.u32 s28, $0x1;
	[dreg:$0x2] =	wrdreg s2  }
0xa9: {  	[dreg:$0x3] =	wrdreg s4  }
0xaa: {  	[dreg:$0x4] =	wrdreg $0xC0  }
0xab: {  	_ =	task [dreg:s6], $0x5FFFF  }
0xac: {  	[dreg:$0x1] =	wrdreg $0xFFFFFFFF  }
0xad: {  	[dreg:$0x0] =	wrdreg $0x60  }
0xae: {  	[dreg:$0x2] =	wrdreg s24  }
0xaf: {  	[dreg:$0x3] =	wrdreg $0x9  }
0xb0: {  	_ =	task.clear_ibuf [dreg:s6], $0x4FFFF;
	_ =	strace $0x9000004C  }
0xb1: {  	s29 =	simm.s32 $0x9;
	_ =	strace $0x8000004E  }
0xb2: {  	_ =	swait.ge [sflag:s29], $0x1  }
0xb3: {  	[sflag:s29] =	ssyncadd.s32 $0xFFFFFFFF  }
0xb4: {  	_ =	strace $0x9000004E  }
0xb5: {  	_ =	sfence  }
0xb6: {  	s30 =	sld [smem:$0x0];
	_ =	sdelay $0x2  }
0xb7: {  	s31 =	sshll.u32 s1, $0xD;
	s1 =	sshrl.u32 s1, $0x2  }
0xb8: {  	s3 =	sand.u32 $0x4000, s31;
	s1 =	sadd.s32 s1, s30  }
0xb9: {  	s0 =	sor.u32 s3, s0;
	s1 =	sshll.u32 s1, $0x11  }
0xba: {  	s0 =	sor.u32 s1, s0  }
0xbb: {  	s0 =	sadd.s32 $0x8F2B, s0  }
0xbc: {  	[sflag:s0] =	ssyncadd.remote.s32 $0x1  }
0xbd: {  	_ =	sfence.sel $0xFFFF  }
0xbe: {  	[dreg:$0x0] =	wrdreg $0xFFFFFFFF;
	(pc) =	sbr.abs _section_cstart, $3  }
0xbf: {  	[dreg:$0x1] =	wrdreg $0xFFFFFFFF  }
0xc0: {  	_ =	task.clear_ibuf [dreg:s6], $0x2FFFF;
	_ =	strace $0x9FFFFFFF  }
0xc1: {  	(tm) =	ssettm $0x7FFFFFFF  }
tec
execute0_lowered:
.L_overlay_start_1:
0x0: {  	(tag) =	ssettag $0x1  }
0x1: {  	s0 =	srdreg.scid;
	s5 =	rddreg [dreg:$0x0]  }
0x2: {  	s2 =	simm.s32 $0x0;
	s9 =	simm.s32 $0x4F00;
	s10 =	simm.s32 $0x1  }
0x3: {  	s11 =	simm.s32 $0x2;
	s12 =	simm.s32 $0x3;
	s13 =	simm.s32 $0x7680  }
0x4: {  	s14 =	simm.s32 $0x80;
	s15 =	simm.s32 $0x400;
	s4 =	sand.u32 $0x1, s0  }
0x5: {  	s16 =	simm.s32 $0x4;
	s0 =	stileid.u32;
	s1 =	sshll.u32 s4, $0x4  }
0x6: {  	s17 =	simm.s32 $0x0;
	[smem:$0x7FF] =	sst s2;
	s3 =	sor.u32 s0, s1  }
0x7: {  	s7 =	sshll.u32 s0, $0x7;
	s6 =	sshrl.u32 s3, $0x3;
	s8 =	smul.u32 $0x2710, s3  }
0x8: {  	s4 =	ssub.s32 $0x2, s4;
	s1 =	rddreg [dreg:$0x1];
	s6 =	smul.u32 $0x13C00, s6  }
0x9: {  	s7 =	sand.u32 $0x380, s7;
	_ =	strace $0x8000004D;
	s30 =	sshrl.u32 s4, $0x1  }
0xa: {  	s3 =	sadd.s32 $0x16200, s5;
	s29 =	sshrl.u32 s8, $0x3;
	s6 =	sor.u32 s7, s6  }
0xb: {  	s31 =	ssub.s32 s4, s30;
	s7 =	sadd.s32 s29, s5;
	s6 =	sshrl.u32 s6, $0x3  }
0xc: {  	s8 =	simm.s32 $0x2780;
	s4 =	sadd.s32 $0x2800, s7;
	s6 =	sadd.s32 s6, s5  }
0xd: {  	v0 =	vimm.f32 $0.0e+00;
	s5 =	sadd.s32 $0xC440, s7;
	s7 =	smax.u32 s31, $0x1;
	s6 =	sadd.s32 $0x16800, s6  }
.LBB2_1:
0xe: {  	[tilespmem:s2], [sflag:$0x1] =	stream.linear.gather [hbm4b:s4+s2], $0x2710, $0x38;
	[tilespmem:$0x9E00] =	vst v63  }
0xf: {  	_ = 	snop  }
0x10: {  	[tilespmem:s8], [sflag:$0x2] =	stream.linear.gather [hbm4b:s5+s2], $0x2710, $0x38;
	[tilespmem:$0x9E00] =	vst v63  }
0x11: {  	s18 =	simm.s32 $0x40;
	s19 =	simm.s32 $0x0  }
0x12: {  	[tilespmem:s9], [sflag:$0x3] =	stream.linear.gather [hbm4b:s3+s2], $0x2780, $0x38;
	[tilespmem:$0x9E00] =	vst v63  }
.LBB2_2:
0x13: {  	p0 =	sne.s32 s18, $0x9C00;
	[tilespmem:s19+$0x7680] =	vst v0;
	s19 =	smov.u32 s18;
	s18 =	sadd.s32 $0x40, s18  }
.Ltmp0:
0x14: {  	(pc) =	sbr.rel @p0 .LBB2_2-.Ltmp0, $2  }
0x15: {  	_ =	sdelay $0x2  }
0x16: {  	s19 =	sshra.s32 s19, $0x2  }
0x17: {  	[tilespmem:s19+$0x7680] =	vst v0  }
0x18: {  	_ =	swait.ge [sflag:s10], $0x2710  }
0x19: {  	[sflag:s10] =	ssyncset.done $0x0  }
0x1a: {  	[sflag:s10] =	ssyncadd.s32 $0xFFFFD8F0  }
0x1b: {  	_ =	swait.ge [sflag:s11], $0x2710  }
0x1c: {  	[sflag:s11] =	ssyncset.done $0x0  }
0x1d: {  	[sflag:s11] =	ssyncadd.s32 $0xFFFFD8F0  }
0x1e: {  	_ =	swait.ge [sflag:s12], $0x2780  }
0x1f: {  	[sflag:s12] =	ssyncset.done $0x0  }
0x20: {  	s19 =	simm.s32 $0x0;
	s18 =	simm.s32 $0x40;
	[sflag:s12] =	ssyncadd.s32 $0xFFFFD880  }
.LBB2_4:
0x21: {  	p0 =	sne.s32 s18, $0x9C00;
	v1 =	vld [tilespmem:s19+$0x0];
	_ =	sdelay $0x5  }
0x22: {  	v2 =	vld [tilespmem:s19+$0x2780];
	_ =	sdelay $0x1  }
0x23: {  	v1 =	vld.idx.msk [tilespmem:v1+s9+$0x0], $0xffff;
	_ =	sdelay $0x1  }
.Ltmp1:
0x24: {  	(pc) =	sbr.rel @p0 .LBB2_4-.Ltmp1, $2  }
0x25: {  	_ =	sdelay $0x2  }
0x26: {  	s19 =	sshra.s32 s18, $0x2;
	s18 =	sadd.s32 $0x40, s18;
	[tilespmem:v2+s13+$0x0] =	vst.idx.add.f32.msk $0xffff, v1  }
0x27: {  	v1 =	vld [tilespmem:s19+$0x0];
	_ =	sdelay $0x4  }
0x28: {  	v2 =	vld [tilespmem:s19+$0x2780];
	_ =	sdelay $0x2  }
0x29: {  	v1 =	vld.idx.msk [tilespmem:v1+s9+$0x0], $0xffff;
	_ =	sdelay $0x2  }
0x2a: {  	s17 =	sadd.s32 $0x1, s17  }
0x2b: {  	p0 =	sne.s32 s17, s7  }
.Ltmp2:
0x2c: {  	[tilespmem:v2+s13+$0x0] =	vst.idx.add.f32.msk $0xffff, v1;
	(pc) =	sbr.rel @p0 .LBB2_1-.Ltmp2, $4  }
0x2d: {  	[hbm4b:s6+s14] =	stream.strided.scatter [tilespmem:s13], [sflag:$0x4], $0x2780, s15, s14, $0x38;
	[tilespmem:$0x9E00] =	vst v63  }
0x2e: {  	_ =	swait.ge [sflag:s16], $0x2780  }
0x2f: {  	[sflag:s16] =	ssyncset.done $0x0  }
0x30: {  	[sflag:s16] =	ssyncadd.s32 $0xFFFFD880  }
0x31: {  	_ =	sfence.sel $0x180000  }
0x32: {  	[bflag:$0x0] =	sbarrier.arrive $0xFFFF  }
0x33: {  	p0 =	sne.s32 s0, $0x0;
	_ =	strace $0x9000004D  }
0x34: {  	s0 =	sadd.s32 @!p0 $0x100000, s1;
	[bflag:$0x2] =	sbarrier.arrive $0xFFFF  }
0x35: {  	[sflag:s0] =	ssyncadd.tile.s32 @!p0 $0x1;
	_ =	shalt  }
.Lfunc_end2:
_tile_overlayer_lowered:
.L_overlay_start_2:
0x36: {  	(tag) =	ssettag $0x2  }
0x37: {  	s0 =	rddreg [dreg:$0x0];
	s2 =	stileid.u32  }
0x38: {  	s1 =	rddreg [dreg:$0x1];
	p0 =	sne.s32 s2, $0x0  }
0x39: {  	s3 =	rddreg [dreg:$0x2];
	[bflag:$0x3] =	sbarrier.arrive $0xFFFF;
	s2 =	simm.s32 @!p0 $0x1C04  }
0x3a: {  	[timem:s3], [sflag:s2] =	dma.local @!p0 [hbm:s0], s1  }
0x3b: {  	s0 =	simm.s32 @!p0 $0x4  }
0x3c: {  	_ =	swait.ge @!p0 [sflag:s0], s1  }
0x3d: {  	s1 =	ssub.s32 @!p0 $0x0, s1;
	[sflag:s0] =	ssyncset.done @!p0 $0x0  }
0x3e: {  	[sflag:s0] =	ssyncadd.s32 @!p0 s1  }
0x3f: {  	[bflag:$0x3] =	sbarrier.arrive $0xFFFF  }
0x40: {  	_ =	shalt  }

// kernel: kernel.8.cloned.1.call-start
scs
__scs_entry_jumppad:
0x0: {  	(pc) =	sbr.rel $0x88, $3  }
0x1: {  	(tag) =	ssettag $0x0;
	lr =	simm.s32 $0x1  }
0x2: {  	[smem:$0x3F99] =	sst lr;
	_ =	strace $0xD0000000  }
0x3: {  	_ = 	snop  }
0x4: {  	_ = 	snop  }
0x5: {  	_ = 	snop  }
0x6: {  	_ = 	snop  }
0x7: {  	_ = 	snop  }
__scs_overlays_trampoline_lowered:
0x8: {  	[smem:$0x3FA8] =	sst s0  }
0x9: {  	[smem:$0x3FA9] =	sst s1  }
0xa: {  	[smem:$0x3FAA] =	sst s2  }
0xb: {  	[smem:$0x3FAB] =	sst s3  }
0xc: {  	[smem:$0x3FAC] =	sst s4  }
0xd: {  	[smem:$0x3FAD] =	sst s5  }
0xe: {  	[smem:$0x3FAE] =	sst s6  }
0xf: {  	[smem:$0x3FAF] =	sst s7  }
0x10: {  	[smem:$0x3FB0] =	sst s8  }
0x11: {  	[smem:$0x3FB1] =	sst s9;
	s0 =	simm.s32 @!p0 $0x0  }
0x12: {  	s1 =	sld [smem:$0x3F97];
	s0 =	simm.s32 @p0 $0x1  }
0x13: {  	[smem:$0x3FB2] =	sst s0;
	s0 =	simm.s32 @!p1 $0x0  }
0x14: {  	s2 =	sld [smem:$0x3F96];
	s0 =	simm.s32 @p1 $0x1  }
0x15: {  	[smem:$0x3FB3] =	sst s0;
	s0 =	simm.s32 @!p2 $0x0  }
0x16: {  	s3 =	sld [smem:$0x3FDB];
	s0 =	simm.s32 @p2 $0x1  }
0x17: {  	s4 =	simm.s32 $0x1BF5;
	[smem:$0x3FB5] =	sst s0  }
0x18: {  	s0 =	sld [smem:$0x3F98];
	_ =	swait.ge [sflag:s4], $0x0  }
0x19: {  	s7 =	sld [smem:$0x3F99]  }
0x1a: {  	s8 =	sadd.s32 $0xFFFFE003, lr  }
0x1b: {  	s9 =	sadd.s32 $0xFFFFFEF7, lr;
	s5 =	simm.s32 $0xFFFFFFFF;
	p2 =	slt.u32 s8, $0xFFFFF086  }
0x1c: {  	p1 =	slt.u32 s9, $0xF7A;
	s5 =	simm.s32 @!p2 $0x0  }
0x1d: {  	s5 =	simm.s32 @p1 $0x1;
	p0 =	seq.s32 s7, s2  }
0x1e: {  	s7 =	smul.u32 @!p0 $0xF7A, s2;
	p2 =	seq.s32 @!p0 s5, $0x0  }
0x1f: {  	s9 =	smul.u32 $0xF7A, s1;
	s8 =	simm.s32 @!p0 $0x1BF5;
	p2 =	por !p2, p0  }
0x20: {  	[sflag:s8] =	ssyncset.s32 @!p0 $0xFFFFF086;
	s6 =	sadd.s32 @!p0 s3, s7;
	s7 =	simm.s32 @!p0 $0x108  }
0x21: {  	s3 =	sadd.s32 s3, s9;
	s6 =	sadd.s32 @!p0 $0x88, s6;
	s7 =	simm.s32 @p2 $0x1082  }
0x22: {  	[simem:s7], [sflag:s8] =	dma.local @!p0 [hbm:s6], $0xF7A  }
0x23: {  	s9 =	sor.u32 $0xD0000000, s2;
	s6 =	simm.s32 $0x108;
	_ =	swait.ge @!p0 [sflag:s8], $0x0  }
0x24: {  	s3 =	sadd.s32 $0x88, s3;
	s6 =	simm.s32 @!p1 $0x1082;
	[sflag:s4] =	ssyncset.s32 $0xFFFFF086  }
0x25: {  	[simem:s6], [sflag:s4] =	dma.local [hbm:s3], $0xF7A  }
0x26: {  	[smem:$0x3F99] =	sst s1;
	(tag) =	ssettag s2;
	_ =	strace s9  }
0x27: {  	s1 =	sld [smem:$0x3FA9]  }
0x28: {  	s2 =	sld [smem:$0x3FAA]  }
0x29: {  	s4 =	sld [smem:$0x3FAC]  }
0x2a: {  	p0 =	seq.s32 s5, $0x0;
	s5 =	sld [smem:$0x3FAD]  }
0x2b: {  	s6 =	sld [smem:$0x3FAE]  }
0x2c: {  	s7 =	sld [smem:$0x3FAF]  }
0x2d: {  	s3 =	simm.s32 $0x108;
	s8 =	sld [smem:$0x3FB0]  }
0x2e: {  	s3 =	simm.s32 @!p0 $0x1082;
	s9 =	sld [smem:$0x3FB1]  }
0x2f: {  	lr =	sadd.s32 s0, s3;
	s0 =	sld [smem:$0x3FA8]  }
0x30: {  	s3 =	sld [smem:$0x3FAB]  }
0x31: {  	[smem:$0x3FB4] =	sst s10  }
0x32: {  	s10 =	sld [smem:$0x3FB2];
	_ =	sdelay $0x3  }
0x33: {  	p0 =	seq.s32 s10, $0x1;
	s10 =	sld [smem:$0x3FB4];
	_ =	sdelay $0x3  }
0x34: {  	[smem:$0x3FB4] =	sst s10  }
0x35: {  	s10 =	sld [smem:$0x3FB3];
	_ =	sdelay $0x3  }
0x36: {  	p1 =	seq.s32 s10, $0x1;
	s10 =	sld [smem:$0x3FB4];
	_ =	sdelay $0x3  }
0x37: {  	[smem:$0x3FB4] =	sst s10  }
0x38: {  	s10 =	sld [smem:$0x3FB5]  }
0x39: {  	_ = 	snop;
	(pc) =	sbr.ind lr, $3  }
0x3a: {  	_ = 	snop  }
0x3b: {  	_ = 	snop  }
0x3c: {  	p2 =	seq.s32 s10, $0x1;
	s10 =	sld [smem:$0x3FB4]  }
0x3d: {  	_ =	shalt  }
0x3e: {  	_ =	shalt  }
0x3f: {  	_ =	shalt  }
0x40: {  	_ =	shalt  }
0x41: {  	_ =	shalt  }
0x42: {  	_ =	shalt  }
0x43: {  	_ =	shalt  }
0x44: {  	_ =	shalt  }
0x45: {  	_ =	shalt  }
0x46: {  	_ =	shalt  }
0x47: {  	_ =	shalt  }
0x48: {  	_ =	shalt  }
0x49: {  	_ =	shalt  }
0x4a: {  	_ =	shalt  }
0x4b: {  	_ =	shalt  }
0x4c: {  	_ =	shalt  }
0x4d: {  	_ =	shalt  }
0x4e: {  	_ =	shalt  }
0x4f: {  	_ =	shalt  }
0x50: {  	_ =	shalt  }
0x51: {  	_ =	shalt  }
0x52: {  	_ =	shalt  }
0x53: {  	_ =	shalt  }
0x54: {  	_ =	shalt  }
0x55: {  	_ =	shalt  }
0x56: {  	_ =	shalt  }
0x57: {  	_ =	shalt  }
0x58: {  	_ =	shalt  }
0x59: {  	_ =	shalt  }
0x5a: {  	_ =	shalt  }
0x5b: {  	_ =	shalt  }
0x5c: {  	_ =	shalt  }
0x5d: {  	_ =	shalt  }
0x5e: {  	_ =	shalt  }
0x5f: {  	_ =	shalt  }
0x60: {  	_ =	shalt  }
0x61: {  	_ =	shalt  }
0x62: {  	_ =	shalt  }
0x63: {  	_ =	shalt  }
0x64: {  	_ =	shalt  }
0x65: {  	_ =	shalt  }
0x66: {  	_ =	shalt  }
0x67: {  	_ =	shalt  }
0x68: {  	_ =	shalt  }
0x69: {  	_ =	shalt  }
0x6a: {  	_ =	shalt  }
0x6b: {  	_ =	shalt  }
0x6c: {  	_ =	shalt  }
0x6d: {  	_ =	shalt  }
0x6e: {  	_ =	shalt  }
0x6f: {  	_ =	shalt  }
0x70: {  	_ =	shalt  }
0x71: {  	_ =	shalt  }
0x72: {  	_ =	shalt  }
0x73: {  	_ =	shalt  }
0x74: {  	_ =	shalt  }
0x75: {  	_ =	shalt  }
0x76: {  	_ =	shalt  }
0x77: {  	_ =	shalt  }
0x78: {  	_ =	shalt  }
0x79: {  	_ =	shalt  }
0x7a: {  	_ =	shalt  }
0x7b: {  	_ =	shalt  }
0x7c: {  	_ =	shalt  }
0x7d: {  	_ =	shalt  }
0x7e: {  	_ =	shalt  }
0x7f: {  	_ =	shalt  }
0x80: {  	_ =	shalt  }
0x81: {  	_ =	shalt  }
0x82: {  	_ =	shalt  }
0x83: {  	_ =	shalt  }
0x84: {  	_ =	shalt  }
0x85: {  	_ =	shalt  }
0x86: {  	_ =	shalt  }
0x87: {  	_ =	shalt  }
.Lfunc_end0:
.L_simem_size_0:
called_computation_lowered:
.L_overlay_start_0:
0x88: {  	s2 =	sld [smem:$0x3FD9]  }
0x89: {  	s3 =	sld [smem:$0x3FFE];
	_ =	sdelay $0x1  }
0x8a: {  	s1 =	srdreg.scid  }
0x8b: {  	s0 =	sand.u32 $0x1, s1  }
0x8c: {  	s16 =	sshll.u32 s0, $0xA;
	s2 =	sadd.s32 s3, s2  }
0x8d: {  	s2 =	sadd.s32 s2, s16  }
0x8e: {  	[smem:$0x3FC0] =	sst s2  }
0x8f: {  	_ = 	snop  }
0x90: {  	(tm) =	ssettm $0x1  }
0x91: {  	s17 =	sld [smem:$0x3FFB];
	_ =	sdelay $0x3  }
0x92: {  	_ =	strace s17  }
0x93: {  	s2 =	sld [smem:$0x3FFC];
	_ =	sdelay $0x3  }
0x94: {  	_ =	strace s2  }
0x95: {  	s2 =	sld [smem:$0x3FFD];
	_ =	sdelay $0x3  }
0x96: {  	_ =	strace s2  }
0x97: {  	_ =	strace $0x8FFFFFFF  }
0x98: {  	s18 =	sld [smem:$0x3FDB];
	_ =	sdelay $0x1  }
0x99: {  	s19 =	simm.s32 $_scs_section_size  }
0x9a: {  	s4 =	simm.s32 $_size__tile_overlayer_lowered;
	s5 =	simm.s32 $_tile_overlayer_lowered  }
0x9b: {  	s22 =	simm.s32 $0x1BFF;
	s21 =	sshll.u32 s5, $0x1;
	s2 =	sadd.s32 s19, s18  }
0x9c: {  	s6 =	simm.s32 $0x0;
	s20 =	sshll.u32 s4, $0x1;
	s4 =	sadd.s32 s21, s2  }
0x9d: {  	[timem:s6], [sflag:s22] =	dma.local [hbm:s4], s20  }
0x9e: {  	_ =	swait.ge [sflag:s22], s20  }
0x9f: {  	s3 =	ssub.s32 $0x0, s20;
	[sflag:s22] =	ssyncset.done $0x0  }
0xa0: {  	[sflag:s22] =	ssyncadd.s32 s3;
	_ =	sdelay $0x1  }
0xa1: {  	s23 =	simm.s32 $0x1B8B  }
0xa2: {  	_ =	swait.ge [sflag:s23], $0x1  }
0xa3: {  	[sflag:s23] =	ssyncset.done $0x0  }
0xa4: {  	s25 =	simm.s32 $0x1B8E;
	s24 =	sld [smem:$0x3FFE];
	[sflag:s23] =	ssyncadd.s32 $0xFFFFFFFF  }
0xa5: {  	s26 =	simm.s32 $execute0_lowered;
	[smem:$0x3FD2] =	sst s25  }
0xa6: {  	s4 =	sshll.u32 s26, $0x1;
	_ =	strace $0x80000046;
	[dreg:$0x1] =	wrdreg $0xFFFFFFFF  }
0xa7: {  	s28 =	simm.s32 $_size_execute0_lowered;
	s2 =	sadd.s32 s2, s4;
	[dreg:$0x0] =	wrdreg $0x0  }
0xa8: {  	s4 =	sshll.u32 s28, $0x1;
	[dreg:$0x2] =	wrdreg s2  }
0xa9: {  	[dreg:$0x3] =	wrdreg s4  }
0xaa: {  	[dreg:$0x4] =	wrdreg $0xC0  }
0xab: {  	_ =	task [dreg:s6], $0x5FFFF  }
0xac: {  	[dreg:$0x1] =	wrdreg $0xFFFFFFFF  }
0xad: {  	[dreg:$0x0] =	wrdreg $0x60  }
0xae: {  	[dreg:$0x2] =	wrdreg s24  }
0xaf: {  	[dreg:$0x3] =	wrdreg $0x9  }
0xb0: {  	_ =	task.clear_ibuf [dreg:s6], $0x4FFFF;
	_ =	strace $0x90000046  }
0xb1: {  	s29 =	simm.s32 $0x9;
	_ =	strace $0x80000048  }
0xb2: {  	_ =	swait.ge [sflag:s29], $0x1  }
0xb3: {  	[sflag:s29] =	ssyncadd.s32 $0xFFFFFFFF  }
0xb4: {  	_ =	strace $0x90000048  }
0xb5: {  	_ =	sfence  }
0xb6: {  	s30 =	sld [smem:$0x0];
	_ =	sdelay $0x2  }
0xb7: {  	s31 =	sshll.u32 s1, $0xD;
	s1 =	sshrl.u32 s1, $0x2  }
0xb8: {  	s3 =	sand.u32 $0x4000, s31;
	s1 =	sadd.s32 s1, s30  }
0xb9: {  	s0 =	sor.u32 s3, s0;
	s1 =	sshll.u32 s1, $0x11  }
0xba: {  	s0 =	sor.u32 s1, s0  }
0xbb: {  	s0 =	sadd.s32 $0x8F2B, s0  }
0xbc: {  	[sflag:s0] =	ssyncadd.remote.s32 $0x1  }
0xbd: {  	_ =	sfence.sel $0xFFFF  }
0xbe: {  	[dreg:$0x0] =	wrdreg $0xFFFFFFFF;
	(pc) =	sbr.abs _section_cstart, $3  }
0xbf: {  	[dreg:$0x1] =	wrdreg $0xFFFFFFFF  }
0xc0: {  	_ =	task.clear_ibuf [dreg:s6], $0x2FFFF;
	_ =	strace $0x9FFFFFFF  }
0xc1: {  	(tm) =	ssettm $0x7FFFFFFF  }
tec
execute0_lowered:
.L_overlay_start_1:
0x0: {  	(tag) =	ssettag $0x1  }
0x1: {  	s0 =	srdreg.scid;
	s4 =	rddreg [dreg:$0x0]  }
0x2: {  	s2 =	simm.s32 $0x0;
	s9 =	simm.s32 $0x1;
	s10 =	simm.s32 $0x2  }
0x3: {  	s11 =	simm.s32 $0x4F00;
	s12 =	simm.s32 $0x7680;
	s3 =	sand.u32 $0x1, s0  }
0x4: {  	s13 =	simm.s32 $0x80;
	s0 =	stileid.u32;
	s1 =	sshll.u32 s3, $0x4  }
0x5: {  	s14 =	simm.s32 $0x100;
	s15 =	simm.s32 $0x3;
	s5 =	sor.u32 s0, s1  }
0x6: {  	s16 =	simm.s32 $0x0;
	[smem:$0x7FF] =	sst s2;
	s6 =	smul.u32 $0x2710, s5  }
0x7: {  	s3 =	ssub.s32 $0x2, s3;
	s1 =	rddreg [dreg:$0x1];
	s5 =	smul.u32 $0x9E0, s5  }
0x8: {  	_ =	strace $0x80000047;
	s31 =	sshrl.u32 s3, $0x1;
	s6 =	sshrl.u32 s6, $0x3  }
0x9: {  	s8 =	ssub.s32 s3, s31;
	s7 =	sadd.s32 s5, s4;
	s6 =	sadd.s32 s6, s4  }
0xa: {  	s5 =	sadd.s32 $0x16200, s7;
	s3 =	sadd.s32 $0x2800, s6;
	s4 =	sadd.s32 $0xC440, s6  }
0xb: {  	v0 =	vimm.f32 $0.0e+00;
	v1 =	vimm.f32 $1.000000000e+00;
	s6 =	sadd.s32 $0x16210, s7;
	s7 =	smax.u32 s8, $0x1;
	s8 =	simm.s32 $0x2780  }
.LBB2_1:
0xc: {  	[tilespmem:s2], [sflag:$0x1] =	stream.linear.gather [hbm4b:s3+s2], $0x2710, $0x38;
	[tilespmem:$0x9E00] =	vst v63  }
0xd: {  	s17 =	simm.s32 $0x40;
	s18 =	simm.s32 $0x0  }
0xe: {  	[tilespmem:s8], [sflag:$0x2] =	stream.linear.gather [hbm4b:s4+s2], $0x2710, $0x38;
	[tilespmem:$0x9E00] =	vst v63  }
.LBB2_2:
0xf: {  	p0 =	sne.s32 s17, $0x9C00;
	[tilespmem:s18+$0x4F00] =	vst v0;
	s19 =	smov.u32 s17;
	s17 =	sadd.s32 $0x40, s17  }
.Ltmp0:
0x10: {  	[tilespmem:s18+$0x7680] =	vst v0;
	(pc) =	sbr.rel @p0 .LBB2_2-.Ltmp0, $2  }
0x11: {  	_ =	sdelay $0x2  }
0x12: {  	s18 =	sshra.s32 s19, $0x2  }
0x13: {  	[tilespmem:s18+$0x4F00] =	vst v0  }
0x14: {  	[tilespmem:s18+$0x7680] =	vst v0  }
0x15: {  	_ =	swait.ge [sflag:s9], $0x2710  }
0x16: {  	[sflag:s9] =	ssyncset.done $0x0  }
0x17: {  	[sflag:s9] =	ssyncadd.s32 $0xFFFFD8F0  }
0x18: {  	_ =	swait.ge [sflag:s10], $0x2710  }
0x19: {  	[sflag:s10] =	ssyncset.done $0x0  }
0x1a: {  	s18 =	simm.s32 $0x0;
	s17 =	simm.s32 $0x40;
	[sflag:s10] =	ssyncadd.s32 $0xFFFFD8F0  }
.LBB2_4:
0x1b: {  	p0 =	sne.s32 s17, $0x9C00;
	v2 =	vld [tilespmem:s18+$0x0];
	_ =	sdelay $0x7  }
0x1c: {  	[tilespmem:v2+s11+$0x0] =	vst.idx.add.f32.msk $0xffff, v1  }
0x1d: {  	v2 =	vld [tilespmem:s18+$0x2780];
	_ =	sdelay $0x3  }
.Ltmp1:
0x1e: {  	(pc) =	sbr.rel @p0 .LBB2_4-.Ltmp1, $2  }
0x1f: {  	_ =	sdelay $0x2  }
0x20: {  	s18 =	sshra.s32 s17, $0x2;
	s17 =	sadd.s32 $0x40, s17;
	[tilespmem:v2+s12+$0x0] =	vst.idx.add.f32.msk $0xffff, v1  }
0x21: {  	v2 =	vld [tilespmem:s18+$0x0];
	_ =	sdelay $0x7  }
0x22: {  	[tilespmem:v2+s11+$0x0] =	vst.idx.add.f32.msk $0xffff, v1  }
0x23: {  	v2 =	vld [tilespmem:s18+$0x2780];
	_ =	sdelay $0x7  }
0x24: {  	[tilespmem:v2+s12+$0x0] =	vst.idx.add.f32.msk $0xffff, v1  }
0x25: {  	[hbm4b:s5+s13] =	stream.strided.scatter [tilespmem:s11], [sflag:$0x3], $0x2780, s14, s13, $0x38;
	[tilespmem:$0x9E00] =	vst v63  }
0x26: {  	s16 =	sadd.s32 $0x1, s16;
	_ =	swait.ge [sflag:s15], $0x2780  }
0x27: {  	p0 =	sne.s32 s16, s7;
	[sflag:s15] =	ssyncset.done $0x0  }
.Ltmp2:
0x28: {  	[sflag:s15] =	ssyncadd.s32 $0xFFFFD880;
	(pc) =	sbr.rel @p0 .LBB2_1-.Ltmp2, $4  }
0x29: {  	[hbm4b:s6+s13] =	stream.strided.scatter [tilespmem:s12], [sflag:$0x3], $0x2780, s14, s13, $0x38;
	[tilespmem:$0x9E00] =	vst v63  }
0x2a: {  	_ =	swait.ge [sflag:s15], $0x2780  }
0x2b: {  	[sflag:s15] =	ssyncset.done $0x0  }
0x2c: {  	[sflag:s15] =	ssyncadd.s32 $0xFFFFD880  }
0x2d: {  	_ =	sfence.sel $0x180000  }
0x2e: {  	[bflag:$0x0] =	sbarrier.arrive $0xFFFF  }
0x2f: {  	p0 =	sne.s32 s0, $0x0;
	_ =	strace $0x90000047  }
0x30: {  	s0 =	sadd.s32 @!p0 $0x100000, s1;
	[bflag:$0x2] =	sbarrier.arrive $0xFFFF  }
0x31: {  	[sflag:s0] =	ssyncadd.tile.s32 @!p0 $0x1;
	_ =	shalt  }
.Lfunc_end2:
_tile_overlayer_lowered:
.L_overlay_start_2:
0x32: {  	(tag) =	ssettag $0x2  }
0x33: {  	s0 =	rddreg [dreg:$0x0];
	s2 =	stileid.u32  }
0x34: {  	s1 =	rddreg [dreg:$0x1];
	p0 =	sne.s32 s2, $0x0  }
0x35: {  	s3 =	rddreg [dreg:$0x2];
	[bflag:$0x3] =	sbarrier.arrive $0xFFFF;
	s2 =	simm.s32 @!p0 $0x1C03  }
0x36: {  	[timem:s3], [sflag:s2] =	dma.local @!p0 [hbm:s0], s1  }
0x37: {  	s0 =	simm.s32 @!p0 $0x3  }
0x38: {  	_ =	swait.ge @!p0 [sflag:s0], s1  }
0x39: {  	s1 =	ssub.s32 @!p0 $0x0, s1;
	[sflag:s0] =	ssyncset.done @!p0 $0x0  }
0x3a: {  	[sflag:s0] =	ssyncadd.s32 @!p0 s1  }
0x3b: {  	[bflag:$0x3] =	sbarrier.arrive $0xFFFF  }
0x3c: {  	_ =	shalt  }

</sc_bundles>
